<compile_context>
chip_gen: v7x
topology: tpu7x:2x2x1
jax: 0.10.2.dev20260603
libtpu: 0.0.44.dev20260713+nightly
codegen_flags: <defaults>
</compile_context>

<pallas_src>
import functools

import jax
import jax.numpy as jnp
from jax import lax
from jax.experimental import pallas as pl
from jax.experimental.pallas import tpu as pltpu
from jax.experimental.pallas import tpu_sc as plsc

N = 10000
NPAD = 10240
E = 160000
FH = 128
NSUB = 16
NCORE = 2
K = 128
EPT = E // NSUB
NCHUNK = EPT // K
TAIL = EPT - NCHUNK * K
NPR = NPAD // NSUB


@functools.cache
def _get_sc_aggregate():
    mesh = plsc.VectorSubcoreMesh(core_axis_name="c", subcore_axis_name="s",
                                  num_cores=NCORE, num_subcores=NSUB)

    @functools.partial(
        pl.kernel,
        out_type=[
            jax.ShapeDtypeStruct((NCORE, NPAD, FH), jnp.float32),
            jax.ShapeDtypeStruct((NPAD,), jnp.float32),
        ],
        mesh=mesh,
        scratch_types=[
            pltpu.VMEM((2, K), jnp.int32),
            pltpu.VMEM((2, K), jnp.int32),
            pltpu.VMEM((2, K, FH), jnp.float32),
            pltpu.VMEM((16,), jnp.int32),
            pltpu.VMEM((16,), jnp.int32),
            pltpu.VMEM((K,), jnp.float32),
            pltpu.VMEM((NPR,), jnp.float32),
            pltpu.VMEM_SHARED((NPAD, FH), jnp.float32),
            pltpu.VMEM_SHARED((NPAD,), jnp.float32),
        ] + [pltpu.SemaphoreType.DMA] * 8,
    )
    def _sc_aggregate(h_hbm, src_hbm, dst_hbm, sums_hbm, deg_hbm,
                      srcadj_v, dstb_v, rows_v, tsrc_v, tdst_v, ones_v,
                      zdeg_v, acc_sh, deg_sh, *sems):
        c = lax.axis_index("c")
        s = lax.axis_index("s")
        gsems = sems[0:2]
        ssems = sems[2:4]
        xsems = sems[4:6]
        dxsems = sems[6:8]

        def _zrow(i, carry):
            for j in range(FH // 16):
                rows_v[0, i, pl.ds(j * 16, 16)] = jnp.zeros((16,), jnp.float32)
            return carry
        lax.fori_loop(0, K, _zrow, 0)
        for j in range(K // 16):
            ones_v[pl.ds(j * 16, 16)] = jnp.ones((16,), jnp.float32)

        def _zdeg(i, carry):
            zdeg_v[pl.ds(i * 16, 16)] = jnp.zeros((16,), jnp.float32)
            return carry
        lax.fori_loop(0, NPR // 16, _zdeg, 0)

        for r in range(NPR // K):
            pltpu.async_copy(rows_v.at[0],
                             acc_sh.at[pl.ds(s * NPR + r * K, K), :],
                             gsems[0])
        for r in range(NPR // K):
            pltpu.make_async_copy(rows_v.at[0],
                                  acc_sh.at[pl.ds(s * NPR + r * K, K), :],
                                  gsems[0]).wait()
        pltpu.sync_copy(zdeg_v, deg_sh.at[pl.ds(s * NPR, NPR)])
        plsc.subcore_barrier()

        coff = c * NPAD

        def _adjust(b):
            for j in range(K // 16):
                srcadj_v[b, pl.ds(j * 16, 16)] = (
                    srcadj_v[b, pl.ds(j * 16, 16)] + coff)

        def _gather_start(b):
            pltpu.async_copy(h_hbm.at[srcadj_v.at[b]], rows_v.at[b], gsems[b])

        def _gather_wait(b):
            pltpu.make_async_copy(h_hbm.at[srcadj_v.at[b]], rows_v.at[b],
                                  gsems[b]).wait()

        def _srcidx_start(i, b):
            pltpu.async_copy(src_hbm.at[pl.ds(s * EPT + i * K, K)],
                             srcadj_v.at[b], xsems[b])

        def _srcidx_wait(i, b):
            pltpu.make_async_copy(src_hbm.at[pl.ds(s * EPT + i * K, K)],
                                  srcadj_v.at[b], xsems[b]).wait()

        def _dstidx_start(i, b):
            pltpu.async_copy(dst_hbm.at[pl.ds(s * EPT + i * K, K)],
                             dstb_v.at[b], dxsems[b])

        def _dstidx_wait(i, b):
            pltpu.make_async_copy(dst_hbm.at[pl.ds(s * EPT + i * K, K)],
                                  dstb_v.at[b], dxsems[b]).wait()

        for b in (0, 1):
            _srcidx_start(b, b)
            _dstidx_start(b, b)
            _srcidx_wait(b, b)
            _adjust(b)
            _gather_start(b)

        def _consume(i, b, nxt):
            _gather_wait(b)
            _dstidx_wait(i, b)
            sc = pltpu.async_copy(rows_v.at[b], acc_sh.at[dstb_v.at[b]],
                                  ssems[b], add=True)
            dg = pltpu.async_copy(ones_v, deg_sh.at[dstb_v.at[b]],
                                  ssems[b], add=True)
            if nxt:
                _srcidx_start(i + 2, b)
                _srcidx_wait(i + 2, b)
                _adjust(b)
            sc.wait()
            dg.wait()
            if nxt:
                _dstidx_start(i + 2, b)
                _gather_start(b)

        def _pair(p, carry):
            _consume(2 * p, 0, True)
            _consume(2 * p + 1, 1, True)
            return carry
        lax.fori_loop(0, NCHUNK // 2 - 1, _pair, 0)
        _consume(NCHUNK - 2, 0, False)
        _consume(NCHUNK - 1, 1, False)

        toff = s * EPT + NCHUNK * K
        pltpu.sync_copy(src_hbm.at[pl.ds(toff, TAIL)], tsrc_v)
        pltpu.sync_copy(dst_hbm.at[pl.ds(toff, TAIL)], tdst_v)
        tsrc_v[...] = tsrc_v[...] + coff
        pltpu.async_copy(h_hbm.at[tsrc_v], rows_v.at[0, pl.ds(0, TAIL)],
                         gsems[0]).wait()
        pltpu.sync_copy(rows_v.at[0, pl.ds(0, TAIL)], acc_sh.at[tdst_v],
                        add=True)
        pltpu.sync_copy(ones_v.at[pl.ds(0, TAIL)], deg_sh.at[tdst_v],
                        add=True)
        plsc.subcore_barrier()

        def _wb_out(r, b):
            return pltpu.make_async_copy(
                rows_v.at[b],
                sums_hbm.at[c, pl.ds(s * NPR + r * K, K), :], ssems[b])

        for r in range(NPR // K):
            b = r % 2
            if r >= 2:
                _wb_out(r - 2, b).wait()
            pltpu.async_copy(acc_sh.at[pl.ds(s * NPR + r * K, K), :],
                             rows_v.at[b], gsems[b]).wait()
            pltpu.async_copy(rows_v.at[b],
                             sums_hbm.at[c, pl.ds(s * NPR + r * K, K), :],
                             ssems[b])
        _wb_out(NPR // K - 2, (NPR // K - 2) % 2).wait()
        _wb_out(NPR // K - 1, (NPR // K - 1) % 2).wait()

        @pl.when(c == 0)
        def _():
            pltpu.sync_copy(deg_sh.at[pl.ds(s * NPR, NPR)], zdeg_v)
            pltpu.sync_copy(zdeg_v, deg_hbm.at[pl.ds(s * NPR, NPR)])

    return _sc_aggregate



_BM = 2560


def _pre_body(x_ref, out_ref):
    h = jnp.log(x_ref[...] + 1.0)
    out_ref[0] = h[:, :FH]
    out_ref[1] = h[:, FH:]


def _tc_pre(x):
    return pl.pallas_call(
        _pre_body,
        grid=(NPAD // _BM,),
        in_specs=[pl.BlockSpec((_BM, 2 * FH), lambda i: (i, 0))],
        out_specs=pl.BlockSpec((2, _BM, FH), lambda i: (0, i, 0)),
        out_shape=jax.ShapeDtypeStruct((2, NPAD, FH), jnp.float32),
    )(x)


def _dot(a, b):
    return jnp.dot(a, b, preferred_element_type=jnp.float32)


def _self_body(h_ref, Ws_ref, b_ref, out_ref):
    out = _dot(h_ref[0], Ws_ref[0]) + _dot(h_ref[1], Ws_ref[1]) + b_ref[...]
    out_ref[0] = out[:, :FH]
    out_ref[1] = out[:, FH:]


def _tc_self(h, Ws, b):
    return pl.pallas_call(
        _self_body,
        grid=(NPAD // _BM,),
        in_specs=[
            pl.BlockSpec((2, _BM, FH), lambda i: (0, i, 0)),
            pl.BlockSpec((2, FH, 2 * FH), lambda i: (0, 0, 0)),
            pl.BlockSpec((1, 2 * FH), lambda i: (0, 0)),
        ],
        out_specs=pl.BlockSpec((2, _BM, FH), lambda i: (0, i, 0)),
        out_shape=jax.ShapeDtypeStruct((2, NPAD, FH), jnp.float32),
    )(h, Ws, b)


def _combine_body(sf_ref, s_ref, deg_ref, Wn_ref, out_ref):
    inv = 1.0 / jnp.maximum(deg_ref[...], 1.0)
    out = (jnp.concatenate([sf_ref[0], sf_ref[1]], axis=1)
           + _dot(s_ref[0] * inv, Wn_ref[0]) + _dot(s_ref[1] * inv, Wn_ref[1]))
    out = jnp.maximum(out, 0.0)
    nrm = jnp.sqrt(jnp.sum(out * out, axis=1, keepdims=True))
    out = out / jnp.maximum(nrm, 1e-12)
    out_ref[0] = out[:, :FH]
    out_ref[1] = out[:, FH:]


def _tc_combine(sf, sums, deg2d, Wn):
    return pl.pallas_call(
        _combine_body,
        grid=(NPAD // _BM,),
        in_specs=[
            pl.BlockSpec((2, _BM, FH), lambda i: (0, i, 0)),
            pl.BlockSpec((2, _BM, FH), lambda i: (0, i, 0)),
            pl.BlockSpec((_BM, 1), lambda i: (i, 0)),
            pl.BlockSpec((2, FH, 2 * FH), lambda i: (0, 0, 0)),
        ],
        out_specs=pl.BlockSpec((2, _BM, FH), lambda i: (0, i, 0)),
        out_shape=jax.ShapeDtypeStruct((2, NPAD, FH), jnp.float32),
    )(sf, sums, deg2d, Wn)


def _head_body(h_ref,
               Wmv_ref, bmv_ref,
               Wd1_ref, bd1_ref, Wd2_ref, bd2_ref,
               Wr_ref, br_ref, Wsd_ref, bsd_ref,
               zloc_ref, zscale_ref, pxs_ref, pxr_ref, pxl_ref):
    L = zloc_ref.shape[1]
    C = pxs_ref.shape[1]
    h2 = jnp.concatenate([h_ref[0], h_ref[1]], axis=1)
    z = _dot(h2, Wmv_ref[...]) + bmv_ref[...]
    z_loc = z[:, :L]
    zloc_ref[...] = z_loc
    zscale_ref[...] = jnp.exp(z[:, L:]) + 1e-6
    px = jnp.maximum(_dot(z_loc, Wd1_ref[...]) + bd1_ref[...], 0.0)
    px = jnp.maximum(_dot(px, Wd2_ref[...]) + bd2_ref[...], 0.0)
    pxr_ref[...] = _dot(px, Wr_ref[...]) + br_ref[...]
    t = _dot(px, Wsd_ref[...]) + bsd_ref[...]
    ts = t[:, :C] - jnp.max(t[:, :C], axis=1, keepdims=True)
    e = jnp.exp(ts)
    pxs_ref[...] = e / jnp.sum(e, axis=1, keepdims=True)
    pxl_ref[...] = t[:, C:C + 1]


def _full_spec(shape):
    nd = len(shape)
    return pl.BlockSpec(shape, lambda i, _nd=nd: (0,) * _nd)


def _tc_head(h, W_mu, b_mu, W_var, b_var,
             Wd1, bd1, Wd2, bd2, W_scale, b_scale, W_r, b_r, W_do, b_do):
    L = W_mu.shape[1]
    C = W_scale.shape[1]
    F = W_r.shape[1]
    Wmv = jnp.concatenate([W_mu, W_var], axis=1)
    bmv = jnp.concatenate([b_mu, b_var]).reshape(1, 2 * L)
    Wsd = jnp.concatenate([W_scale, W_do], axis=1)
    bsd = jnp.concatenate([b_scale, b_do]).reshape(1, C + 1)
    return pl.pallas_call(
        _head_body,
        grid=(NPAD // _BM,),
        in_specs=[
            pl.BlockSpec((2, _BM, FH), lambda i: (0, i, 0)),
            _full_spec(Wmv.shape), _full_spec((1, 2 * L)),
            _full_spec(Wd1.shape), _full_spec((1, 2 * FH)),
            _full_spec(Wd2.shape), _full_spec((1, 2 * FH)),
            _full_spec(W_r.shape), _full_spec((1, F)),
            _full_spec(Wsd.shape), _full_spec((1, C + 1)),
        ],
        out_specs=[
            pl.BlockSpec((_BM, L), lambda i: (i, 0)),
            pl.BlockSpec((_BM, L), lambda i: (i, 0)),
            pl.BlockSpec((_BM, C), lambda i: (i, 0)),
            pl.BlockSpec((_BM, F), lambda i: (i, 0)),
            pl.BlockSpec((_BM, 1), lambda i: (i, 0)),
        ],
        out_shape=[
            jax.ShapeDtypeStruct((N, L), jnp.float32),
            jax.ShapeDtypeStruct((N, L), jnp.float32),
            jax.ShapeDtypeStruct((N, C), jnp.float32),
            jax.ShapeDtypeStruct((N, F), jnp.float32),
            jax.ShapeDtypeStruct((N, 1), jnp.float32),
        ],
    )(h, Wmv, bmv, Wd1, bd1.reshape(1, -1),
      Wd2, bd2.reshape(1, -1), W_r, b_r.reshape(1, F), Wsd, bsd)


def kernel(x, edge_index, Ws0, Wn0, b0, Ws1, Wn1, b1, W_mu, b_mu, W_var,
           b_var, Wd1, bd1, Wd2, bd2, W_scale, b_scale, W_r, b_r, W_do, b_do):
    src = edge_index[0]
    dst = edge_index[1]
    sc_aggregate = _get_sc_aggregate()

    h0 = _tc_pre(x)

    Wss = jnp.stack([Ws0.reshape(2, FH, 2 * FH), Ws1.reshape(2, FH, 2 * FH)])
    Wns = jnp.stack([Wn0.reshape(2, FH, 2 * FH), Wn1.reshape(2, FH, 2 * FH)])
    bs = jnp.stack([b0.reshape(1, 2 * FH), b1.reshape(1, 2 * FH)])

    def _scan_body(h, wk):
        Ws, Wn, b = wk
        sums, deg = sc_aggregate(h.reshape(2 * NPAD, FH), src, dst)
        sf = _tc_self(h, Ws, b)
        h_new = _tc_combine(sf, sums, deg.reshape(NPAD, 1), Wn)
        return h_new, None

    h2, _ = lax.scan(_scan_body, h0, (Wss, Wns, bs))
    return _tc_head(
        h2, W_mu, b_mu, W_var, b_var, Wd1, bd1, Wd2, bd2,
        W_scale, b_scale, W_r, b_r, W_do, b_do)

# --- scband reference (transcript-rebuilt; emitter-appended) ---
"""Pipeline reference for scband-sage-74775380623961 (READ-ONLY COPY).

The authoritative reference and input builder live on the scoring server;
editing this copy changes nothing except your own understanding.
"""

import jax, jax.numpy as jnp
import numpy as np

N = 10000
E = 160000
F_IN = 256
H = 256
L = 64
C = 32

def setup_inputs(seed: int = 0):
    key = jax.random.key(seed)
    ks = jax.random.split(key, 24)
    x = jax.random.uniform(ks[0], (N, F_IN), dtype=jnp.float32) * 5.0
    edge_index = jax.random.randint(ks[1], (2, E), 0, N, dtype=jnp.int32)
    s = 0.05
    inp = {
        'x': x,
        'edge_index': edge_index,
        'Ws0': jax.random.normal(ks[2], (F_IN, H), jnp.float32) * s,
        'Wn0': jax.random.normal(ks[3], (F_IN, H), jnp.float32) * s,
        'b0': jnp.zeros((H,), jnp.float32),
        'Ws1': jax.random.normal(ks[4], (H, H), jnp.float32) * s,
        'Wn1': jax.random.normal(ks[5], (H, H), jnp.float32) * s,
        'b1': jnp.zeros((H,), jnp.float32),
        'W_mu': jax.random.normal(ks[6], (H, L), jnp.float32) * s,
        'b_mu': jnp.zeros((L,), jnp.float32),
        'W_var': jax.random.normal(ks[7], (H, L), jnp.float32) * s,
        'b_var': jnp.zeros((L,), jnp.float32),
        'Wd1': jax.random.normal(ks[8], (L, H), jnp.float32) * s,
        'bd1': jnp.zeros((H,), jnp.float32),
        'Wd2': jax.random.normal(ks[9], (H, H), jnp.float32) * s,
        'bd2': jnp.zeros((H,), jnp.float32),
        'W_scale': jax.random.normal(ks[10], (H, C), jnp.float32) * s,
        'b_scale': jnp.zeros((C,), jnp.float32),
        'W_r': jax.random.normal(ks[11], (H, F_IN), jnp.float32) * s,
        'b_r': jnp.zeros((F_IN,), jnp.float32),
        'W_do': jax.random.normal(ks[12], (H, 1), jnp.float32) * s,
        'b_do': jnp.zeros((1,), jnp.float32),
    }
    return inp

def _sage_layer(h, src, dst, n, Ws, Wn, b):
    # DGL SAGEConv (mean aggregator): fc_self(h) + fc_neigh(mean_{j in N(i)} h_j), relu, L2-norm
    deg = jnp.zeros((n,), h.dtype).at[dst].add(1.0)
    neigh = jnp.zeros((n, h.shape[1]), h.dtype).at[dst].add(h[src])
    neigh = neigh / jnp.maximum(deg, 1.0)[:, None]
    out = h @ Ws + neigh @ Wn + b
    out = jax.nn.relu(out)
    nrm = jnp.linalg.norm(out, axis=-1, keepdims=True)
    return out / jnp.maximum(nrm, 1e-12)

def reference(x, edge_index, Ws0, Wn0, b0, Ws1, Wn1, b1, W_mu, b_mu, W_var, b_var, Wd1, bd1, Wd2, bd2, W_scale, b_scale, W_r, b_r, W_do, b_do):
    src = edge_index[0]
    dst = edge_index[1]
    n = x.shape[0]
    # Encoder (GraphSAGE): h = log(x+1), 2 SAGEConv layers, gaussian heads
    h = jnp.log(x + 1.0)
    h = _sage_layer(h, src, dst, n, Ws0, Wn0, b0)
    h = _sage_layer(h, src, dst, n, Ws1, Wn1, b1)
    z_loc = h @ W_mu + b_mu
    z_scale = jnp.exp(h @ W_var + b_var) + 1e-06
    # Decoder on z_loc (deterministic latent for reference)
    px = jax.nn.relu(z_loc @ Wd1 + bd1)
    px = jax.nn.relu(px @ Wd2 + bd2)
    px_scale = jax.nn.softmax(px @ W_scale + b_scale, axis=-1)
    px_r = px @ W_r + b_r
    px_l = px @ W_do + b_do
    return (z_loc, z_scale, px_scale, px_r, px_l)

if __name__ == "__main__":
    import jax
    _d = setup_inputs()
    print(jax.jit(kernel)(*tuple(_d.values())))

</pallas_src>

<mosaic_0001>
#map = affine_map<(d0, d1) -> (0, 0)>
#map1 = affine_map<(d0, d1) -> (0)>
#map2 = affine_map<(d0, d1) -> (0, 0, 0)>
module attributes {stable_mosaic.version = 14 : i64} {
  func.func @_sc_aggregate(%arg0: i32, %arg1: i32, %arg2: memref<20480x128xf32, #tpu.memory_space<hbm>>, %arg3: memref<160000xi32, #tpu.memory_space<hbm>>, %arg4: memref<160000xi32, #tpu.memory_space<hbm>>, %arg5: memref<2x10240x128xf32, #tpu.memory_space<hbm>>, %arg6: memref<10240xf32, #tpu.memory_space<hbm>>, %arg7: memref<2x128xi32, #tpu.memory_space<vmem>>, %arg8: memref<2x128xi32, #tpu.memory_space<vmem>>, %arg9: memref<2x128x128xf32, #tpu.memory_space<vmem>>, %arg10: memref<16xi32, #tpu.memory_space<vmem>>, %arg11: memref<16xi32, #tpu.memory_space<vmem>>, %arg12: memref<128xf32, #tpu.memory_space<vmem>>, %arg13: memref<640xf32, #tpu.memory_space<vmem>>, %arg14: memref<10240x128xf32, #tpu.memory_space<vmem_shared>>, %arg15: memref<10240xf32, #tpu.memory_space<vmem_shared>>, %arg16: memref<!tpu.dma_semaphore, #tpu.memory_space<semaphore_mem>>, %arg17: memref<!tpu.dma_semaphore, #tpu.memory_space<semaphore_mem>>, %arg18: memref<!tpu.dma_semaphore, #tpu.memory_space<semaphore_mem>>, %arg19: memref<!tpu.dma_semaphore, #tpu.memory_space<semaphore_mem>>, %arg20: memref<!tpu.dma_semaphore, #tpu.memory_space<semaphore_mem>>, %arg21: memref<!tpu.dma_semaphore, #tpu.memory_space<semaphore_mem>>, %arg22: memref<!tpu.dma_semaphore, #tpu.memory_space<semaphore_mem>>, %arg23: memref<!tpu.dma_semaphore, #tpu.memory_space<semaphore_mem>>) attributes {dimension_semantics = [#tpu.dimension_semantics<core_parallel>, #tpu.dimension_semantics<subcore_parallel>], iteration_bounds = array<i64: 2, 16>, scalar_prefetch = 0 : i64, scratch_operands = 17 : i64, tpu.core_type = #tpu.core_type<sc_vector_subcore>, window_params = [{transform_indices = #map}, {transform_indices = #map1}, {transform_indices = #map1}, {transform_indices = #map2}, {transform_indices = #map1}]} {
    %scan3A = arith.constant 0 : i32
    %scan3A_0 = arith.constant 0 : i32
    %scan3A_1 = arith.constant 128 : i32
    %scan3A_2 = arith.addi %scan3A_0, %scan3A_1 : i32
    %scan3A_3 = arith.constant 1 : i32
    scf.for %scan3A_1036 = %scan3A_0 to %scan3A_2 step %scan3A_3  : i32 {
      %broadcast_in_dim3A_1037 = arith.constant 0.000000e+00 : f32
      %broadcast_in_dim3A_1038 = vector.broadcast %broadcast_in_dim3A_1037 : f32 to vector<16xf32>
      %swap3A_1039 = arith.constant 0 : i32
      %swap3A_1040 = arith.index_cast %swap3A_1039 : i32 to index
      %swap3A_1041 = arith.index_cast %scan3A_1036 : i32 to index
      %swap3A_1042 = arith.constant 0 : index
      %swap3A_1043 = tpu.vector_load %arg9[%swap3A_1040, %swap3A_1041, %swap3A_1042] {strides = array<i32>} : memref<2x128x128xf32, #tpu.memory_space<vmem>>, vector<1x1x16xf32>,
      %swap3A_1044 = vector.shape_cast %swap3A_1043 : vector<1x1x16xf32> to vector<16xf32>
      %swap3A_1045 = vector.shape_cast %broadcast_in_dim3A_1038 : vector<16xf32> to vector<1x1x16xf32>
      tpu.vector_store %arg9[%swap3A_1040, %swap3A_1041, %swap3A_1042], %swap3A_1045 {strides = array<i32>} : memref<2x128x128xf32, #tpu.memory_space<vmem>>, vector<1x1x16xf32>,
      %broadcast_in_dim3A_1046 = arith.constant 0.000000e+00 : f32
      %broadcast_in_dim3A_1047 = vector.broadcast %broadcast_in_dim3A_1046 : f32 to vector<16xf32>
      %swap3A_1048 = arith.constant 0 : i32
      %swap3A_1049 = arith.index_cast %swap3A_1048 : i32 to index
      %swap3A_1050 = arith.index_cast %scan3A_1036 : i32 to index
      %swap3A_1051 = arith.constant 16 : index
      %swap3A_1052 = tpu.vector_load %arg9[%swap3A_1049, %swap3A_1050, %swap3A_1051] {strides = array<i32>} : memref<2x128x128xf32, #tpu.memory_space<vmem>>, vector<1x1x16xf32>,
      %swap3A_1053 = vector.shape_cast %swap3A_1052 : vector<1x1x16xf32> to vector<16xf32>
      %swap3A_1054 = vector.shape_cast %broadcast_in_dim3A_1047 : vector<16xf32> to vector<1x1x16xf32>
      tpu.vector_store %arg9[%swap3A_1049, %swap3A_1050, %swap3A_1051], %swap3A_1054 {strides = array<i32>} : memref<2x128x128xf32, #tpu.memory_space<vmem>>, vector<1x1x16xf32>,
      %broadcast_in_dim3A_1055 = arith.constant 0.000000e+00 : f32
      %broadcast_in_dim3A_1056 = vector.broadcast %broadcast_in_dim3A_1055 : f32 to vector<16xf32>
      %swap3A_1057 = arith.constant 0 : i32
      %swap3A_1058 = arith.index_cast %swap3A_1057 : i32 to index
      %swap3A_1059 = arith.index_cast %scan3A_1036 : i32 to index
      %swap3A_1060 = arith.constant 32 : index
      %swap3A_1061 = tpu.vector_load %arg9[%swap3A_1058, %swap3A_1059, %swap3A_1060] {strides = array<i32>} : memref<2x128x128xf32, #tpu.memory_space<vmem>>, vector<1x1x16xf32>,
      %swap3A_1062 = vector.shape_cast %swap3A_1061 : vector<1x1x16xf32> to vector<16xf32>
      %swap3A_1063 = vector.shape_cast %broadcast_in_dim3A_1056 : vector<16xf32> to vector<1x1x16xf32>
      tpu.vector_store %arg9[%swap3A_1058, %swap3A_1059, %swap3A_1060], %swap3A_1063 {strides = array<i32>} : memref<2x128x128xf32, #tpu.memory_space<vmem>>, vector<1x1x16xf32>,
      %broadcast_in_dim3A_1064 = arith.constant 0.000000e+00 : f32
      %broadcast_in_dim3A_1065 = vector.broadcast %broadcast_in_dim3A_1064 : f32 to vector<16xf32>
      %swap3A_1066 = arith.constant 0 : i32
      %swap3A_1067 = arith.index_cast %swap3A_1066 : i32 to index
      %swap3A_1068 = arith.index_cast %scan3A_1036 : i32 to index
      %swap3A_1069 = arith.constant 48 : index
      %swap3A_1070 = tpu.vector_load %arg9[%swap3A_1067, %swap3A_1068, %swap3A_1069] {strides = array<i32>} : memref<2x128x128xf32, #tpu.memory_space<vmem>>, vector<1x1x16xf32>,
      %swap3A_1071 = vector.shape_cast %swap3A_1070 : vector<1x1x16xf32> to vector<16xf32>
      %swap3A_1072 = vector.shape_cast %broadcast_in_dim3A_1065 : vector<16xf32> to vector<1x1x16xf32>
      tpu.vector_store %arg9[%swap3A_1067, %swap3A_1068, %swap3A_1069], %swap3A_1072 {strides = array<i32>} : memref<2x128x128xf32, #tpu.memory_space<vmem>>, vector<1x1x16xf32>,
      %broadcast_in_dim3A_1073 = arith.constant 0.000000e+00 : f32
      %broadcast_in_dim3A_1074 = vector.broadcast %broadcast_in_dim3A_1073 : f32 to vector<16xf32>
      %swap3A_1075 = arith.constant 0 : i32
      %swap3A_1076 = arith.index_cast %swap3A_1075 : i32 to index
      %swap3A_1077 = arith.index_cast %scan3A_1036 : i32 to index
      %swap3A_1078 = arith.constant 64 : index
      %swap3A_1079 = tpu.vector_load %arg9[%swap3A_1076, %swap3A_1077, %swap3A_1078] {strides = array<i32>} : memref<2x128x128xf32, #tpu.memory_space<vmem>>, vector<1x1x16xf32>,
      %swap3A_1080 = vector.shape_cast %swap3A_1079 : vector<1x1x16xf32> to vector<16xf32>
      %swap3A_1081 = vector.shape_cast %broadcast_in_dim3A_1074 : vector<16xf32> to vector<1x1x16xf32>
      tpu.vector_store %arg9[%swap3A_1076, %swap3A_1077, %swap3A_1078], %swap3A_1081 {strides = array<i32>} : memref<2x128x128xf32, #tpu.memory_space<vmem>>, vector<1x1x16xf32>,
      %broadcast_in_dim3A_1082 = arith.constant 0.000000e+00 : f32
      %broadcast_in_dim3A_1083 = vector.broadcast %broadcast_in_dim3A_1082 : f32 to vector<16xf32>
      %swap3A_1084 = arith.constant 0 : i32
      %swap3A_1085 = arith.index_cast %swap3A_1084 : i32 to index
      %swap3A_1086 = arith.index_cast %scan3A_1036 : i32 to index
      %swap3A_1087 = arith.constant 80 : index
      %swap3A_1088 = tpu.vector_load %arg9[%swap3A_1085, %swap3A_1086, %swap3A_1087] {strides = array<i32>} : memref<2x128x128xf32, #tpu.memory_space<vmem>>, vector<1x1x16xf32>,
      %swap3A_1089 = vector.shape_cast %swap3A_1088 : vector<1x1x16xf32> to vector<16xf32>
      %swap3A_1090 = vector.shape_cast %broadcast_in_dim3A_1083 : vector<16xf32> to vector<1x1x16xf32>
      tpu.vector_store %arg9[%swap3A_1085, %swap3A_1086, %swap3A_1087], %swap3A_1090 {strides = array<i32>} : memref<2x128x128xf32, #tpu.memory_space<vmem>>, vector<1x1x16xf32>,
      %broadcast_in_dim3A_1091 = arith.constant 0.000000e+00 : f32
      %broadcast_in_dim3A_1092 = vector.broadcast %broadcast_in_dim3A_1091 : f32 to vector<16xf32>
      %swap3A_1093 = arith.constant 0 : i32
      %swap3A_1094 = arith.index_cast %swap3A_1093 : i32 to index
      %swap3A_1095 = arith.index_cast %scan3A_1036 : i32 to index
      %swap3A_1096 = arith.constant 96 : index
      %swap3A_1097 = tpu.vector_load %arg9[%swap3A_1094, %swap3A_1095, %swap3A_1096] {strides = array<i32>} : memref<2x128x128xf32, #tpu.memory_space<vmem>>, vector<1x1x16xf32>,
      %swap3A_1098 = vector.shape_cast %swap3A_1097 : vector<1x1x16xf32> to vector<16xf32>
      %swap3A_1099 = vector.shape_cast %broadcast_in_dim3A_1092 : vector<16xf32> to vector<1x1x16xf32>
      tpu.vector_store %arg9[%swap3A_1094, %swap3A_1095, %swap3A_1096], %swap3A_1099 {strides = array<i32>} : memref<2x128x128xf32, #tpu.memory_space<vmem>>, vector<1x1x16xf32>,
      %broadcast_in_dim3A_1100 = arith.constant 0.000000e+00 : f32
      %broadcast_in_dim3A_1101 = vector.broadcast %broadcast_in_dim3A_1100 : f32 to vector<16xf32>
      %swap3A_1102 = arith.constant 0 : i32
      %swap3A_1103 = arith.index_cast %swap3A_1102 : i32 to index
      %swap3A_1104 = arith.index_cast %scan3A_1036 : i32 to index
      %swap3A_1105 = arith.constant 112 : index
      %swap3A_1106 = tpu.vector_load %arg9[%swap3A_1103, %swap3A_1104, %swap3A_1105] {strides = array<i32>} : memref<2x128x128xf32, #tpu.memory_space<vmem>>, vector<1x1x16xf32>,
      %swap3A_1107 = vector.shape_cast %swap3A_1106 : vector<1x1x16xf32> to vector<16xf32>
      %swap3A_1108 = vector.shape_cast %broadcast_in_dim3A_1101 : vector<16xf32> to vector<1x1x16xf32>
      tpu.vector_store %arg9[%swap3A_1103, %swap3A_1104, %swap3A_1105], %swap3A_1108 {strides = array<i32>} : memref<2x128x128xf32, #tpu.memory_space<vmem>>, vector<1x1x16xf32>,
    }
    %scan3A_4 = arith.constant 128 : i32
    %broadcast_in_dim3A = arith.constant 1.000000e+00 : f32
    %broadcast_in_dim3A_5 = vector.broadcast %broadcast_in_dim3A : f32 to vector<16xf32>
    %swap3A = arith.constant 0 : index
    %swap3A_6 = tpu.vector_load %arg12[%swap3A] {strides = array<i32>} : memref<128xf32, #tpu.memory_space<vmem>>, vector<16xf32>,
    %swap3A_7 = vector.shape_cast %swap3A_6 : vector<16xf32> to vector<16xf32>
    %swap3A_8 = vector.shape_cast %broadcast_in_dim3A_5 : vector<16xf32> to vector<16xf32>
    tpu.vector_store %arg12[%swap3A], %swap3A_8 {strides = array<i32>} : memref<128xf32, #tpu.memory_space<vmem>>, vector<16xf32>,
    %broadcast_in_dim3A_9 = arith.constant 1.000000e+00 : f32
    %broadcast_in_dim3A_10 = vector.broadcast %broadcast_in_dim3A_9 : f32 to vector<16xf32>
    %swap3A_11 = arith.constant 16 : index
    %swap3A_12 = tpu.vector_load %arg12[%swap3A_11] {strides = array<i32>} : memref<128xf32, #tpu.memory_space<vmem>>, vector<16xf32>,
    %swap3A_13 = vector.shape_cast %swap3A_12 : vector<16xf32> to vector<16xf32>
    %swap3A_14 = vector.shape_cast %broadcast_in_dim3A_10 : vector<16xf32> to vector<16xf32>
    tpu.vector_store %arg12[%swap3A_11], %swap3A_14 {strides = array<i32>} : memref<128xf32, #tpu.memory_space<vmem>>, vector<16xf32>,
    %broadcast_in_dim3A_15 = arith.constant 1.000000e+00 : f32
    %broadcast_in_dim3A_16 = vector.broadcast %broadcast_in_dim3A_15 : f32 to vector<16xf32>
    %swap3A_17 = arith.constant 32 : index
    %swap3A_18 = tpu.vector_load %arg12[%swap3A_17] {strides = array<i32>} : memref<128xf32, #tpu.memory_space<vmem>>, vector<16xf32>,
    %swap3A_19 = vector.shape_cast %swap3A_18 : vector<16xf32> to vector<16xf32>
    %swap3A_20 = vector.shape_cast %broadcast_in_dim3A_16 : vector<16xf32> to vector<16xf32>
    tpu.vector_store %arg12[%swap3A_17], %swap3A_20 {strides = array<i32>} : memref<128xf32, #tpu.memory_space<vmem>>, vector<16xf32>,
    %broadcast_in_dim3A_21 = arith.constant 1.000000e+00 : f32
    %broadcast_in_dim3A_22 = vector.broadcast %broadcast_in_dim3A_21 : f32 to vector<16xf32>
    %swap3A_23 = arith.constant 48 : index
    %swap3A_24 = tpu.vector_load %arg12[%swap3A_23] {strides = array<i32>} : memref<128xf32, #tpu.memory_space<vmem>>, vector<16xf32>,
    %swap3A_25 = vector.shape_cast %swap3A_24 : vector<16xf32> to vector<16xf32>
    %swap3A_26 = vector.shape_cast %broadcast_in_dim3A_22 : vector<16xf32> to vector<16xf32>
    tpu.vector_store %arg12[%swap3A_23], %swap3A_26 {strides = array<i32>} : memref<128xf32, #tpu.memory_space<vmem>>, vector<16xf32>,
    %broadcast_in_dim3A_27 = arith.constant 1.000000e+00 : f32
    %broadcast_in_dim3A_28 = vector.broadcast %broadcast_in_dim3A_27 : f32 to vector<16xf32>
    %swap3A_29 = arith.constant 64 : index
    %swap3A_30 = tpu.vector_load %arg12[%swap3A_29] {strides = array<i32>} : memref<128xf32, #tpu.memory_space<vmem>>, vector<16xf32>,
    %swap3A_31 = vector.shape_cast %swap3A_30 : vector<16xf32> to vector<16xf32>
    %swap3A_32 = vector.shape_cast %broadcast_in_dim3A_28 : vector<16xf32> to vector<16xf32>
    tpu.vector_store %arg12[%swap3A_29], %swap3A_32 {strides = array<i32>} : memref<128xf32, #tpu.memory_space<vmem>>, vector<16xf32>,
    %broadcast_in_dim3A_33 = arith.constant 1.000000e+00 : f32
    %broadcast_in_dim3A_34 = vector.broadcast %broadcast_in_dim3A_33 : f32 to vector<16xf32>
    %swap3A_35 = arith.constant 80 : index
    %swap3A_36 = tpu.vector_load %arg12[%swap3A_35] {strides = array<i32>} : memref<128xf32, #tpu.memory_space<vmem>>, vector<16xf32>,
    %swap3A_37 = vector.shape_cast %swap3A_36 : vector<16xf32> to vector<16xf32>
    %swap3A_38 = vector.shape_cast %broadcast_in_dim3A_34 : vector<16xf32> to vector<16xf32>
    tpu.vector_store %arg12[%swap3A_35], %swap3A_38 {strides = array<i32>} : memref<128xf32, #tpu.memory_space<vmem>>, vector<16xf32>,
    %broadcast_in_dim3A_39 = arith.constant 1.000000e+00 : f32
    %broadcast_in_dim3A_40 = vector.broadcast %broadcast_in_dim3A_39 : f32 to vector<16xf32>
    %swap3A_41 = arith.constant 96 : index
    %swap3A_42 = tpu.vector_load %arg12[%swap3A_41] {strides = array<i32>} : memref<128xf32, #tpu.memory_space<vmem>>, vector<16xf32>,
    %swap3A_43 = vector.shape_cast %swap3A_42 : vector<16xf32> to vector<16xf32>
    %swap3A_44 = vector.shape_cast %broadcast_in_dim3A_40 : vector<16xf32> to vector<16xf32>
    tpu.vector_store %arg12[%swap3A_41], %swap3A_44 {strides = array<i32>} : memref<128xf32, #tpu.memory_space<vmem>>, vector<16xf32>,
    %broadcast_in_dim3A_45 = arith.constant 1.000000e+00 : f32
    %broadcast_in_dim3A_46 = vector.broadcast %broadcast_in_dim3A_45 : f32 to vector<16xf32>
    %swap3A_47 = arith.constant 112 : index
    %swap3A_48 = tpu.vector_load %arg12[%swap3A_47] {strides = array<i32>} : memref<128xf32, #tpu.memory_space<vmem>>, vector<16xf32>,
    %swap3A_49 = vector.shape_cast %swap3A_48 : vector<16xf32> to vector<16xf32>
    %swap3A_50 = vector.shape_cast %broadcast_in_dim3A_46 : vector<16xf32> to vector<16xf32>
    tpu.vector_store %arg12[%swap3A_47], %swap3A_50 {strides = array<i32>} : memref<128xf32, #tpu.memory_space<vmem>>, vector<16xf32>,
    %scan3A_51 = arith.constant 0 : i32
    %scan3A_52 = arith.constant 0 : i32
    %scan3A_53 = arith.constant 40 : i32
    %scan3A_54 = arith.addi %scan3A_52, %scan3A_53 : i32
    %scan3A_55 = arith.constant 1 : i32
    scf.for %scan3A_1036 = %scan3A_52 to %scan3A_54 step %scan3A_55  : i32 {
      %broadcast_in_dim3A_1037 = arith.constant 0.000000e+00 : f32
      %broadcast_in_dim3A_1038 = vector.broadcast %broadcast_in_dim3A_1037 : f32 to vector<16xf32>
      %mul3A_1039 = arith.constant 16 : i32
      %mul3A_1040 = arith.muli %scan3A_1036, %mul3A_1039 : i32
      %swap3A_1041 = arith.index_cast %mul3A_1040 : i32 to index
      %swap3A_1042 = tpu.vector_load %arg13[%swap3A_1041] {strides = array<i32>} : memref<640xf32, #tpu.memory_space<vmem>>, vector<16xf32>,
      %swap3A_1043 = vector.shape_cast %swap3A_1042 : vector<16xf32> to vector<16xf32>
      %swap3A_1044 = vector.shape_cast %broadcast_in_dim3A_1038 : vector<16xf32> to vector<16xf32>
      tpu.vector_store %arg13[%swap3A_1041], %swap3A_1044 {strides = array<i32>} : memref<640xf32, #tpu.memory_space<vmem>>, vector<16xf32>,
    }
    %scan3A_56 = arith.constant 40 : i32
    %mul3A = arith.constant 640 : i32
    %mul3A_57 = arith.muli %arg1, %mul3A : i32
    %add3A = arith.constant 0 : i32
    %add3A_58 = arith.addi %mul3A_57, %add3A : i32
    %dma_start3A = arith.constant 0 : i32
    %dma_start3A_59 = arith.constant 0 : i32
    %dma_start3A_60 = arith.constant 0 : i32
    %dma_start3A_61 = tpu.memref_slice %arg9[%dma_start3A, %dma_start3A_59, %dma_start3A_60] : memref<2x128x128xf32, #tpu.memory_space<vmem>> -> memref<1x128x128xf32, #tpu.memory_space<vmem>>
    %dma_start3A_62 = tpu.memref_squeeze %dma_start3A_61 : memref<1x128x128xf32, #tpu.memory_space<vmem>> -> memref<128x128xf32, #tpu.memory_space<vmem>>
    %dma_start3A_63 = arith.constant 0 : i32
    %dma_start3A_64 = tpu.memref_slice %arg14[%add3A_58, %dma_start3A_63] : memref<10240x128xf32, #tpu.memory_space<vmem_shared>> -> memref<128x128xf32, #tpu.memory_space<vmem_shared>>
    %dma_start3A_65 = arith.constant 0 : i32
    %dma_start3A_66 = tpu.memref_slice %arg14[%add3A_58, %dma_start3A_65] : memref<10240x128xf32, #tpu.memory_space<vmem_shared>> -> memref<128x128xf32, #tpu.memory_space<vmem_shared>>
    %dma_start3A_67 = arith.constant 0 : i32
    %dma_start3A_68 = arith.constant 0 : i32
    %dma_start3A_69 = tpu.memref_slice %arg9[%dma_start3A, %dma_start3A_67, %dma_start3A_68] : memref<2x128x128xf32, #tpu.memory_space<vmem>> -> memref<1x128x128xf32, #tpu.memory_space<vmem>>
    %dma_start3A_70 = tpu.memref_squeeze %dma_start3A_69 : memref<1x128x128xf32, #tpu.memory_space<vmem>> -> memref<128x128xf32, #tpu.memory_space<vmem>>
    tpu.enqueue_dma source(%dma_start3A_70 : memref<128x128xf32, #tpu.memory_space<vmem>>) target(%dma_start3A_66 : memref<128x128xf32, #tpu.memory_space<vmem_shared>>) target_semaphore(%arg16 : memref<!tpu.dma_semaphore, #tpu.memory_space<semaphore_mem>>)
    %mul3A_71 = arith.constant 640 : i32
    %mul3A_72 = arith.muli %arg1, %mul3A_71 : i32
    %add3A_73 = arith.constant 128 : i32
    %add3A_74 = arith.addi %mul3A_72, %add3A_73 : i32
    %dma_start3A_75 = arith.constant 0 : i32
    %dma_start3A_76 = arith.constant 0 : i32
    %dma_start3A_77 = arith.constant 0 : i32
    %dma_start3A_78 = tpu.memref_slice %arg9[%dma_start3A_75, %dma_start3A_76, %dma_start3A_77] : memref<2x128x128xf32, #tpu.memory_space<vmem>> -> memref<1x128x128xf32, #tpu.memory_space<vmem>>
    %dma_start3A_79 = tpu.memref_squeeze %dma_start3A_78 : memref<1x128x128xf32, #tpu.memory_space<vmem>> -> memref<128x128xf32, #tpu.memory_space<vmem>>
    %dma_start3A_80 = arith.constant 0 : i32
    %dma_start3A_81 = tpu.memref_slice %arg14[%add3A_74, %dma_start3A_80] : memref<10240x128xf32, #tpu.memory_space<vmem_shared>> -> memref<128x128xf32, #tpu.memory_space<vmem_shared>>
    %dma_start3A_82 = arith.constant 0 : i32
    %dma_start3A_83 = tpu.memref_slice %arg14[%add3A_74, %dma_start3A_82] : memref<10240x128xf32, #tpu.memory_space<vmem_shared>> -> memref<128x128xf32, #tpu.memory_space<vmem_shared>>
    %dma_start3A_84 = arith.constant 0 : i32
    %dma_start3A_85 = arith.constant 0 : i32
    %dma_start3A_86 = tpu.memref_slice %arg9[%dma_start3A_75, %dma_start3A_84, %dma_start3A_85] : memref<2x128x128xf32, #tpu.memory_space<vmem>> -> memref<1x128x128xf32, #tpu.memory_space<vmem>>
    %dma_start3A_87 = tpu.memref_squeeze %dma_start3A_86 : memref<1x128x128xf32, #tpu.memory_space<vmem>> -> memref<128x128xf32, #tpu.memory_space<vmem>>
    tpu.enqueue_dma source(%dma_start3A_87 : memref<128x128xf32, #tpu.memory_space<vmem>>) target(%dma_start3A_83 : memref<128x128xf32, #tpu.memory_space<vmem_shared>>) target_semaphore(%arg16 : memref<!tpu.dma_semaphore, #tpu.memory_space<semaphore_mem>>)
    %mul3A_88 = arith.constant 640 : i32
    %mul3A_89 = arith.muli %arg1, %mul3A_88 : i32
    %add3A_90 = arith.constant 256 : i32
    %add3A_91 = arith.addi %mul3A_89, %add3A_90 : i32
    %dma_start3A_92 = arith.constant 0 : i32
    %dma_start3A_93 = arith.constant 0 : i32
    %dma_start3A_94 = arith.constant 0 : i32
    %dma_start3A_95 = tpu.memref_slice %arg9[%dma_start3A_92, %dma_start3A_93, %dma_start3A_94] : memref<2x128x128xf32, #tpu.memory_space<vmem>> -> memref<1x128x128xf32, #tpu.memory_space<vmem>>
    %dma_start3A_96 = tpu.memref_squeeze %dma_start3A_95 : memref<1x128x128xf32, #tpu.memory_space<vmem>> -> memref<128x128xf32, #tpu.memory_space<vmem>>
    %dma_start3A_97 = arith.constant 0 : i32
    %dma_start3A_98 = tpu.memref_slice %arg14[%add3A_91, %dma_start3A_97] : memref<10240x128xf32, #tpu.memory_space<vmem_shared>> -> memref<128x128xf32, #tpu.memory_space<vmem_shared>>
    %dma_start3A_99 = arith.constant 0 : i32
    %dma_start3A_100 = tpu.memref_slice %arg14[%add3A_91, %dma_start3A_99] : memref<10240x128xf32, #tpu.memory_space<vmem_shared>> -> memref<128x128xf32, #tpu.memory_space<vmem_shared>>
    %dma_start3A_101 = arith.constant 0 : i32
    %dma_start3A_102 = arith.constant 0 : i32
    %dma_start3A_103 = tpu.memref_slice %arg9[%dma_start3A_92, %dma_start3A_101, %dma_start3A_102] : memref<2x128x128xf32, #tpu.memory_space<vmem>> -> memref<1x128x128xf32, #tpu.memory_space<vmem>>
    %dma_start3A_104 = tpu.memref_squeeze %dma_start3A_103 : memref<1x128x128xf32, #tpu.memory_space<vmem>> -> memref<128x128xf32, #tpu.memory_space<vmem>>
    tpu.enqueue_dma source(%dma_start3A_104 : memref<128x128xf32, #tpu.memory_space<vmem>>) target(%dma_start3A_100 : memref<128x128xf32, #tpu.memory_space<vmem_shared>>) target_semaphore(%arg16 : memref<!tpu.dma_semaphore, #tpu.memory_space<semaphore_mem>>)
    %mul3A_105 = arith.constant 640 : i32
    %mul3A_106 = arith.muli %arg1, %mul3A_105 : i32
    %add3A_107 = arith.constant 384 : i32
    %add3A_108 = arith.addi %mul3A_106, %add3A_107 : i32
    %dma_start3A_109 = arith.constant 0 : i32
    %dma_start3A_110 = arith.constant 0 : i32
    %dma_start3A_111 = arith.constant 0 : i32
    %dma_start3A_112 = tpu.memref_slice %arg9[%dma_start3A_109, %dma_start3A_110, %dma_start3A_111] : memref<2x128x128xf32, #tpu.memory_space<vmem>> -> memref<1x128x128xf32, #tpu.memory_space<vmem>>
    %dma_start3A_113 = tpu.memref_squeeze %dma_start3A_112 : memref<1x128x128xf32, #tpu.memory_space<vmem>> -> memref<128x128xf32, #tpu.memory_space<vmem>>
    %dma_start3A_114 = arith.constant 0 : i32
    %dma_start3A_115 = tpu.memref_slice %arg14[%add3A_108, %dma_start3A_114] : memref<10240x128xf32, #tpu.memory_space<vmem_shared>> -> memref<128x128xf32, #tpu.memory_space<vmem_shared>>
    %dma_start3A_116 = arith.constant 0 : i32
    %dma_start3A_117 = tpu.memref_slice %arg14[%add3A_108, %dma_start3A_116] : memref<10240x128xf32, #tpu.memory_space<vmem_shared>> -> memref<128x128xf32, #tpu.memory_space<vmem_shared>>
    %dma_start3A_118 = arith.constant 0 : i32
    %dma_start3A_119 = arith.constant 0 : i32
    %dma_start3A_120 = tpu.memref_slice %arg9[%dma_start3A_109, %dma_start3A_118, %dma_start3A_119] : memref<2x128x128xf32, #tpu.memory_space<vmem>> -> memref<1x128x128xf32, #tpu.memory_space<vmem>>
    %dma_start3A_121 = tpu.memref_squeeze %dma_start3A_120 : memref<1x128x128xf32, #tpu.memory_space<vmem>> -> memref<128x128xf32, #tpu.memory_space<vmem>>
    tpu.enqueue_dma source(%dma_start3A_121 : memref<128x128xf32, #tpu.memory_space<vmem>>) target(%dma_start3A_117 : memref<128x128xf32, #tpu.memory_space<vmem_shared>>) target_semaphore(%arg16 : memref<!tpu.dma_semaphore, #tpu.memory_space<semaphore_mem>>)
    %mul3A_122 = arith.constant 640 : i32
    %mul3A_123 = arith.muli %arg1, %mul3A_122 : i32
    %add3A_124 = arith.constant 512 : i32
    %add3A_125 = arith.addi %mul3A_123, %add3A_124 : i32
    %dma_start3A_126 = arith.constant 0 : i32
    %dma_start3A_127 = arith.constant 0 : i32
    %dma_start3A_128 = arith.constant 0 : i32
    %dma_start3A_129 = tpu.memref_slice %arg9[%dma_start3A_126, %dma_start3A_127, %dma_start3A_128] : memref<2x128x128xf32, #tpu.memory_space<vmem>> -> memref<1x128x128xf32, #tpu.memory_space<vmem>>
    %dma_start3A_130 = tpu.memref_squeeze %dma_start3A_129 : memref<1x128x128xf32, #tpu.memory_space<vmem>> -> memref<128x128xf32, #tpu.memory_space<vmem>>
    %dma_start3A_131 = arith.constant 0 : i32
    %dma_start3A_132 = tpu.memref_slice %arg14[%add3A_125, %dma_start3A_131] : memref<10240x128xf32, #tpu.memory_space<vmem_shared>> -> memref<128x128xf32, #tpu.memory_space<vmem_shared>>
    %dma_start3A_133 = arith.constant 0 : i32
    %dma_start3A_134 = tpu.memref_slice %arg14[%add3A_125, %dma_start3A_133] : memref<10240x128xf32, #tpu.memory_space<vmem_shared>> -> memref<128x128xf32, #tpu.memory_space<vmem_shared>>
    %dma_start3A_135 = arith.constant 0 : i32
    %dma_start3A_136 = arith.constant 0 : i32
    %dma_start3A_137 = tpu.memref_slice %arg9[%dma_start3A_126, %dma_start3A_135, %dma_start3A_136] : memref<2x128x128xf32, #tpu.memory_space<vmem>> -> memref<1x128x128xf32, #tpu.memory_space<vmem>>
    %dma_start3A_138 = tpu.memref_squeeze %dma_start3A_137 : memref<1x128x128xf32, #tpu.memory_space<vmem>> -> memref<128x128xf32, #tpu.memory_space<vmem>>
    tpu.enqueue_dma source(%dma_start3A_138 : memref<128x128xf32, #tpu.memory_space<vmem>>) target(%dma_start3A_134 : memref<128x128xf32, #tpu.memory_space<vmem_shared>>) target_semaphore(%arg16 : memref<!tpu.dma_semaphore, #tpu.memory_space<semaphore_mem>>)
    %mul3A_139 = arith.constant 640 : i32
    %mul3A_140 = arith.muli %arg1, %mul3A_139 : i32
    %add3A_141 = arith.constant 0 : i32
    %add3A_142 = arith.addi %mul3A_140, %add3A_141 : i32
    %dma_wait3A = arith.constant 0 : i32
    %dma_wait3A_143 = arith.constant 0 : i32
    %dma_wait3A_144 = arith.constant 0 : i32
    %dma_wait3A_145 = tpu.memref_slice %arg9[%dma_wait3A, %dma_wait3A_143, %dma_wait3A_144] : memref<2x128x128xf32, #tpu.memory_space<vmem>> -> memref<1x128x128xf32, #tpu.memory_space<vmem>>
    %dma_wait3A_146 = tpu.memref_squeeze %dma_wait3A_145 : memref<1x128x128xf32, #tpu.memory_space<vmem>> -> memref<128x128xf32, #tpu.memory_space<vmem>>
    %dma_wait3A_147 = arith.constant 0 : i32
    %dma_wait3A_148 = tpu.memref_slice %arg14[%add3A_142, %dma_wait3A_147] : memref<10240x128xf32, #tpu.memory_space<vmem_shared>> -> memref<128x128xf32, #tpu.memory_space<vmem_shared>>
    %dma_wait3A_149 = arith.constant 0 : i32
    %dma_wait3A_150 = tpu.memref_slice %arg14[%add3A_142, %dma_wait3A_149] : memref<10240x128xf32, #tpu.memory_space<vmem_shared>> -> memref<128x128xf32, #tpu.memory_space<vmem_shared>>
    %dma_wait3A_151 = arith.constant 0 : i32
    %dma_wait3A_152 = arith.constant 0 : i32
    %dma_wait3A_153 = tpu.memref_slice %arg9[%dma_wait3A, %dma_wait3A_151, %dma_wait3A_152] : memref<2x128x128xf32, #tpu.memory_space<vmem>> -> memref<1x128x128xf32, #tpu.memory_space<vmem>>
    %dma_wait3A_154 = tpu.memref_squeeze %dma_wait3A_153 : memref<1x128x128xf32, #tpu.memory_space<vmem>> -> memref<128x128xf32, #tpu.memory_space<vmem>>
    tpu.wait_dma2 semaphore(%arg16 : memref<!tpu.dma_semaphore, #tpu.memory_space<semaphore_mem>>) src(%dma_wait3A_154 : memref<128x128xf32, #tpu.memory_space<vmem>>) dst(%dma_wait3A_150 : memref<128x128xf32, #tpu.memory_space<vmem_shared>>)
    %mul3A_155 = arith.constant 640 : i32
    %mul3A_156 = arith.muli %arg1, %mul3A_155 : i32
    %add3A_157 = arith.constant 128 : i32
    %add3A_158 = arith.addi %mul3A_156, %add3A_157 : i32
    %dma_wait3A_159 = arith.constant 0 : i32
    %dma_wait3A_160 = arith.constant 0 : i32
    %dma_wait3A_161 = arith.constant 0 : i32
    %dma_wait3A_162 = tpu.memref_slice %arg9[%dma_wait3A_159, %dma_wait3A_160, %dma_wait3A_161] : memref<2x128x128xf32, #tpu.memory_space<vmem>> -> memref<1x128x128xf32, #tpu.memory_space<vmem>>
    %dma_wait3A_163 = tpu.memref_squeeze %dma_wait3A_162 : memref<1x128x128xf32, #tpu.memory_space<vmem>> -> memref<128x128xf32, #tpu.memory_space<vmem>>
    %dma_wait3A_164 = arith.constant 0 : i32
    %dma_wait3A_165 = tpu.memref_slice %arg14[%add3A_158, %dma_wait3A_164] : memref<10240x128xf32, #tpu.memory_space<vmem_shared>> -> memref<128x128xf32, #tpu.memory_space<vmem_shared>>
    %dma_wait3A_166 = arith.constant 0 : i32
    %dma_wait3A_167 = tpu.memref_slice %arg14[%add3A_158, %dma_wait3A_166] : memref<10240x128xf32, #tpu.memory_space<vmem_shared>> -> memref<128x128xf32, #tpu.memory_space<vmem_shared>>
    %dma_wait3A_168 = arith.constant 0 : i32
    %dma_wait3A_169 = arith.constant 0 : i32
    %dma_wait3A_170 = tpu.memref_slice %arg9[%dma_wait3A_159, %dma_wait3A_168, %dma_wait3A_169] : memref<2x128x128xf32, #tpu.memory_space<vmem>> -> memref<1x128x128xf32, #tpu.memory_space<vmem>>
    %dma_wait3A_171 = tpu.memref_squeeze %dma_wait3A_170 : memref<1x128x128xf32, #tpu.memory_space<vmem>> -> memref<128x128xf32, #tpu.memory_space<vmem>>
    tpu.wait_dma2 semaphore(%arg16 : memref<!tpu.dma_semaphore, #tpu.memory_space<semaphore_mem>>) src(%dma_wait3A_171 : memref<128x128xf32, #tpu.memory_space<vmem>>) dst(%dma_wait3A_167 : memref<128x128xf32, #tpu.memory_space<vmem_shared>>)
    %mul3A_172 = arith.constant 640 : i32
    %mul3A_173 = arith.muli %arg1, %mul3A_172 : i32
    %add3A_174 = arith.constant 256 : i32
    %add3A_175 = arith.addi %mul3A_173, %add3A_174 : i32
    %dma_wait3A_176 = arith.constant 0 : i32
    %dma_wait3A_177 = arith.constant 0 : i32
    %dma_wait3A_178 = arith.constant 0 : i32
    %dma_wait3A_179 = tpu.memref_slice %arg9[%dma_wait3A_176, %dma_wait3A_177, %dma_wait3A_178] : memref<2x128x128xf32, #tpu.memory_space<vmem>> -> memref<1x128x128xf32, #tpu.memory_space<vmem>>
    %dma_wait3A_180 = tpu.memref_squeeze %dma_wait3A_179 : memref<1x128x128xf32, #tpu.memory_space<vmem>> -> memref<128x128xf32, #tpu.memory_space<vmem>>
    %dma_wait3A_181 = arith.constant 0 : i32
    %dma_wait3A_182 = tpu.memref_slice %arg14[%add3A_175, %dma_wait3A_181] : memref<10240x128xf32, #tpu.memory_space<vmem_shared>> -> memref<128x128xf32, #tpu.memory_space<vmem_shared>>
    %dma_wait3A_183 = arith.constant 0 : i32
    %dma_wait3A_184 = tpu.memref_slice %arg14[%add3A_175, %dma_wait3A_183] : memref<10240x128xf32, #tpu.memory_space<vmem_shared>> -> memref<128x128xf32, #tpu.memory_space<vmem_shared>>
    %dma_wait3A_185 = arith.constant 0 : i32
    %dma_wait3A_186 = arith.constant 0 : i32
    %dma_wait3A_187 = tpu.memref_slice %arg9[%dma_wait3A_176, %dma_wait3A_185, %dma_wait3A_186] : memref<2x128x128xf32, #tpu.memory_space<vmem>> -> memref<1x128x128xf32, #tpu.memory_space<vmem>>
    %dma_wait3A_188 = tpu.memref_squeeze %dma_wait3A_187 : memref<1x128x128xf32, #tpu.memory_space<vmem>> -> memref<128x128xf32, #tpu.memory_space<vmem>>
    tpu.wait_dma2 semaphore(%arg16 : memref<!tpu.dma_semaphore, #tpu.memory_space<semaphore_mem>>) src(%dma_wait3A_188 : memref<128x128xf32, #tpu.memory_space<vmem>>) dst(%dma_wait3A_184 : memref<128x128xf32, #tpu.memory_space<vmem_shared>>)
    %mul3A_189 = arith.constant 640 : i32
    %mul3A_190 = arith.muli %arg1, %mul3A_189 : i32
    %add3A_191 = arith.constant 384 : i32
    %add3A_192 = arith.addi %mul3A_190, %add3A_191 : i32
    %dma_wait3A_193 = arith.constant 0 : i32
    %dma_wait3A_194 = arith.constant 0 : i32
    %dma_wait3A_195 = arith.constant 0 : i32
    %dma_wait3A_196 = tpu.memref_slice %arg9[%dma_wait3A_193, %dma_wait3A_194, %dma_wait3A_195] : memref<2x128x128xf32, #tpu.memory_space<vmem>> -> memref<1x128x128xf32, #tpu.memory_space<vmem>>
    %dma_wait3A_197 = tpu.memref_squeeze %dma_wait3A_196 : memref<1x128x128xf32, #tpu.memory_space<vmem>> -> memref<128x128xf32, #tpu.memory_space<vmem>>
    %dma_wait3A_198 = arith.constant 0 : i32
    %dma_wait3A_199 = tpu.memref_slice %arg14[%add3A_192, %dma_wait3A_198] : memref<10240x128xf32, #tpu.memory_space<vmem_shared>> -> memref<128x128xf32, #tpu.memory_space<vmem_shared>>
    %dma_wait3A_200 = arith.constant 0 : i32
    %dma_wait3A_201 = tpu.memref_slice %arg14[%add3A_192, %dma_wait3A_200] : memref<10240x128xf32, #tpu.memory_space<vmem_shared>> -> memref<128x128xf32, #tpu.memory_space<vmem_shared>>
    %dma_wait3A_202 = arith.constant 0 : i32
    %dma_wait3A_203 = arith.constant 0 : i32
    %dma_wait3A_204 = tpu.memref_slice %arg9[%dma_wait3A_193, %dma_wait3A_202, %dma_wait3A_203] : memref<2x128x128xf32, #tpu.memory_space<vmem>> -> memref<1x128x128xf32, #tpu.memory_space<vmem>>
    %dma_wait3A_205 = tpu.memref_squeeze %dma_wait3A_204 : memref<1x128x128xf32, #tpu.memory_space<vmem>> -> memref<128x128xf32, #tpu.memory_space<vmem>>
    tpu.wait_dma2 semaphore(%arg16 : memref<!tpu.dma_semaphore, #tpu.memory_space<semaphore_mem>>) src(%dma_wait3A_205 : memref<128x128xf32, #tpu.memory_space<vmem>>) dst(%dma_wait3A_201 : memref<128x128xf32, #tpu.memory_space<vmem_shared>>)
    %mul3A_206 = arith.constant 640 : i32
    %mul3A_207 = arith.muli %arg1, %mul3A_206 : i32
    %add3A_208 = arith.constant 512 : i32
    %add3A_209 = arith.addi %mul3A_207, %add3A_208 : i32
    %dma_wait3A_210 = arith.constant 0 : i32
    %dma_wait3A_211 = arith.constant 0 : i32
    %dma_wait3A_212 = arith.constant 0 : i32
    %dma_wait3A_213 = tpu.memref_slice %arg9[%dma_wait3A_210, %dma_wait3A_211, %dma_wait3A_212] : memref<2x128x128xf32, #tpu.memory_space<vmem>> -> memref<1x128x128xf32, #tpu.memory_space<vmem>>
    %dma_wait3A_214 = tpu.memref_squeeze %dma_wait3A_213 : memref<1x128x128xf32, #tpu.memory_space<vmem>> -> memref<128x128xf32, #tpu.memory_space<vmem>>
    %dma_wait3A_215 = arith.constant 0 : i32
    %dma_wait3A_216 = tpu.memref_slice %arg14[%add3A_209, %dma_wait3A_215] : memref<10240x128xf32, #tpu.memory_space<vmem_shared>> -> memref<128x128xf32, #tpu.memory_space<vmem_shared>>
    %dma_wait3A_217 = arith.constant 0 : i32
    %dma_wait3A_218 = tpu.memref_slice %arg14[%add3A_209, %dma_wait3A_217] : memref<10240x128xf32, #tpu.memory_space<vmem_shared>> -> memref<128x128xf32, #tpu.memory_space<vmem_shared>>
    %dma_wait3A_219 = arith.constant 0 : i32
    %dma_wait3A_220 = arith.constant 0 : i32
    %dma_wait3A_221 = tpu.memref_slice %arg9[%dma_wait3A_210, %dma_wait3A_219, %dma_wait3A_220] : memref<2x128x128xf32, #tpu.memory_space<vmem>> -> memref<1x128x128xf32, #tpu.memory_space<vmem>>
    %dma_wait3A_222 = tpu.memref_squeeze %dma_wait3A_221 : memref<1x128x128xf32, #tpu.memory_space<vmem>> -> memref<128x128xf32, #tpu.memory_space<vmem>>
    tpu.wait_dma2 semaphore(%arg16 : memref<!tpu.dma_semaphore, #tpu.memory_space<semaphore_mem>>) src(%dma_wait3A_222 : memref<128x128xf32, #tpu.memory_space<vmem>>) dst(%dma_wait3A_218 : memref<128x128xf32, #tpu.memory_space<vmem_shared>>)
    %mul3A_223 = arith.constant 640 : i32
    %mul3A_224 = arith.muli %arg1, %mul3A_223 : i32
    "tpu.region"() ({
      %run_scoped3A_1036 = tpu.sem_alloc : memref<!tpu.dma_semaphore, #tpu.memory_space<semaphore_mem>>
      %dma_start3A_1037 = tpu.memref_slice %arg15[%mul3A_224] : memref<10240xf32, #tpu.memory_space<vmem_shared>> -> memref<640xf32, #tpu.memory_space<vmem_shared>>
      %dma_start3A_1038 = tpu.memref_slice %arg15[%mul3A_224] : memref<10240xf32, #tpu.memory_space<vmem_shared>> -> memref<640xf32, #tpu.memory_space<vmem_shared>>
      tpu.enqueue_dma source(%arg13 : memref<640xf32, #tpu.memory_space<vmem>>) target(%dma_start3A_1038 : memref<640xf32, #tpu.memory_space<vmem_shared>>) target_semaphore(%run_scoped3A_1036 : memref<!tpu.dma_semaphore, #tpu.memory_space<semaphore_mem>>)
      %dma_wait3A_1039 = tpu.memref_slice %arg15[%mul3A_224] : memref<10240xf32, #tpu.memory_space<vmem_shared>> -> memref<640xf32, #tpu.memory_space<vmem_shared>>
      %dma_wait3A_1040 = tpu.memref_slice %arg15[%mul3A_224] : memref<10240xf32, #tpu.memory_space<vmem_shared>> -> memref<640xf32, #tpu.memory_space<vmem_shared>>
      tpu.wait_dma2 semaphore(%run_scoped3A_1036 : memref<!tpu.dma_semaphore, #tpu.memory_space<semaphore_mem>>) src(%arg13 : memref<640xf32, #tpu.memory_space<vmem>>) dst(%dma_wait3A_1040 : memref<640xf32, #tpu.memory_space<vmem_shared>>)
      tpu.yield
    }) : () -> ()
    %barrier3A = arith.constant 0 : index
    tpu.barrier barrier_id(%barrier3A)
    %mul3A_225 = arith.constant 10240 : i32
    %mul3A_226 = arith.muli %arg0, %mul3A_225 : i32
    %mul3A_227 = arith.constant 10000 : i32
    %mul3A_228 = arith.muli %arg1, %mul3A_227 : i32
    %add3A_229 = arith.constant 0 : i32
    %add3A_230 = arith.addi %mul3A_228, %add3A_229 : i32
    %dma_start3A_231 = arith.constant 0 : i32
    %dma_start3A_232 = arith.constant 0 : i32
    %dma_start3A_233 = tpu.memref_slice %arg7[%dma_start3A_231, %dma_start3A_232] : memref<2x128xi32, #tpu.memory_space<vmem>> -> memref<1x128xi32, #tpu.memory_space<vmem>>
    %dma_start3A_234 = tpu.memref_squeeze %dma_start3A_233 : memref<1x128xi32, #tpu.memory_space<vmem>> -> memref<128xi32, #tpu.memory_space<vmem>>
    %dma_start3A_235 = tpu.memref_slice %arg3[%add3A_230] : memref<160000xi32, #tpu.memory_space<hbm>> -> memref<128xi32, #tpu.memory_space<hbm>>
    %dma_start3A_236 = arith.constant 0 : i32
    %dma_start3A_237 = tpu.memref_slice %arg7[%dma_start3A_231, %dma_start3A_236] : memref<2x128xi32, #tpu.memory_space<vmem>> -> memref<1x128xi32, #tpu.memory_space<vmem>>
    %dma_start3A_238 = tpu.memref_squeeze %dma_start3A_237 : memref<1x128xi32, #tpu.memory_space<vmem>> -> memref<128xi32, #tpu.memory_space<vmem>>
    %dma_start3A_239 = tpu.memref_slice %arg3[%add3A_230] : memref<160000xi32, #tpu.memory_space<hbm>> -> memref<128xi32, #tpu.memory_space<hbm>>
    tpu.enqueue_dma source(%dma_start3A_239 : memref<128xi32, #tpu.memory_space<hbm>>) target(%dma_start3A_238 : memref<128xi32, #tpu.memory_space<vmem>>) target_semaphore(%arg20 : memref<!tpu.dma_semaphore, #tpu.memory_space<semaphore_mem>>)
    %mul3A_240 = arith.constant 10000 : i32
    %mul3A_241 = arith.muli %arg1, %mul3A_240 : i32
    %add3A_242 = arith.constant 0 : i32
    %add3A_243 = arith.addi %mul3A_241, %add3A_242 : i32
    %dma_start3A_244 = arith.constant 0 : i32
    %dma_start3A_245 = arith.constant 0 : i32
    %dma_start3A_246 = tpu.memref_slice %arg8[%dma_start3A_244, %dma_start3A_245] : memref<2x128xi32, #tpu.memory_space<vmem>> -> memref<1x128xi32, #tpu.memory_space<vmem>>
    %dma_start3A_247 = tpu.memref_squeeze %dma_start3A_246 : memref<1x128xi32, #tpu.memory_space<vmem>> -> memref<128xi32, #tpu.memory_space<vmem>>
    %dma_start3A_248 = tpu.memref_slice %arg4[%add3A_243] : memref<160000xi32, #tpu.memory_space<hbm>> -> memref<128xi32, #tpu.memory_space<hbm>>
    %dma_start3A_249 = arith.constant 0 : i32
    %dma_start3A_250 = tpu.memref_slice %arg8[%dma_start3A_244, %dma_start3A_249] : memref<2x128xi32, #tpu.memory_space<vmem>> -> memref<1x128xi32, #tpu.memory_space<vmem>>
    %dma_start3A_251 = tpu.memref_squeeze %dma_start3A_250 : memref<1x128xi32, #tpu.memory_space<vmem>> -> memref<128xi32, #tpu.memory_space<vmem>>
    %dma_start3A_252 = tpu.memref_slice %arg4[%add3A_243] : memref<160000xi32, #tpu.memory_space<hbm>> -> memref<128xi32, #tpu.memory_space<hbm>>
    tpu.enqueue_dma source(%dma_start3A_252 : memref<128xi32, #tpu.memory_space<hbm>>) target(%dma_start3A_251 : memref<128xi32, #tpu.memory_space<vmem>>) target_semaphore(%arg22 : memref<!tpu.dma_semaphore, #tpu.memory_space<semaphore_mem>>)
    %mul3A_253 = arith.constant 10000 : i32
    %mul3A_254 = arith.muli %arg1, %mul3A_253 : i32
    %add3A_255 = arith.constant 0 : i32
    %add3A_256 = arith.addi %mul3A_254, %add3A_255 : i32
    %dma_wait3A_257 = arith.constant 0 : i32
    %dma_wait3A_258 = arith.constant 0 : i32
    %dma_wait3A_259 = tpu.memref_slice %arg7[%dma_wait3A_257, %dma_wait3A_258] : memref<2x128xi32, #tpu.memory_space<vmem>> -> memref<1x128xi32, #tpu.memory_space<vmem>>
    %dma_wait3A_260 = tpu.memref_squeeze %dma_wait3A_259 : memref<1x128xi32, #tpu.memory_space<vmem>> -> memref<128xi32, #tpu.memory_space<vmem>>
    %dma_wait3A_261 = tpu.memref_slice %arg3[%add3A_256] : memref<160000xi32, #tpu.memory_space<hbm>> -> memref<128xi32, #tpu.memory_space<hbm>>
    %dma_wait3A_262 = arith.constant 0 : i32
    %dma_wait3A_263 = tpu.memref_slice %arg7[%dma_wait3A_257, %dma_wait3A_262] : memref<2x128xi32, #tpu.memory_space<vmem>> -> memref<1x128xi32, #tpu.memory_space<vmem>>
    %dma_wait3A_264 = tpu.memref_squeeze %dma_wait3A_263 : memref<1x128xi32, #tpu.memory_space<vmem>> -> memref<128xi32, #tpu.memory_space<vmem>>
    %dma_wait3A_265 = tpu.memref_slice %arg3[%add3A_256] : memref<160000xi32, #tpu.memory_space<hbm>> -> memref<128xi32, #tpu.memory_space<hbm>>
    tpu.wait_dma2 semaphore(%arg20 : memref<!tpu.dma_semaphore, #tpu.memory_space<semaphore_mem>>) src(%dma_wait3A_265 : memref<128xi32, #tpu.memory_space<hbm>>) dst(%dma_wait3A_264 : memref<128xi32, #tpu.memory_space<vmem>>)
    %get3A = arith.constant 0 : i32
    %get3A_266 = arith.index_cast %get3A : i32 to index
    %get3A_267 = arith.constant 0 : index
    %get3A_268 = tpu.vector_load %arg7[%get3A_266, %get3A_267] {strides = array<i32>} : memref<2x128xi32, #tpu.memory_space<vmem>>, vector<1x16xi32>,
    %get3A_269 = vector.shape_cast %get3A_268 : vector<1x16xi32> to vector<16xi32>
    %add3A_270 = vector.broadcast %mul3A_226 : i32 to vector<16xi32>
    %add3A_271 = arith.addi %get3A_269, %add3A_270 : vector<16xi32>
    %swap3A_272 = arith.constant 0 : i32
    %swap3A_273 = arith.index_cast %swap3A_272 : i32 to index
    %swap3A_274 = arith.constant 0 : index
    %swap3A_275 = tpu.vector_load %arg7[%swap3A_273, %swap3A_274] {strides = array<i32>} : memref<2x128xi32, #tpu.memory_space<vmem>>, vector<1x16xi32>,
    %swap3A_276 = vector.shape_cast %swap3A_275 : vector<1x16xi32> to vector<16xi32>
    %swap3A_277 = vector.shape_cast %add3A_271 : vector<16xi32> to vector<1x16xi32>
    tpu.vector_store %arg7[%swap3A_273, %swap3A_274], %swap3A_277 {strides = array<i32>} : memref<2x128xi32, #tpu.memory_space<vmem>>, vector<1x16xi32>,
    %get3A_278 = arith.constant 0 : i32
    %get3A_279 = arith.index_cast %get3A_278 : i32 to index
    %get3A_280 = arith.constant 16 : index
    %get3A_281 = tpu.vector_load %arg7[%get3A_279, %get3A_280] {strides = array<i32>} : memref<2x128xi32, #tpu.memory_space<vmem>>, vector<1x16xi32>,
    %get3A_282 = vector.shape_cast %get3A_281 : vector<1x16xi32> to vector<16xi32>
    %add3A_283 = vector.broadcast %mul3A_226 : i32 to vector<16xi32>
    %add3A_284 = arith.addi %get3A_282, %add3A_283 : vector<16xi32>
    %swap3A_285 = arith.constant 0 : i32
    %swap3A_286 = arith.index_cast %swap3A_285 : i32 to index
    %swap3A_287 = arith.constant 16 : index
    %swap3A_288 = tpu.vector_load %arg7[%swap3A_286, %swap3A_287] {strides = array<i32>} : memref<2x128xi32, #tpu.memory_space<vmem>>, vector<1x16xi32>,
    %swap3A_289 = vector.shape_cast %swap3A_288 : vector<1x16xi32> to vector<16xi32>
    %swap3A_290 = vector.shape_cast %add3A_284 : vector<16xi32> to vector<1x16xi32>
    tpu.vector_store %arg7[%swap3A_286, %swap3A_287], %swap3A_290 {strides = array<i32>} : memref<2x128xi32, #tpu.memory_space<vmem>>, vector<1x16xi32>,
    %get3A_291 = arith.constant 0 : i32
    %get3A_292 = arith.index_cast %get3A_291 : i32 to index
    %get3A_293 = arith.constant 32 : index
    %get3A_294 = tpu.vector_load %arg7[%get3A_292, %get3A_293] {strides = array<i32>} : memref<2x128xi32, #tpu.memory_space<vmem>>, vector<1x16xi32>,
    %get3A_295 = vector.shape_cast %get3A_294 : vector<1x16xi32> to vector<16xi32>
    %add3A_296 = vector.broadcast %mul3A_226 : i32 to vector<16xi32>
    %add3A_297 = arith.addi %get3A_295, %add3A_296 : vector<16xi32>
    %swap3A_298 = arith.constant 0 : i32
    %swap3A_299 = arith.index_cast %swap3A_298 : i32 to index
    %swap3A_300 = arith.constant 32 : index
    %swap3A_301 = tpu.vector_load %arg7[%swap3A_299, %swap3A_300] {strides = array<i32>} : memref<2x128xi32, #tpu.memory_space<vmem>>, vector<1x16xi32>,
    %swap3A_302 = vector.shape_cast %swap3A_301 : vector<1x16xi32> to vector<16xi32>
    %swap3A_303 = vector.shape_cast %add3A_297 : vector<16xi32> to vector<1x16xi32>
    tpu.vector_store %arg7[%swap3A_299, %swap3A_300], %swap3A_303 {strides = array<i32>} : memref<2x128xi32, #tpu.memory_space<vmem>>, vector<1x16xi32>,
    %get3A_304 = arith.constant 0 : i32
    %get3A_305 = arith.index_cast %get3A_304 : i32 to index
    %get3A_306 = arith.constant 48 : index
    %get3A_307 = tpu.vector_load %arg7[%get3A_305, %get3A_306] {strides = array<i32>} : memref<2x128xi32, #tpu.memory_space<vmem>>, vector<1x16xi32>,
    %get3A_308 = vector.shape_cast %get3A_307 : vector<1x16xi32> to vector<16xi32>
    %add3A_309 = vector.broadcast %mul3A_226 : i32 to vector<16xi32>
    %add3A_310 = arith.addi %get3A_308, %add3A_309 : vector<16xi32>
    %swap3A_311 = arith.constant 0 : i32
    %swap3A_312 = arith.index_cast %swap3A_311 : i32 to index
    %swap3A_313 = arith.constant 48 : index
    %swap3A_314 = tpu.vector_load %arg7[%swap3A_312, %swap3A_313] {strides = array<i32>} : memref<2x128xi32, #tpu.memory_space<vmem>>, vector<1x16xi32>,
    %swap3A_315 = vector.shape_cast %swap3A_314 : vector<1x16xi32> to vector<16xi32>
    %swap3A_316 = vector.shape_cast %add3A_310 : vector<16xi32> to vector<1x16xi32>
    tpu.vector_store %arg7[%swap3A_312, %swap3A_313], %swap3A_316 {strides = array<i32>} : memref<2x128xi32, #tpu.memory_space<vmem>>, vector<1x16xi32>,
    %get3A_317 = arith.constant 0 : i32
    %get3A_318 = arith.index_cast %get3A_317 : i32 to index
    %get3A_319 = arith.constant 64 : index
    %get3A_320 = tpu.vector_load %arg7[%get3A_318, %get3A_319] {strides = array<i32>} : memref<2x128xi32, #tpu.memory_space<vmem>>, vector<1x16xi32>,
    %get3A_321 = vector.shape_cast %get3A_320 : vector<1x16xi32> to vector<16xi32>
    %add3A_322 = vector.broadcast %mul3A_226 : i32 to vector<16xi32>
    %add3A_323 = arith.addi %get3A_321, %add3A_322 : vector<16xi32>
    %swap3A_324 = arith.constant 0 : i32
    %swap3A_325 = arith.index_cast %swap3A_324 : i32 to index
    %swap3A_326 = arith.constant 64 : index
    %swap3A_327 = tpu.vector_load %arg7[%swap3A_325, %swap3A_326] {strides = array<i32>} : memref<2x128xi32, #tpu.memory_space<vmem>>, vector<1x16xi32>,
    %swap3A_328 = vector.shape_cast %swap3A_327 : vector<1x16xi32> to vector<16xi32>
    %swap3A_329 = vector.shape_cast %add3A_323 : vector<16xi32> to vector<1x16xi32>
    tpu.vector_store %arg7[%swap3A_325, %swap3A_326], %swap3A_329 {strides = array<i32>} : memref<2x128xi32, #tpu.memory_space<vmem>>, vector<1x16xi32>,
    %get3A_330 = arith.constant 0 : i32
    %get3A_331 = arith.index_cast %get3A_330 : i32 to index
    %get3A_332 = arith.constant 80 : index
    %get3A_333 = tpu.vector_load %arg7[%get3A_331, %get3A_332] {strides = array<i32>} : memref<2x128xi32, #tpu.memory_space<vmem>>, vector<1x16xi32>,
    %get3A_334 = vector.shape_cast %get3A_333 : vector<1x16xi32> to vector<16xi32>
    %add3A_335 = vector.broadcast %mul3A_226 : i32 to vector<16xi32>
    %add3A_336 = arith.addi %get3A_334, %add3A_335 : vector<16xi32>
    %swap3A_337 = arith.constant 0 : i32
    %swap3A_338 = arith.index_cast %swap3A_337 : i32 to index
    %swap3A_339 = arith.constant 80 : index
    %swap3A_340 = tpu.vector_load %arg7[%swap3A_338, %swap3A_339] {strides = array<i32>} : memref<2x128xi32, #tpu.memory_space<vmem>>, vector<1x16xi32>,
    %swap3A_341 = vector.shape_cast %swap3A_340 : vector<1x16xi32> to vector<16xi32>
    %swap3A_342 = vector.shape_cast %add3A_336 : vector<16xi32> to vector<1x16xi32>
    tpu.vector_store %arg7[%swap3A_338, %swap3A_339], %swap3A_342 {strides = array<i32>} : memref<2x128xi32, #tpu.memory_space<vmem>>, vector<1x16xi32>,
    %get3A_343 = arith.constant 0 : i32
    %get3A_344 = arith.index_cast %get3A_343 : i32 to index
    %get3A_345 = arith.constant 96 : index
    %get3A_346 = tpu.vector_load %arg7[%get3A_344, %get3A_345] {strides = array<i32>} : memref<2x128xi32, #tpu.memory_space<vmem>>, vector<1x16xi32>,
    %get3A_347 = vector.shape_cast %get3A_346 : vector<1x16xi32> to vector<16xi32>
    %add3A_348 = vector.broadcast %mul3A_226 : i32 to vector<16xi32>
    %add3A_349 = arith.addi %get3A_347, %add3A_348 : vector<16xi32>
    %swap3A_350 = arith.constant 0 : i32
    %swap3A_351 = arith.index_cast %swap3A_350 : i32 to index
    %swap3A_352 = arith.constant 96 : index
    %swap3A_353 = tpu.vector_load %arg7[%swap3A_351, %swap3A_352] {strides = array<i32>} : memref<2x128xi32, #tpu.memory_space<vmem>>, vector<1x16xi32>,
    %swap3A_354 = vector.shape_cast %swap3A_353 : vector<1x16xi32> to vector<16xi32>
    %swap3A_355 = vector.shape_cast %add3A_349 : vector<16xi32> to vector<1x16xi32>
    tpu.vector_store %arg7[%swap3A_351, %swap3A_352], %swap3A_355 {strides = array<i32>} : memref<2x128xi32, #tpu.memory_space<vmem>>, vector<1x16xi32>,
    %get3A_356 = arith.constant 0 : i32
    %get3A_357 = arith.index_cast %get3A_356 : i32 to index
    %get3A_358 = arith.constant 112 : index
    %get3A_359 = tpu.vector_load %arg7[%get3A_357, %get3A_358] {strides = array<i32>} : memref<2x128xi32, #tpu.memory_space<vmem>>, vector<1x16xi32>,
    %get3A_360 = vector.shape_cast %get3A_359 : vector<1x16xi32> to vector<16xi32>
    %add3A_361 = vector.broadcast %mul3A_226 : i32 to vector<16xi32>
    %add3A_362 = arith.addi %get3A_360, %add3A_361 : vector<16xi32>
    %swap3A_363 = arith.constant 0 : i32
    %swap3A_364 = arith.index_cast %swap3A_363 : i32 to index
    %swap3A_365 = arith.constant 112 : index
    %swap3A_366 = tpu.vector_load %arg7[%swap3A_364, %swap3A_365] {strides = array<i32>} : memref<2x128xi32, #tpu.memory_space<vmem>>, vector<1x16xi32>,
    %swap3A_367 = vector.shape_cast %swap3A_366 : vector<1x16xi32> to vector<16xi32>
    %swap3A_368 = vector.shape_cast %add3A_362 : vector<16xi32> to vector<1x16xi32>
    tpu.vector_store %arg7[%swap3A_364, %swap3A_365], %swap3A_368 {strides = array<i32>} : memref<2x128xi32, #tpu.memory_space<vmem>>, vector<1x16xi32>,
    %dma_start3A_369 = arith.constant 0 : i32
    %dma_start3A_370 = arith.constant 0 : i32
    %dma_start3A_371 = arith.constant 0 : i32
    %dma_start3A_372 = arith.constant 0 : i32
    %dma_start3A_373 = tpu.memref_slice %arg9[%dma_start3A_370, %dma_start3A_371, %dma_start3A_372] : memref<2x128x128xf32, #tpu.memory_space<vmem>> -> memref<1x128x128xf32, #tpu.memory_space<vmem>>
    %dma_start3A_374 = tpu.memref_squeeze %dma_start3A_373 : memref<1x128x128xf32, #tpu.memory_space<vmem>> -> memref<128x128xf32, #tpu.memory_space<vmem>>
    %dma_start3A_375 = arith.constant 0 : i32
    %dma_start3A_376 = tpu.memref_slice %arg7[%dma_start3A_369, %dma_start3A_375] : memref<2x128xi32, #tpu.memory_space<vmem>> -> memref<1x128xi32, #tpu.memory_space<vmem>>
    %dma_start3A_377 = tpu.memref_squeeze %dma_start3A_376 : memref<1x128xi32, #tpu.memory_space<vmem>> -> memref<128xi32, #tpu.memory_space<vmem>>
    %dma_start3A_378 = arith.constant 0 : i32
    %dma_start3A_379 = arith.constant 0 : i32
    %dma_start3A_380 = tpu.memref_slice %arg2[%dma_start3A_378, %dma_start3A_379] : memref<20480x128xf32, #tpu.memory_space<hbm>> -> memref<20480x128xf32, #tpu.memory_space<hbm>>
    tpu.enqueue_indirect_dma source(%dma_start3A_380 : memref<20480x128xf32, #tpu.memory_space<hbm>>) target(%dma_start3A_374 : memref<128x128xf32, #tpu.memory_space<vmem>>) offsets(%dma_start3A_377 : memref<128xi32, #tpu.memory_space<vmem>>) semaphore(%arg16 : memref<!tpu.dma_semaphore, #tpu.memory_space<semaphore_mem>>)
    %mul3A_381 = arith.constant 10000 : i32
    %mul3A_382 = arith.muli %arg1, %mul3A_381 : i32
    %add3A_383 = arith.constant 128 : i32
    %add3A_384 = arith.addi %mul3A_382, %add3A_383 : i32
    %dma_start3A_385 = arith.constant 1 : i32
    %dma_start3A_386 = arith.constant 0 : i32
    %dma_start3A_387 = tpu.memref_slice %arg7[%dma_start3A_385, %dma_start3A_386] : memref<2x128xi32, #tpu.memory_space<vmem>> -> memref<1x128xi32, #tpu.memory_space<vmem>>
    %dma_start3A_388 = tpu.memref_squeeze %dma_start3A_387 : memref<1x128xi32, #tpu.memory_space<vmem>> -> memref<128xi32, #tpu.memory_space<vmem>>
    %dma_start3A_389 = tpu.memref_slice %arg3[%add3A_384] : memref<160000xi32, #tpu.memory_space<hbm>> -> memref<128xi32, #tpu.memory_space<hbm>>
    %dma_start3A_390 = arith.constant 0 : i32
    %dma_start3A_391 = tpu.memref_slice %arg7[%dma_start3A_385, %dma_start3A_390] : memref<2x128xi32, #tpu.memory_space<vmem>> -> memref<1x128xi32, #tpu.memory_space<vmem>>
    %dma_start3A_392 = tpu.memref_squeeze %dma_start3A_391 : memref<1x128xi32, #tpu.memory_space<vmem>> -> memref<128xi32, #tpu.memory_space<vmem>>
    %dma_start3A_393 = tpu.memref_slice %arg3[%add3A_384] : memref<160000xi32, #tpu.memory_space<hbm>> -> memref<128xi32, #tpu.memory_space<hbm>>
    tpu.enqueue_dma source(%dma_start3A_393 : memref<128xi32, #tpu.memory_space<hbm>>) target(%dma_start3A_392 : memref<128xi32, #tpu.memory_space<vmem>>) target_semaphore(%arg21 : memref<!tpu.dma_semaphore, #tpu.memory_space<semaphore_mem>>)
    %mul3A_394 = arith.constant 10000 : i32
    %mul3A_395 = arith.muli %arg1, %mul3A_394 : i32
    %add3A_396 = arith.constant 128 : i32
    %add3A_397 = arith.addi %mul3A_395, %add3A_396 : i32
    %dma_start3A_398 = arith.constant 1 : i32
    %dma_start3A_399 = arith.constant 0 : i32
    %dma_start3A_400 = tpu.memref_slice %arg8[%dma_start3A_398, %dma_start3A_399] : memref<2x128xi32, #tpu.memory_space<vmem>> -> memref<1x128xi32, #tpu.memory_space<vmem>>
    %dma_start3A_401 = tpu.memref_squeeze %dma_start3A_400 : memref<1x128xi32, #tpu.memory_space<vmem>> -> memref<128xi32, #tpu.memory_space<vmem>>
    %dma_start3A_402 = tpu.memref_slice %arg4[%add3A_397] : memref<160000xi32, #tpu.memory_space<hbm>> -> memref<128xi32, #tpu.memory_space<hbm>>
    %dma_start3A_403 = arith.constant 0 : i32
    %dma_start3A_404 = tpu.memref_slice %arg8[%dma_start3A_398, %dma_start3A_403] : memref<2x128xi32, #tpu.memory_space<vmem>> -> memref<1x128xi32, #tpu.memory_space<vmem>>
    %dma_start3A_405 = tpu.memref_squeeze %dma_start3A_404 : memref<1x128xi32, #tpu.memory_space<vmem>> -> memref<128xi32, #tpu.memory_space<vmem>>
    %dma_start3A_406 = tpu.memref_slice %arg4[%add3A_397] : memref<160000xi32, #tpu.memory_space<hbm>> -> memref<128xi32, #tpu.memory_space<hbm>>
    tpu.enqueue_dma source(%dma_start3A_406 : memref<128xi32, #tpu.memory_space<hbm>>) target(%dma_start3A_405 : memref<128xi32, #tpu.memory_space<vmem>>) target_semaphore(%arg23 : memref<!tpu.dma_semaphore, #tpu.memory_space<semaphore_mem>>)
    %mul3A_407 = arith.constant 10000 : i32
    %mul3A_408 = arith.muli %arg1, %mul3A_407 : i32
    %add3A_409 = arith.constant 128 : i32
    %add3A_410 = arith.addi %mul3A_408, %add3A_409 : i32
    %dma_wait3A_411 = arith.constant 1 : i32
    %dma_wait3A_412 = arith.constant 0 : i32
    %dma_wait3A_413 = tpu.memref_slice %arg7[%dma_wait3A_411, %dma_wait3A_412] : memref<2x128xi32, #tpu.memory_space<vmem>> -> memref<1x128xi32, #tpu.memory_space<vmem>>
    %dma_wait3A_414 = tpu.memref_squeeze %dma_wait3A_413 : memref<1x128xi32, #tpu.memory_space<vmem>> -> memref<128xi32, #tpu.memory_space<vmem>>
    %dma_wait3A_415 = tpu.memref_slice %arg3[%add3A_410] : memref<160000xi32, #tpu.memory_space<hbm>> -> memref<128xi32, #tpu.memory_space<hbm>>
    %dma_wait3A_416 = arith.constant 0 : i32
    %dma_wait3A_417 = tpu.memref_slice %arg7[%dma_wait3A_411, %dma_wait3A_416] : memref<2x128xi32, #tpu.memory_space<vmem>> -> memref<1x128xi32, #tpu.memory_space<vmem>>
    %dma_wait3A_418 = tpu.memref_squeeze %dma_wait3A_417 : memref<1x128xi32, #tpu.memory_space<vmem>> -> memref<128xi32, #tpu.memory_space<vmem>>
    %dma_wait3A_419 = tpu.memref_slice %arg3[%add3A_410] : memref<160000xi32, #tpu.memory_space<hbm>> -> memref<128xi32, #tpu.memory_space<hbm>>
    tpu.wait_dma2 semaphore(%arg21 : memref<!tpu.dma_semaphore, #tpu.memory_space<semaphore_mem>>) src(%dma_wait3A_419 : memref<128xi32, #tpu.memory_space<hbm>>) dst(%dma_wait3A_418 : memref<128xi32, #tpu.memory_space<vmem>>)
    %get3A_420 = arith.constant 1 : i32
    %get3A_421 = arith.index_cast %get3A_420 : i32 to index
    %get3A_422 = arith.constant 0 : index
    %get3A_423 = tpu.vector_load %arg7[%get3A_421, %get3A_422] {strides = array<i32>} : memref<2x128xi32, #tpu.memory_space<vmem>>, vector<1x16xi32>,
    %get3A_424 = vector.shape_cast %get3A_423 : vector<1x16xi32> to vector<16xi32>
    %add3A_425 = vector.broadcast %mul3A_226 : i32 to vector<16xi32>
    %add3A_426 = arith.addi %get3A_424, %add3A_425 : vector<16xi32>
    %swap3A_427 = arith.constant 1 : i32
    %swap3A_428 = arith.index_cast %swap3A_427 : i32 to index
    %swap3A_429 = arith.constant 0 : index
    %swap3A_430 = tpu.vector_load %arg7[%swap3A_428, %swap3A_429] {strides = array<i32>} : memref<2x128xi32, #tpu.memory_space<vmem>>, vector<1x16xi32>,
    %swap3A_431 = vector.shape_cast %swap3A_430 : vector<1x16xi32> to vector<16xi32>
    %swap3A_432 = vector.shape_cast %add3A_426 : vector<16xi32> to vector<1x16xi32>
    tpu.vector_store %arg7[%swap3A_428, %swap3A_429], %swap3A_432 {strides = array<i32>} : memref<2x128xi32, #tpu.memory_space<vmem>>, vector<1x16xi32>,
    %get3A_433 = arith.constant 1 : i32
    %get3A_434 = arith.index_cast %get3A_433 : i32 to index
    %get3A_435 = arith.constant 16 : index
    %get3A_436 = tpu.vector_load %arg7[%get3A_434, %get3A_435] {strides = array<i32>} : memref<2x128xi32, #tpu.memory_space<vmem>>, vector<1x16xi32>,
    %get3A_437 = vector.shape_cast %get3A_436 : vector<1x16xi32> to vector<16xi32>
    %add3A_438 = vector.broadcast %mul3A_226 : i32 to vector<16xi32>
    %add3A_439 = arith.addi %get3A_437, %add3A_438 : vector<16xi32>
    %swap3A_440 = arith.constant 1 : i32
    %swap3A_441 = arith.index_cast %swap3A_440 : i32 to index
    %swap3A_442 = arith.constant 16 : index
    %swap3A_443 = tpu.vector_load %arg7[%swap3A_441, %swap3A_442] {strides = array<i32>} : memref<2x128xi32, #tpu.memory_space<vmem>>, vector<1x16xi32>,
    %swap3A_444 = vector.shape_cast %swap3A_443 : vector<1x16xi32> to vector<16xi32>
    %swap3A_445 = vector.shape_cast %add3A_439 : vector<16xi32> to vector<1x16xi32>
    tpu.vector_store %arg7[%swap3A_441, %swap3A_442], %swap3A_445 {strides = array<i32>} : memref<2x128xi32, #tpu.memory_space<vmem>>, vector<1x16xi32>,
    %get3A_446 = arith.constant 1 : i32
    %get3A_447 = arith.index_cast %get3A_446 : i32 to index
    %get3A_448 = arith.constant 32 : index
    %get3A_449 = tpu.vector_load %arg7[%get3A_447, %get3A_448] {strides = array<i32>} : memref<2x128xi32, #tpu.memory_space<vmem>>, vector<1x16xi32>,
    %get3A_450 = vector.shape_cast %get3A_449 : vector<1x16xi32> to vector<16xi32>
    %add3A_451 = vector.broadcast %mul3A_226 : i32 to vector<16xi32>
    %add3A_452 = arith.addi %get3A_450, %add3A_451 : vector<16xi32>
    %swap3A_453 = arith.constant 1 : i32
    %swap3A_454 = arith.index_cast %swap3A_453 : i32 to index
    %swap3A_455 = arith.constant 32 : index
    %swap3A_456 = tpu.vector_load %arg7[%swap3A_454, %swap3A_455] {strides = array<i32>} : memref<2x128xi32, #tpu.memory_space<vmem>>, vector<1x16xi32>,
    %swap3A_457 = vector.shape_cast %swap3A_456 : vector<1x16xi32> to vector<16xi32>
    %swap3A_458 = vector.shape_cast %add3A_452 : vector<16xi32> to vector<1x16xi32>
    tpu.vector_store %arg7[%swap3A_454, %swap3A_455], %swap3A_458 {strides = array<i32>} : memref<2x128xi32, #tpu.memory_space<vmem>>, vector<1x16xi32>,
    %get3A_459 = arith.constant 1 : i32
    %get3A_460 = arith.index_cast %get3A_459 : i32 to index
    %get3A_461 = arith.constant 48 : index
    %get3A_462 = tpu.vector_load %arg7[%get3A_460, %get3A_461] {strides = array<i32>} : memref<2x128xi32, #tpu.memory_space<vmem>>, vector<1x16xi32>,
    %get3A_463 = vector.shape_cast %get3A_462 : vector<1x16xi32> to vector<16xi32>
    %add3A_464 = vector.broadcast %mul3A_226 : i32 to vector<16xi32>
    %add3A_465 = arith.addi %get3A_463, %add3A_464 : vector<16xi32>
    %swap3A_466 = arith.constant 1 : i32
    %swap3A_467 = arith.index_cast %swap3A_466 : i32 to index
    %swap3A_468 = arith.constant 48 : index
    %swap3A_469 = tpu.vector_load %arg7[%swap3A_467, %swap3A_468] {strides = array<i32>} : memref<2x128xi32, #tpu.memory_space<vmem>>, vector<1x16xi32>,
    %swap3A_470 = vector.shape_cast %swap3A_469 : vector<1x16xi32> to vector<16xi32>
    %swap3A_471 = vector.shape_cast %add3A_465 : vector<16xi32> to vector<1x16xi32>
    tpu.vector_store %arg7[%swap3A_467, %swap3A_468], %swap3A_471 {strides = array<i32>} : memref<2x128xi32, #tpu.memory_space<vmem>>, vector<1x16xi32>,
    %get3A_472 = arith.constant 1 : i32
    %get3A_473 = arith.index_cast %get3A_472 : i32 to index
    %get3A_474 = arith.constant 64 : index
    %get3A_475 = tpu.vector_load %arg7[%get3A_473, %get3A_474] {strides = array<i32>} : memref<2x128xi32, #tpu.memory_space<vmem>>, vector<1x16xi32>,
    %get3A_476 = vector.shape_cast %get3A_475 : vector<1x16xi32> to vector<16xi32>
    %add3A_477 = vector.broadcast %mul3A_226 : i32 to vector<16xi32>
    %add3A_478 = arith.addi %get3A_476, %add3A_477 : vector<16xi32>
    %swap3A_479 = arith.constant 1 : i32
    %swap3A_480 = arith.index_cast %swap3A_479 : i32 to index
    %swap3A_481 = arith.constant 64 : index
    %swap3A_482 = tpu.vector_load %arg7[%swap3A_480, %swap3A_481] {strides = array<i32>} : memref<2x128xi32, #tpu.memory_space<vmem>>, vector<1x16xi32>,
    %swap3A_483 = vector.shape_cast %swap3A_482 : vector<1x16xi32> to vector<16xi32>
    %swap3A_484 = vector.shape_cast %add3A_478 : vector<16xi32> to vector<1x16xi32>
    tpu.vector_store %arg7[%swap3A_480, %swap3A_481], %swap3A_484 {strides = array<i32>} : memref<2x128xi32, #tpu.memory_space<vmem>>, vector<1x16xi32>,
    %get3A_485 = arith.constant 1 : i32
    %get3A_486 = arith.index_cast %get3A_485 : i32 to index
    %get3A_487 = arith.constant 80 : index
    %get3A_488 = tpu.vector_load %arg7[%get3A_486, %get3A_487] {strides = array<i32>} : memref<2x128xi32, #tpu.memory_space<vmem>>, vector<1x16xi32>,
    %get3A_489 = vector.shape_cast %get3A_488 : vector<1x16xi32> to vector<16xi32>
    %add3A_490 = vector.broadcast %mul3A_226 : i32 to vector<16xi32>
    %add3A_491 = arith.addi %get3A_489, %add3A_490 : vector<16xi32>
    %swap3A_492 = arith.constant 1 : i32
    %swap3A_493 = arith.index_cast %swap3A_492 : i32 to index
    %swap3A_494 = arith.constant 80 : index
    %swap3A_495 = tpu.vector_load %arg7[%swap3A_493, %swap3A_494] {strides = array<i32>} : memref<2x128xi32, #tpu.memory_space<vmem>>, vector<1x16xi32>,
    %swap3A_496 = vector.shape_cast %swap3A_495 : vector<1x16xi32> to vector<16xi32>
    %swap3A_497 = vector.shape_cast %add3A_491 : vector<16xi32> to vector<1x16xi32>
    tpu.vector_store %arg7[%swap3A_493, %swap3A_494], %swap3A_497 {strides = array<i32>} : memref<2x128xi32, #tpu.memory_space<vmem>>, vector<1x16xi32>,
    %get3A_498 = arith.constant 1 : i32
    %get3A_499 = arith.index_cast %get3A_498 : i32 to index
    %get3A_500 = arith.constant 96 : index
    %get3A_501 = tpu.vector_load %arg7[%get3A_499, %get3A_500] {strides = array<i32>} : memref<2x128xi32, #tpu.memory_space<vmem>>, vector<1x16xi32>,
    %get3A_502 = vector.shape_cast %get3A_501 : vector<1x16xi32> to vector<16xi32>
    %add3A_503 = vector.broadcast %mul3A_226 : i32 to vector<16xi32>
    %add3A_504 = arith.addi %get3A_502, %add3A_503 : vector<16xi32>
    %swap3A_505 = arith.constant 1 : i32
    %swap3A_506 = arith.index_cast %swap3A_505 : i32 to index
    %swap3A_507 = arith.constant 96 : index
    %swap3A_508 = tpu.vector_load %arg7[%swap3A_506, %swap3A_507] {strides = array<i32>} : memref<2x128xi32, #tpu.memory_space<vmem>>, vector<1x16xi32>,
    %swap3A_509 = vector.shape_cast %swap3A_508 : vector<1x16xi32> to vector<16xi32>
    %swap3A_510 = vector.shape_cast %add3A_504 : vector<16xi32> to vector<1x16xi32>
    tpu.vector_store %arg7[%swap3A_506, %swap3A_507], %swap3A_510 {strides = array<i32>} : memref<2x128xi32, #tpu.memory_space<vmem>>, vector<1x16xi32>,
    %get3A_511 = arith.constant 1 : i32
    %get3A_512 = arith.index_cast %get3A_511 : i32 to index
    %get3A_513 = arith.constant 112 : index
    %get3A_514 = tpu.vector_load %arg7[%get3A_512, %get3A_513] {strides = array<i32>} : memref<2x128xi32, #tpu.memory_space<vmem>>, vector<1x16xi32>,
    %get3A_515 = vector.shape_cast %get3A_514 : vector<1x16xi32> to vector<16xi32>
    %add3A_516 = vector.broadcast %mul3A_226 : i32 to vector<16xi32>
    %add3A_517 = arith.addi %get3A_515, %add3A_516 : vector<16xi32>
    %swap3A_518 = arith.constant 1 : i32
    %swap3A_519 = arith.index_cast %swap3A_518 : i32 to index
    %swap3A_520 = arith.constant 112 : index
    %swap3A_521 = tpu.vector_load %arg7[%swap3A_519, %swap3A_520] {strides = array<i32>} : memref<2x128xi32, #tpu.memory_space<vmem>>, vector<1x16xi32>,
    %swap3A_522 = vector.shape_cast %swap3A_521 : vector<1x16xi32> to vector<16xi32>
    %swap3A_523 = vector.shape_cast %add3A_517 : vector<16xi32> to vector<1x16xi32>
    tpu.vector_store %arg7[%swap3A_519, %swap3A_520], %swap3A_523 {strides = array<i32>} : memref<2x128xi32, #tpu.memory_space<vmem>>, vector<1x16xi32>,
    %dma_start3A_524 = arith.constant 1 : i32
    %dma_start3A_525 = arith.constant 1 : i32
    %dma_start3A_526 = arith.constant 0 : i32
    %dma_start3A_527 = arith.constant 0 : i32
    %dma_start3A_528 = tpu.memref_slice %arg9[%dma_start3A_525, %dma_start3A_526, %dma_start3A_527] : memref<2x128x128xf32, #tpu.memory_space<vmem>> -> memref<1x128x128xf32, #tpu.memory_space<vmem>>
    %dma_start3A_529 = tpu.memref_squeeze %dma_start3A_528 : memref<1x128x128xf32, #tpu.memory_space<vmem>> -> memref<128x128xf32, #tpu.memory_space<vmem>>
    %dma_start3A_530 = arith.constant 0 : i32
    %dma_start3A_531 = tpu.memref_slice %arg7[%dma_start3A_524, %dma_start3A_530] : memref<2x128xi32, #tpu.memory_space<vmem>> -> memref<1x128xi32, #tpu.memory_space<vmem>>
    %dma_start3A_532 = tpu.memref_squeeze %dma_start3A_531 : memref<1x128xi32, #tpu.memory_space<vmem>> -> memref<128xi32, #tpu.memory_space<vmem>>
    %dma_start3A_533 = arith.constant 0 : i32
    %dma_start3A_534 = arith.constant 0 : i32
    %dma_start3A_535 = tpu.memref_slice %arg2[%dma_start3A_533, %dma_start3A_534] : memref<20480x128xf32, #tpu.memory_space<hbm>> -> memref<20480x128xf32, #tpu.memory_space<hbm>>
    tpu.enqueue_indirect_dma source(%dma_start3A_535 : memref<20480x128xf32, #tpu.memory_space<hbm>>) target(%dma_start3A_529 : memref<128x128xf32, #tpu.memory_space<vmem>>) offsets(%dma_start3A_532 : memref<128xi32, #tpu.memory_space<vmem>>) semaphore(%arg17 : memref<!tpu.dma_semaphore, #tpu.memory_space<semaphore_mem>>)
    %scan3A_536 = arith.constant 0 : i32
    %scan3A_537 = arith.constant 0 : i32
    %scan3A_538 = arith.constant 38 : i32
    %scan3A_539 = arith.addi %scan3A_537, %scan3A_538 : i32
    %scan3A_540 = arith.constant 1 : i32
    scf.for %scan3A_1036 = %scan3A_537 to %scan3A_539 step %scan3A_540  : i32 {
      %mul3A_1037 = arith.constant 2 : i32
      %mul3A_1038 = arith.muli %mul3A_1037, %scan3A_1036 : i32
      %dma_wait3A_1039 = arith.constant 0 : i32
      %dma_wait3A_1040 = arith.constant 0 : i32
      %dma_wait3A_1041 = arith.constant 0 : i32
      %dma_wait3A_1042 = arith.constant 0 : i32
      %dma_wait3A_1043 = tpu.memref_slice %arg9[%dma_wait3A_1040, %dma_wait3A_1041, %dma_wait3A_1042] : memref<2x128x128xf32, #tpu.memory_space<vmem>> -> memref<1x128x128xf32, #tpu.memory_space<vmem>>
      %dma_wait3A_1044 = tpu.memref_squeeze %dma_wait3A_1043 : memref<1x128x128xf32, #tpu.memory_space<vmem>> -> memref<128x128xf32, #tpu.memory_space<vmem>>
      %dma_wait3A_1045 = arith.constant 0 : i32
      %dma_wait3A_1046 = tpu.memref_slice %arg7[%dma_wait3A_1039, %dma_wait3A_1045] : memref<2x128xi32, #tpu.memory_space<vmem>> -> memref<1x128xi32, #tpu.memory_space<vmem>>
      %dma_wait3A_1047 = tpu.memref_squeeze %dma_wait3A_1046 : memref<1x128xi32, #tpu.memory_space<vmem>> -> memref<128xi32, #tpu.memory_space<vmem>>
      %dma_wait3A_1048 = arith.constant 0 : i32
      %dma_wait3A_1049 = arith.constant 0 : i32
      %dma_wait3A_1050 = tpu.memref_slice %arg2[%dma_wait3A_1048, %dma_wait3A_1049] : memref<20480x128xf32, #tpu.memory_space<hbm>> -> memref<20480x128xf32, #tpu.memory_space<hbm>>
      tpu.wait_indirect_dma semaphore(%arg16 : memref<!tpu.dma_semaphore, #tpu.memory_space<semaphore_mem>>) src(%dma_wait3A_1050 : memref<20480x128xf32, #tpu.memory_space<hbm>>) dst(%dma_wait3A_1044 : memref<128x128xf32, #tpu.memory_space<vmem>>)
      %mul3A_1051 = arith.constant 10000 : i32
      %mul3A_1052 = arith.muli %arg1, %mul3A_1051 : i32
      %mul3A_1053 = arith.constant 128 : i32
      %mul3A_1054 = arith.muli %mul3A_1038, %mul3A_1053 : i32
      %add3A_1055 = arith.addi %mul3A_1052, %mul3A_1054 : i32
      %dma_wait3A_1056 = arith.constant 0 : i32
      %dma_wait3A_1057 = arith.constant 0 : i32
      %dma_wait3A_1058 = tpu.memref_slice %arg8[%dma_wait3A_1056, %dma_wait3A_1057] : memref<2x128xi32, #tpu.memory_space<vmem>> -> memref<1x128xi32, #tpu.memory_space<vmem>>
      %dma_wait3A_1059 = tpu.memref_squeeze %dma_wait3A_1058 : memref<1x128xi32, #tpu.memory_space<vmem>> -> memref<128xi32, #tpu.memory_space<vmem>>
      %dma_wait3A_1060 = tpu.memref_slice %arg4[%add3A_1055] : memref<160000xi32, #tpu.memory_space<hbm>> -> memref<128xi32, #tpu.memory_space<hbm>>
      %dma_wait3A_1061 = arith.constant 0 : i32
      %dma_wait3A_1062 = tpu.memref_slice %arg8[%dma_wait3A_1056, %dma_wait3A_1061] : memref<2x128xi32, #tpu.memory_space<vmem>> -> memref<1x128xi32, #tpu.memory_space<vmem>>
      %dma_wait3A_1063 = tpu.memref_squeeze %dma_wait3A_1062 : memref<1x128xi32, #tpu.memory_space<vmem>> -> memref<128xi32, #tpu.memory_space<vmem>>
      %dma_wait3A_1064 = tpu.memref_slice %arg4[%add3A_1055] : memref<160000xi32, #tpu.memory_space<hbm>> -> memref<128xi32, #tpu.memory_space<hbm>>
      tpu.wait_dma2 semaphore(%arg22 : memref<!tpu.dma_semaphore, #tpu.memory_space<semaphore_mem>>) src(%dma_wait3A_1064 : memref<128xi32, #tpu.memory_space<hbm>>) dst(%dma_wait3A_1063 : memref<128xi32, #tpu.memory_space<vmem>>)
      %dma_start3A_1065 = arith.constant 0 : i32
      %dma_start3A_1066 = arith.constant 0 : i32
      %dma_start3A_1067 = arith.constant 0 : i32
      %dma_start3A_1068 = arith.constant 0 : i32
      %dma_start3A_1069 = tpu.memref_slice %arg9[%dma_start3A_1065, %dma_start3A_1067, %dma_start3A_1068] : memref<2x128x128xf32, #tpu.memory_space<vmem>> -> memref<1x128x128xf32, #tpu.memory_space<vmem>>
      %dma_start3A_1070 = tpu.memref_squeeze %dma_start3A_1069 : memref<1x128x128xf32, #tpu.memory_space<vmem>> -> memref<128x128xf32, #tpu.memory_space<vmem>>
      %dma_start3A_1071 = arith.constant 0 : i32
      %dma_start3A_1072 = tpu.memref_slice %arg8[%dma_start3A_1066, %dma_start3A_1071] : memref<2x128xi32, #tpu.memory_space<vmem>> -> memref<1x128xi32, #tpu.memory_space<vmem>>
      %dma_start3A_1073 = tpu.memref_squeeze %dma_start3A_1072 : memref<1x128xi32, #tpu.memory_space<vmem>> -> memref<128xi32, #tpu.memory_space<vmem>>
      %dma_start3A_1074 = arith.constant 0 : i32
      %dma_start3A_1075 = arith.constant 0 : i32
      %dma_start3A_1076 = tpu.memref_slice %arg14[%dma_start3A_1074, %dma_start3A_1075] : memref<10240x128xf32, #tpu.memory_space<vmem_shared>> -> memref<10240x128xf32, #tpu.memory_space<vmem_shared>>
      tpu.enqueue_indirect_dma source(%dma_start3A_1070 : memref<128x128xf32, #tpu.memory_space<vmem>>) target(%dma_start3A_1076 : memref<10240x128xf32, #tpu.memory_space<vmem_shared>>) offsets(%dma_start3A_1073 : memref<128xi32, #tpu.memory_space<vmem>>) semaphore(%arg18 : memref<!tpu.dma_semaphore, #tpu.memory_space<semaphore_mem>>) {add = true}
      %dma_start3A_1077 = arith.constant 0 : i32
      %dma_start3A_1078 = arith.constant 0 : i32
      %dma_start3A_1079 = tpu.memref_slice %arg8[%dma_start3A_1077, %dma_start3A_1078] : memref<2x128xi32, #tpu.memory_space<vmem>> -> memref<1x128xi32, #tpu.memory_space<vmem>>
      %dma_start3A_1080 = tpu.memref_squeeze %dma_start3A_1079 : memref<1x128xi32, #tpu.memory_space<vmem>> -> memref<128xi32, #tpu.memory_space<vmem>>
      %dma_start3A_1081 = arith.constant 0 : i32
      %dma_start3A_1082 = tpu.memref_slice %arg15[%dma_start3A_1081] : memref<10240xf32, #tpu.memory_space<vmem_shared>> -> memref<10240xf32, #tpu.memory_space<vmem_shared>>
      tpu.enqueue_indirect_dma source(%arg12 : memref<128xf32, #tpu.memory_space<vmem>>) target(%dma_start3A_1082 : memref<10240xf32, #tpu.memory_space<vmem_shared>>) offsets(%dma_start3A_1080 : memref<128xi32, #tpu.memory_space<vmem>>) semaphore(%arg18 : memref<!tpu.dma_semaphore, #tpu.memory_space<semaphore_mem>>) {add = true}
      %add3A_1083 = arith.constant 2 : i32
      %add3A_1084 = arith.addi %mul3A_1038, %add3A_1083 : i32
      %mul3A_1085 = arith.constant 10000 : i32
      %mul3A_1086 = arith.muli %arg1, %mul3A_1085 : i32
      %mul3A_1087 = arith.constant 128 : i32
      %mul3A_1088 = arith.muli %add3A_1084, %mul3A_1087 : i32
      %add3A_1089 = arith.addi %mul3A_1086, %mul3A_1088 : i32
      %dma_start3A_1090 = arith.constant 0 : i32
      %dma_start3A_1091 = arith.constant 0 : i32
      %dma_start3A_1092 = tpu.memref_slice %arg7[%dma_start3A_1090, %dma_start3A_1091] : memref<2x128xi32, #tpu.memory_space<vmem>> -> memref<1x128xi32, #tpu.memory_space<vmem>>
      %dma_start3A_1093 = tpu.memref_squeeze %dma_start3A_1092 : memref<1x128xi32, #tpu.memory_space<vmem>> -> memref<128xi32, #tpu.memory_space<vmem>>
      %dma_start3A_1094 = tpu.memref_slice %arg3[%add3A_1089] : memref<160000xi32, #tpu.memory_space<hbm>> -> memref<128xi32, #tpu.memory_space<hbm>>
      %dma_start3A_1095 = arith.constant 0 : i32
      %dma_start3A_1096 = tpu.memref_slice %arg7[%dma_start3A_1090, %dma_start3A_1095] : memref<2x128xi32, #tpu.memory_space<vmem>> -> memref<1x128xi32, #tpu.memory_space<vmem>>
      %dma_start3A_1097 = tpu.memref_squeeze %dma_start3A_1096 : memref<1x128xi32, #tpu.memory_space<vmem>> -> memref<128xi32, #tpu.memory_space<vmem>>
      %dma_start3A_1098 = tpu.memref_slice %arg3[%add3A_1089] : memref<160000xi32, #tpu.memory_space<hbm>> -> memref<128xi32, #tpu.memory_space<hbm>>
      tpu.enqueue_dma source(%dma_start3A_1098 : memref<128xi32, #tpu.memory_space<hbm>>) target(%dma_start3A_1097 : memref<128xi32, #tpu.memory_space<vmem>>) target_semaphore(%arg20 : memref<!tpu.dma_semaphore, #tpu.memory_space<semaphore_mem>>)
      %add3A_1099 = arith.constant 2 : i32
      %add3A_1100 = arith.addi %mul3A_1038, %add3A_1099 : i32
      %mul3A_1101 = arith.constant 10000 : i32
      %mul3A_1102 = arith.muli %arg1, %mul3A_1101 : i32
      %mul3A_1103 = arith.constant 128 : i32
      %mul3A_1104 = arith.muli %add3A_1100, %mul3A_1103 : i32
      %add3A_1105 = arith.addi %mul3A_1102, %mul3A_1104 : i32
      %dma_wait3A_1106 = arith.constant 0 : i32
      %dma_wait3A_1107 = arith.constant 0 : i32
      %dma_wait3A_1108 = tpu.memref_slice %arg7[%dma_wait3A_1106, %dma_wait3A_1107] : memref<2x128xi32, #tpu.memory_space<vmem>> -> memref<1x128xi32, #tpu.memory_space<vmem>>
      %dma_wait3A_1109 = tpu.memref_squeeze %dma_wait3A_1108 : memref<1x128xi32, #tpu.memory_space<vmem>> -> memref<128xi32, #tpu.memory_space<vmem>>
      %dma_wait3A_1110 = tpu.memref_slice %arg3[%add3A_1105] : memref<160000xi32, #tpu.memory_space<hbm>> -> memref<128xi32, #tpu.memory_space<hbm>>
      %dma_wait3A_1111 = arith.constant 0 : i32
      %dma_wait3A_1112 = tpu.memref_slice %arg7[%dma_wait3A_1106, %dma_wait3A_1111] : memref<2x128xi32, #tpu.memory_space<vmem>> -> memref<1x128xi32, #tpu.memory_space<vmem>>
      %dma_wait3A_1113 = tpu.memref_squeeze %dma_wait3A_1112 : memref<1x128xi32, #tpu.memory_space<vmem>> -> memref<128xi32, #tpu.memory_space<vmem>>
      %dma_wait3A_1114 = tpu.memref_slice %arg3[%add3A_1105] : memref<160000xi32, #tpu.memory_space<hbm>> -> memref<128xi32, #tpu.memory_space<hbm>>
      tpu.wait_dma2 semaphore(%arg20 : memref<!tpu.dma_semaphore, #tpu.memory_space<semaphore_mem>>) src(%dma_wait3A_1114 : memref<128xi32, #tpu.memory_space<hbm>>) dst(%dma_wait3A_1113 : memref<128xi32, #tpu.memory_space<vmem>>)
      %get3A_1115 = arith.constant 0 : i32
      %get3A_1116 = arith.index_cast %get3A_1115 : i32 to index
      %get3A_1117 = arith.constant 0 : index
      %get3A_1118 = tpu.vector_load %arg7[%get3A_1116, %get3A_1117] {strides = array<i32>} : memref<2x128xi32, #tpu.memory_space<vmem>>, vector<1x16xi32>,
      %get3A_1119 = vector.shape_cast %get3A_1118 : vector<1x16xi32> to vector<16xi32>
      %add3A_1120 = vector.broadcast %mul3A_226 : i32 to vector<16xi32>
      %add3A_1121 = arith.addi %get3A_1119, %add3A_1120 : vector<16xi32>
      %swap3A_1122 = arith.constant 0 : i32
      %swap3A_1123 = arith.index_cast %swap3A_1122 : i32 to index
      %swap3A_1124 = arith.constant 0 : index
      %swap3A_1125 = tpu.vector_load %arg7[%swap3A_1123, %swap3A_1124] {strides = array<i32>} : memref<2x128xi32, #tpu.memory_space<vmem>>, vector<1x16xi32>,
      %swap3A_1126 = vector.shape_cast %swap3A_1125 : vector<1x16xi32> to vector<16xi32>
      %swap3A_1127 = vector.shape_cast %add3A_1121 : vector<16xi32> to vector<1x16xi32>
      tpu.vector_store %arg7[%swap3A_1123, %swap3A_1124], %swap3A_1127 {strides = array<i32>} : memref<2x128xi32, #tpu.memory_space<vmem>>, vector<1x16xi32>,
      %get3A_1128 = arith.constant 0 : i32
      %get3A_1129 = arith.index_cast %get3A_1128 : i32 to index
      %get3A_1130 = arith.constant 16 : index
      %get3A_1131 = tpu.vector_load %arg7[%get3A_1129, %get3A_1130] {strides = array<i32>} : memref<2x128xi32, #tpu.memory_space<vmem>>, vector<1x16xi32>,
      %get3A_1132 = vector.shape_cast %get3A_1131 : vector<1x16xi32> to vector<16xi32>
      %add3A_1133 = vector.broadcast %mul3A_226 : i32 to vector<16xi32>
      %add3A_1134 = arith.addi %get3A_1132, %add3A_1133 : vector<16xi32>
      %swap3A_1135 = arith.constant 0 : i32
      %swap3A_1136 = arith.index_cast %swap3A_1135 : i32 to index
      %swap3A_1137 = arith.constant 16 : index
      %swap3A_1138 = tpu.vector_load %arg7[%swap3A_1136, %swap3A_1137] {strides = array<i32>} : memref<2x128xi32, #tpu.memory_space<vmem>>, vector<1x16xi32>,
      %swap3A_1139 = vector.shape_cast %swap3A_1138 : vector<1x16xi32> to vector<16xi32>
      %swap3A_1140 = vector.shape_cast %add3A_1134 : vector<16xi32> to vector<1x16xi32>
      tpu.vector_store %arg7[%swap3A_1136, %swap3A_1137], %swap3A_1140 {strides = array<i32>} : memref<2x128xi32, #tpu.memory_space<vmem>>, vector<1x16xi32>,
      %get3A_1141 = arith.constant 0 : i32
      %get3A_1142 = arith.index_cast %get3A_1141 : i32 to index
      %get3A_1143 = arith.constant 32 : index
      %get3A_1144 = tpu.vector_load %arg7[%get3A_1142, %get3A_1143] {strides = array<i32>} : memref<2x128xi32, #tpu.memory_space<vmem>>, vector<1x16xi32>,
      %get3A_1145 = vector.shape_cast %get3A_1144 : vector<1x16xi32> to vector<16xi32>
      %add3A_1146 = vector.broadcast %mul3A_226 : i32 to vector<16xi32>
      %add3A_1147 = arith.addi %get3A_1145, %add3A_1146 : vector<16xi32>
      %swap3A_1148 = arith.constant 0 : i32
      %swap3A_1149 = arith.index_cast %swap3A_1148 : i32 to index
      %swap3A_1150 = arith.constant 32 : index
      %swap3A_1151 = tpu.vector_load %arg7[%swap3A_1149, %swap3A_1150] {strides = array<i32>} : memref<2x128xi32, #tpu.memory_space<vmem>>, vector<1x16xi32>,
      %swap3A_1152 = vector.shape_cast %swap3A_1151 : vector<1x16xi32> to vector<16xi32>
      %swap3A_1153 = vector.shape_cast %add3A_1147 : vector<16xi32> to vector<1x16xi32>
      tpu.vector_store %arg7[%swap3A_1149, %swap3A_1150], %swap3A_1153 {strides = array<i32>} : memref<2x128xi32, #tpu.memory_space<vmem>>, vector<1x16xi32>,
      %get3A_1154 = arith.constant 0 : i32
      %get3A_1155 = arith.index_cast %get3A_1154 : i32 to index
      %get3A_1156 = arith.constant 48 : index
      %get3A_1157 = tpu.vector_load %arg7[%get3A_1155, %get3A_1156] {strides = array<i32>} : memref<2x128xi32, #tpu.memory_space<vmem>>, vector<1x16xi32>,
      %get3A_1158 = vector.shape_cast %get3A_1157 : vector<1x16xi32> to vector<16xi32>
      %add3A_1159 = vector.broadcast %mul3A_226 : i32 to vector<16xi32>
      %add3A_1160 = arith.addi %get3A_1158, %add3A_1159 : vector<16xi32>
      %swap3A_1161 = arith.constant 0 : i32
      %swap3A_1162 = arith.index_cast %swap3A_1161 : i32 to index
      %swap3A_1163 = arith.constant 48 : index
      %swap3A_1164 = tpu.vector_load %arg7[%swap3A_1162, %swap3A_1163] {strides = array<i32>} : memref<2x128xi32, #tpu.memory_space<vmem>>, vector<1x16xi32>,
      %swap3A_1165 = vector.shape_cast %swap3A_1164 : vector<1x16xi32> to vector<16xi32>
      %swap3A_1166 = vector.shape_cast %add3A_1160 : vector<16xi32> to vector<1x16xi32>
      tpu.vector_store %arg7[%swap3A_1162, %swap3A_1163], %swap3A_1166 {strides = array<i32>} : memref<2x128xi32, #tpu.memory_space<vmem>>, vector<1x16xi32>,
      %get3A_1167 = arith.constant 0 : i32
      %get3A_1168 = arith.index_cast %get3A_1167 : i32 to index
      %get3A_1169 = arith.constant 64 : index
      %get3A_1170 = tpu.vector_load %arg7[%get3A_1168, %get3A_1169] {strides = array<i32>} : memref<2x128xi32, #tpu.memory_space<vmem>>, vector<1x16xi32>,
      %get3A_1171 = vector.shape_cast %get3A_1170 : vector<1x16xi32> to vector<16xi32>
      %add3A_1172 = vector.broadcast %mul3A_226 : i32 to vector<16xi32>
      %add3A_1173 = arith.addi %get3A_1171, %add3A_1172 : vector<16xi32>
      %swap3A_1174 = arith.constant 0 : i32
      %swap3A_1175 = arith.index_cast %swap3A_1174 : i32 to index
      %swap3A_1176 = arith.constant 64 : index
      %swap3A_1177 = tpu.vector_load %arg7[%swap3A_1175, %swap3A_1176] {strides = array<i32>} : memref<2x128xi32, #tpu.memory_space<vmem>>, vector<1x16xi32>,
      %swap3A_1178 = vector.shape_cast %swap3A_1177 : vector<1x16xi32> to vector<16xi32>
      %swap3A_1179 = vector.shape_cast %add3A_1173 : vector<16xi32> to vector<1x16xi32>
      tpu.vector_store %arg7[%swap3A_1175, %swap3A_1176], %swap3A_1179 {strides = array<i32>} : memref<2x128xi32, #tpu.memory_space<vmem>>, vector<1x16xi32>,
      %get3A_1180 = arith.constant 0 : i32
      %get3A_1181 = arith.index_cast %get3A_1180 : i32 to index
      %get3A_1182 = arith.constant 80 : index
      %get3A_1183 = tpu.vector_load %arg7[%get3A_1181, %get3A_1182] {strides = array<i32>} : memref<2x128xi32, #tpu.memory_space<vmem>>, vector<1x16xi32>,
      %get3A_1184 = vector.shape_cast %get3A_1183 : vector<1x16xi32> to vector<16xi32>
      %add3A_1185 = vector.broadcast %mul3A_226 : i32 to vector<16xi32>
      %add3A_1186 = arith.addi %get3A_1184, %add3A_1185 : vector<16xi32>
      %swap3A_1187 = arith.constant 0 : i32
      %swap3A_1188 = arith.index_cast %swap3A_1187 : i32 to index
      %swap3A_1189 = arith.constant 80 : index
      %swap3A_1190 = tpu.vector_load %arg7[%swap3A_1188, %swap3A_1189] {strides = array<i32>} : memref<2x128xi32, #tpu.memory_space<vmem>>, vector<1x16xi32>,
      %swap3A_1191 = vector.shape_cast %swap3A_1190 : vector<1x16xi32> to vector<16xi32>
      %swap3A_1192 = vector.shape_cast %add3A_1186 : vector<16xi32> to vector<1x16xi32>
      tpu.vector_store %arg7[%swap3A_1188, %swap3A_1189], %swap3A_1192 {strides = array<i32>} : memref<2x128xi32, #tpu.memory_space<vmem>>, vector<1x16xi32>,
      %get3A_1193 = arith.constant 0 : i32
      %get3A_1194 = arith.index_cast %get3A_1193 : i32 to index
      %get3A_1195 = arith.constant 96 : index
      %get3A_1196 = tpu.vector_load %arg7[%get3A_1194, %get3A_1195] {strides = array<i32>} : memref<2x128xi32, #tpu.memory_space<vmem>>, vector<1x16xi32>,
      %get3A_1197 = vector.shape_cast %get3A_1196 : vector<1x16xi32> to vector<16xi32>
      %add3A_1198 = vector.broadcast %mul3A_226 : i32 to vector<16xi32>
      %add3A_1199 = arith.addi %get3A_1197, %add3A_1198 : vector<16xi32>
      %swap3A_1200 = arith.constant 0 : i32
      %swap3A_1201 = arith.index_cast %swap3A_1200 : i32 to index
      %swap3A_1202 = arith.constant 96 : index
      %swap3A_1203 = tpu.vector_load %arg7[%swap3A_1201, %swap3A_1202] {strides = array<i32>} : memref<2x128xi32, #tpu.memory_space<vmem>>, vector<1x16xi32>,
      %swap3A_1204 = vector.shape_cast %swap3A_1203 : vector<1x16xi32> to vector<16xi32>
      %swap3A_1205 = vector.shape_cast %add3A_1199 : vector<16xi32> to vector<1x16xi32>
      tpu.vector_store %arg7[%swap3A_1201, %swap3A_1202], %swap3A_1205 {strides = array<i32>} : memref<2x128xi32, #tpu.memory_space<vmem>>, vector<1x16xi32>,
      %get3A_1206 = arith.constant 0 : i32
      %get3A_1207 = arith.index_cast %get3A_1206 : i32 to index
      %get3A_1208 = arith.constant 112 : index
      %get3A_1209 = tpu.vector_load %arg7[%get3A_1207, %get3A_1208] {strides = array<i32>} : memref<2x128xi32, #tpu.memory_space<vmem>>, vector<1x16xi32>,
      %get3A_1210 = vector.shape_cast %get3A_1209 : vector<1x16xi32> to vector<16xi32>
      %add3A_1211 = vector.broadcast %mul3A_226 : i32 to vector<16xi32>
      %add3A_1212 = arith.addi %get3A_1210, %add3A_1211 : vector<16xi32>
      %swap3A_1213 = arith.constant 0 : i32
      %swap3A_1214 = arith.index_cast %swap3A_1213 : i32 to index
      %swap3A_1215 = arith.constant 112 : index
      %swap3A_1216 = tpu.vector_load %arg7[%swap3A_1214, %swap3A_1215] {strides = array<i32>} : memref<2x128xi32, #tpu.memory_space<vmem>>, vector<1x16xi32>,
      %swap3A_1217 = vector.shape_cast %swap3A_1216 : vector<1x16xi32> to vector<16xi32>
      %swap3A_1218 = vector.shape_cast %add3A_1212 : vector<16xi32> to vector<1x16xi32>
      tpu.vector_store %arg7[%swap3A_1214, %swap3A_1215], %swap3A_1218 {strides = array<i32>} : memref<2x128xi32, #tpu.memory_space<vmem>>, vector<1x16xi32>,
      %dma_wait3A_1219 = arith.constant 0 : i32
      %dma_wait3A_1220 = arith.constant 0 : i32
      %dma_wait3A_1221 = arith.constant 0 : i32
      %dma_wait3A_1222 = arith.constant 0 : i32
      %dma_wait3A_1223 = tpu.memref_slice %arg9[%dma_wait3A_1219, %dma_wait3A_1221, %dma_wait3A_1222] : memref<2x128x128xf32, #tpu.memory_space<vmem>> -> memref<1x128x128xf32, #tpu.memory_space<vmem>>
      %dma_wait3A_1224 = tpu.memref_squeeze %dma_wait3A_1223 : memref<1x128x128xf32, #tpu.memory_space<vmem>> -> memref<128x128xf32, #tpu.memory_space<vmem>>
      %dma_wait3A_1225 = arith.constant 0 : i32
      %dma_wait3A_1226 = tpu.memref_slice %arg8[%dma_wait3A_1220, %dma_wait3A_1225] : memref<2x128xi32, #tpu.memory_space<vmem>> -> memref<1x128xi32, #tpu.memory_space<vmem>>
      %dma_wait3A_1227 = tpu.memref_squeeze %dma_wait3A_1226 : memref<1x128xi32, #tpu.memory_space<vmem>> -> memref<128xi32, #tpu.memory_space<vmem>>
      %dma_wait3A_1228 = arith.constant 0 : i32
      %dma_wait3A_1229 = arith.constant 0 : i32
      %dma_wait3A_1230 = tpu.memref_slice %arg14[%dma_wait3A_1228, %dma_wait3A_1229] : memref<10240x128xf32, #tpu.memory_space<vmem_shared>> -> memref<10240x128xf32, #tpu.memory_space<vmem_shared>>
      tpu.wait_indirect_dma semaphore(%arg18 : memref<!tpu.dma_semaphore, #tpu.memory_space<semaphore_mem>>) src(%dma_wait3A_1224 : memref<128x128xf32, #tpu.memory_space<vmem>>) dst(%dma_wait3A_1230 : memref<10240x128xf32, #tpu.memory_space<vmem_shared>>)
      %dma_wait3A_1231 = arith.constant 0 : i32
      %dma_wait3A_1232 = arith.constant 0 : i32
      %dma_wait3A_1233 = tpu.memref_slice %arg8[%dma_wait3A_1231, %dma_wait3A_1232] : memref<2x128xi32, #tpu.memory_space<vmem>> -> memref<1x128xi32, #tpu.memory_space<vmem>>
      %dma_wait3A_1234 = tpu.memref_squeeze %dma_wait3A_1233 : memref<1x128xi32, #tpu.memory_space<vmem>> -> memref<128xi32, #tpu.memory_space<vmem>>
      %dma_wait3A_1235 = arith.constant 0 : i32
      %dma_wait3A_1236 = tpu.memref_slice %arg15[%dma_wait3A_1235] : memref<10240xf32, #tpu.memory_space<vmem_shared>> -> memref<10240xf32, #tpu.memory_space<vmem_shared>>
      tpu.wait_indirect_dma semaphore(%arg18 : memref<!tpu.dma_semaphore, #tpu.memory_space<semaphore_mem>>) src(%arg12 : memref<128xf32, #tpu.memory_space<vmem>>) dst(%dma_wait3A_1236 : memref<10240xf32, #tpu.memory_space<vmem_shared>>)
      %add3A_1237 = arith.constant 2 : i32
      %add3A_1238 = arith.addi %mul3A_1038, %add3A_1237 : i32
      %mul3A_1239 = arith.constant 10000 : i32
      %mul3A_1240 = arith.muli %arg1, %mul3A_1239 : i32
      %mul3A_1241 = arith.constant 128 : i32
      %mul3A_1242 = arith.muli %add3A_1238, %mul3A_1241 : i32
      %add3A_1243 = arith.addi %mul3A_1240, %mul3A_1242 : i32
      %dma_start3A_1244 = arith.constant 0 : i32
      %dma_start3A_1245 = arith.constant 0 : i32
      %dma_start3A_1246 = tpu.memref_slice %arg8[%dma_start3A_1244, %dma_start3A_1245] : memref<2x128xi32, #tpu.memory_space<vmem>> -> memref<1x128xi32, #tpu.memory_space<vmem>>
      %dma_start3A_1247 = tpu.memref_squeeze %dma_start3A_1246 : memref<1x128xi32, #tpu.memory_space<vmem>> -> memref<128xi32, #tpu.memory_space<vmem>>
      %dma_start3A_1248 = tpu.memref_slice %arg4[%add3A_1243] : memref<160000xi32, #tpu.memory_space<hbm>> -> memref<128xi32, #tpu.memory_space<hbm>>
      %dma_start3A_1249 = arith.constant 0 : i32
      %dma_start3A_1250 = tpu.memref_slice %arg8[%dma_start3A_1244, %dma_start3A_1249] : memref<2x128xi32, #tpu.memory_space<vmem>> -> memref<1x128xi32, #tpu.memory_space<vmem>>
      %dma_start3A_1251 = tpu.memref_squeeze %dma_start3A_1250 : memref<1x128xi32, #tpu.memory_space<vmem>> -> memref<128xi32, #tpu.memory_space<vmem>>
      %dma_start3A_1252 = tpu.memref_slice %arg4[%add3A_1243] : memref<160000xi32, #tpu.memory_space<hbm>> -> memref<128xi32, #tpu.memory_space<hbm>>
      tpu.enqueue_dma source(%dma_start3A_1252 : memref<128xi32, #tpu.memory_space<hbm>>) target(%dma_start3A_1251 : memref<128xi32, #tpu.memory_space<vmem>>) target_semaphore(%arg22 : memref<!tpu.dma_semaphore, #tpu.memory_space<semaphore_mem>>)
      %dma_start3A_1253 = arith.constant 0 : i32
      %dma_start3A_1254 = arith.constant 0 : i32
      %dma_start3A_1255 = arith.constant 0 : i32
      %dma_start3A_1256 = arith.constant 0 : i32
      %dma_start3A_1257 = tpu.memref_slice %arg9[%dma_start3A_1254, %dma_start3A_1255, %dma_start3A_1256] : memref<2x128x128xf32, #tpu.memory_space<vmem>> -> memref<1x128x128xf32, #tpu.memory_space<vmem>>
      %dma_start3A_1258 = tpu.memref_squeeze %dma_start3A_1257 : memref<1x128x128xf32, #tpu.memory_space<vmem>> -> memref<128x128xf32, #tpu.memory_space<vmem>>
      %dma_start3A_1259 = arith.constant 0 : i32
      %dma_start3A_1260 = tpu.memref_slice %arg7[%dma_start3A_1253, %dma_start3A_1259] : memref<2x128xi32, #tpu.memory_space<vmem>> -> memref<1x128xi32, #tpu.memory_space<vmem>>
      %dma_start3A_1261 = tpu.memref_squeeze %dma_start3A_1260 : memref<1x128xi32, #tpu.memory_space<vmem>> -> memref<128xi32, #tpu.memory_space<vmem>>
      %dma_start3A_1262 = arith.constant 0 : i32
      %dma_start3A_1263 = arith.constant 0 : i32
      %dma_start3A_1264 = tpu.memref_slice %arg2[%dma_start3A_1262, %dma_start3A_1263] : memref<20480x128xf32, #tpu.memory_space<hbm>> -> memref<20480x128xf32, #tpu.memory_space<hbm>>
      tpu.enqueue_indirect_dma source(%dma_start3A_1264 : memref<20480x128xf32, #tpu.memory_space<hbm>>) target(%dma_start3A_1258 : memref<128x128xf32, #tpu.memory_space<vmem>>) offsets(%dma_start3A_1261 : memref<128xi32, #tpu.memory_space<vmem>>) semaphore(%arg16 : memref<!tpu.dma_semaphore, #tpu.memory_space<semaphore_mem>>)
      %mul3A_1265 = arith.constant 2 : i32
      %mul3A_1266 = arith.muli %mul3A_1265, %scan3A_1036 : i32
      %add3A_1267 = arith.constant 1 : i32
      %add3A_1268 = arith.addi %mul3A_1266, %add3A_1267 : i32
      %dma_wait3A_1269 = arith.constant 1 : i32
      %dma_wait3A_1270 = arith.constant 1 : i32
      %dma_wait3A_1271 = arith.constant 0 : i32
      %dma_wait3A_1272 = arith.constant 0 : i32
      %dma_wait3A_1273 = tpu.memref_slice %arg9[%dma_wait3A_1270, %dma_wait3A_1271, %dma_wait3A_1272] : memref<2x128x128xf32, #tpu.memory_space<vmem>> -> memref<1x128x128xf32, #tpu.memory_space<vmem>>
      %dma_wait3A_1274 = tpu.memref_squeeze %dma_wait3A_1273 : memref<1x128x128xf32, #tpu.memory_space<vmem>> -> memref<128x128xf32, #tpu.memory_space<vmem>>
      %dma_wait3A_1275 = arith.constant 0 : i32
      %dma_wait3A_1276 = tpu.memref_slice %arg7[%dma_wait3A_1269, %dma_wait3A_1275] : memref<2x128xi32, #tpu.memory_space<vmem>> -> memref<1x128xi32, #tpu.memory_space<vmem>>
      %dma_wait3A_1277 = tpu.memref_squeeze %dma_wait3A_1276 : memref<1x128xi32, #tpu.memory_space<vmem>> -> memref<128xi32, #tpu.memory_space<vmem>>
      %dma_wait3A_1278 = arith.constant 0 : i32
      %dma_wait3A_1279 = arith.constant 0 : i32
      %dma_wait3A_1280 = tpu.memref_slice %arg2[%dma_wait3A_1278, %dma_wait3A_1279] : memref<20480x128xf32, #tpu.memory_space<hbm>> -> memref<20480x128xf32, #tpu.memory_space<hbm>>
      tpu.wait_indirect_dma semaphore(%arg17 : memref<!tpu.dma_semaphore, #tpu.memory_space<semaphore_mem>>) src(%dma_wait3A_1280 : memref<20480x128xf32, #tpu.memory_space<hbm>>) dst(%dma_wait3A_1274 : memref<128x128xf32, #tpu.memory_space<vmem>>)
      %mul3A_1281 = arith.constant 10000 : i32
      %mul3A_1282 = arith.muli %arg1, %mul3A_1281 : i32
      %mul3A_1283 = arith.constant 128 : i32
      %mul3A_1284 = arith.muli %add3A_1268, %mul3A_1283 : i32
      %add3A_1285 = arith.addi %mul3A_1282, %mul3A_1284 : i32
      %dma_wait3A_1286 = arith.constant 1 : i32
      %dma_wait3A_1287 = arith.constant 0 : i32
      %dma_wait3A_1288 = tpu.memref_slice %arg8[%dma_wait3A_1286, %dma_wait3A_1287] : memref<2x128xi32, #tpu.memory_space<vmem>> -> memref<1x128xi32, #tpu.memory_space<vmem>>
      %dma_wait3A_1289 = tpu.memref_squeeze %dma_wait3A_1288 : memref<1x128xi32, #tpu.memory_space<vmem>> -> memref<128xi32, #tpu.memory_space<vmem>>
      %dma_wait3A_1290 = tpu.memref_slice %arg4[%add3A_1285] : memref<160000xi32, #tpu.memory_space<hbm>> -> memref<128xi32, #tpu.memory_space<hbm>>
      %dma_wait3A_1291 = arith.constant 0 : i32
      %dma_wait3A_1292 = tpu.memref_slice %arg8[%dma_wait3A_1286, %dma_wait3A_1291] : memref<2x128xi32, #tpu.memory_space<vmem>> -> memref<1x128xi32, #tpu.memory_space<vmem>>
      %dma_wait3A_1293 = tpu.memref_squeeze %dma_wait3A_1292 : memref<1x128xi32, #tpu.memory_space<vmem>> -> memref<128xi32, #tpu.memory_space<vmem>>
      %dma_wait3A_1294 = tpu.memref_slice %arg4[%add3A_1285] : memref<160000xi32, #tpu.memory_space<hbm>> -> memref<128xi32, #tpu.memory_space<hbm>>
      tpu.wait_dma2 semaphore(%arg23 : memref<!tpu.dma_semaphore, #tpu.memory_space<semaphore_mem>>) src(%dma_wait3A_1294 : memref<128xi32, #tpu.memory_space<hbm>>) dst(%dma_wait3A_1293 : memref<128xi32, #tpu.memory_space<vmem>>)
      %dma_start3A_1295 = arith.constant 1 : i32
      %dma_start3A_1296 = arith.constant 1 : i32
      %dma_start3A_1297 = arith.constant 0 : i32
      %dma_start3A_1298 = arith.constant 0 : i32
      %dma_start3A_1299 = tpu.memref_slice %arg9[%dma_start3A_1295, %dma_start3A_1297, %dma_start3A_1298] : memref<2x128x128xf32, #tpu.memory_space<vmem>> -> memref<1x128x128xf32, #tpu.memory_space<vmem>>
      %dma_start3A_1300 = tpu.memref_squeeze %dma_start3A_1299 : memref<1x128x128xf32, #tpu.memory_space<vmem>> -> memref<128x128xf32, #tpu.memory_space<vmem>>
      %dma_start3A_1301 = arith.constant 0 : i32
      %dma_start3A_1302 = tpu.memref_slice %arg8[%dma_start3A_1296, %dma_start3A_1301] : memref<2x128xi32, #tpu.memory_space<vmem>> -> memref<1x128xi32, #tpu.memory_space<vmem>>
      %dma_start3A_1303 = tpu.memref_squeeze %dma_start3A_1302 : memref<1x128xi32, #tpu.memory_space<vmem>> -> memref<128xi32, #tpu.memory_space<vmem>>
      %dma_start3A_1304 = arith.constant 0 : i32
      %dma_start3A_1305 = arith.constant 0 : i32
      %dma_start3A_1306 = tpu.memref_slice %arg14[%dma_start3A_1304, %dma_start3A_1305] : memref<10240x128xf32, #tpu.memory_space<vmem_shared>> -> memref<10240x128xf32, #tpu.memory_space<vmem_shared>>
      tpu.enqueue_indirect_dma source(%dma_start3A_1300 : memref<128x128xf32, #tpu.memory_space<vmem>>) target(%dma_start3A_1306 : memref<10240x128xf32, #tpu.memory_space<vmem_shared>>) offsets(%dma_start3A_1303 : memref<128xi32, #tpu.memory_space<vmem>>) semaphore(%arg19 : memref<!tpu.dma_semaphore, #tpu.memory_space<semaphore_mem>>) {add = true}
      %dma_start3A_1307 = arith.constant 1 : i32
      %dma_start3A_1308 = arith.constant 0 : i32
      %dma_start3A_1309 = tpu.memref_slice %arg8[%dma_start3A_1307, %dma_start3A_1308] : memref<2x128xi32, #tpu.memory_space<vmem>> -> memref<1x128xi32, #tpu.memory_space<vmem>>
      %dma_start3A_1310 = tpu.memref_squeeze %dma_start3A_1309 : memref<1x128xi32, #tpu.memory_space<vmem>> -> memref<128xi32, #tpu.memory_space<vmem>>
      %dma_start3A_1311 = arith.constant 0 : i32
      %dma_start3A_1312 = tpu.memref_slice %arg15[%dma_start3A_1311] : memref<10240xf32, #tpu.memory_space<vmem_shared>> -> memref<10240xf32, #tpu.memory_space<vmem_shared>>
      tpu.enqueue_indirect_dma source(%arg12 : memref<128xf32, #tpu.memory_space<vmem>>) target(%dma_start3A_1312 : memref<10240xf32, #tpu.memory_space<vmem_shared>>) offsets(%dma_start3A_1310 : memref<128xi32, #tpu.memory_space<vmem>>) semaphore(%arg19 : memref<!tpu.dma_semaphore, #tpu.memory_space<semaphore_mem>>) {add = true}
      %add3A_1313 = arith.constant 2 : i32
      %add3A_1314 = arith.addi %add3A_1268, %add3A_1313 : i32
      %mul3A_1315 = arith.constant 10000 : i32
      %mul3A_1316 = arith.muli %arg1, %mul3A_1315 : i32
      %mul3A_1317 = arith.constant 128 : i32
      %mul3A_1318 = arith.muli %add3A_1314, %mul3A_1317 : i32
      %add3A_1319 = arith.addi %mul3A_1316, %mul3A_1318 : i32
      %dma_start3A_1320 = arith.constant 1 : i32
      %dma_start3A_1321 = arith.constant 0 : i32
      %dma_start3A_1322 = tpu.memref_slice %arg7[%dma_start3A_1320, %dma_start3A_1321] : memref<2x128xi32, #tpu.memory_space<vmem>> -> memref<1x128xi32, #tpu.memory_space<vmem>>
      %dma_start3A_1323 = tpu.memref_squeeze %dma_start3A_1322 : memref<1x128xi32, #tpu.memory_space<vmem>> -> memref<128xi32, #tpu.memory_space<vmem>>
      %dma_start3A_1324 = tpu.memref_slice %arg3[%add3A_1319] : memref<160000xi32, #tpu.memory_space<hbm>> -> memref<128xi32, #tpu.memory_space<hbm>>
      %dma_start3A_1325 = arith.constant 0 : i32
      %dma_start3A_1326 = tpu.memref_slice %arg7[%dma_start3A_1320, %dma_start3A_1325] : memref<2x128xi32, #tpu.memory_space<vmem>> -> memref<1x128xi32, #tpu.memory_space<vmem>>
      %dma_start3A_1327 = tpu.memref_squeeze %dma_start3A_1326 : memref<1x128xi32, #tpu.memory_space<vmem>> -> memref<128xi32, #tpu.memory_space<vmem>>
      %dma_start3A_1328 = tpu.memref_slice %arg3[%add3A_1319] : memref<160000xi32, #tpu.memory_space<hbm>> -> memref<128xi32, #tpu.memory_space<hbm>>
      tpu.enqueue_dma source(%dma_start3A_1328 : memref<128xi32, #tpu.memory_space<hbm>>) target(%dma_start3A_1327 : memref<128xi32, #tpu.memory_space<vmem>>) target_semaphore(%arg21 : memref<!tpu.dma_semaphore, #tpu.memory_space<semaphore_mem>>)
      %add3A_1329 = arith.constant 2 : i32
      %add3A_1330 = arith.addi %add3A_1268, %add3A_1329 : i32
      %mul3A_1331 = arith.constant 10000 : i32
      %mul3A_1332 = arith.muli %arg1, %mul3A_1331 : i32
      %mul3A_1333 = arith.constant 128 : i32
      %mul3A_1334 = arith.muli %add3A_1330, %mul3A_1333 : i32
      %add3A_1335 = arith.addi %mul3A_1332, %mul3A_1334 : i32
      %dma_wait3A_1336 = arith.constant 1 : i32
      %dma_wait3A_1337 = arith.constant 0 : i32
      %dma_wait3A_1338 = tpu.memref_slice %arg7[%dma_wait3A_1336, %dma_wait3A_1337] : memref<2x128xi32, #tpu.memory_space<vmem>> -> memref<1x128xi32, #tpu.memory_space<vmem>>
      %dma_wait3A_1339 = tpu.memref_squeeze %dma_wait3A_1338 : memref<1x128xi32, #tpu.memory_space<vmem>> -> memref<128xi32, #tpu.memory_space<vmem>>
      %dma_wait3A_1340 = tpu.memref_slice %arg3[%add3A_1335] : memref<160000xi32, #tpu.memory_space<hbm>> -> memref<128xi32, #tpu.memory_space<hbm>>
      %dma_wait3A_1341 = arith.constant 0 : i32
      %dma_wait3A_1342 = tpu.memref_slice %arg7[%dma_wait3A_1336, %dma_wait3A_1341] : memref<2x128xi32, #tpu.memory_space<vmem>> -> memref<1x128xi32, #tpu.memory_space<vmem>>
      %dma_wait3A_1343 = tpu.memref_squeeze %dma_wait3A_1342 : memref<1x128xi32, #tpu.memory_space<vmem>> -> memref<128xi32, #tpu.memory_space<vmem>>
      %dma_wait3A_1344 = tpu.memref_slice %arg3[%add3A_1335] : memref<160000xi32, #tpu.memory_space<hbm>> -> memref<128xi32, #tpu.memory_space<hbm>>
      tpu.wait_dma2 semaphore(%arg21 : memref<!tpu.dma_semaphore, #tpu.memory_space<semaphore_mem>>) src(%dma_wait3A_1344 : memref<128xi32, #tpu.memory_space<hbm>>) dst(%dma_wait3A_1343 : memref<128xi32, #tpu.memory_space<vmem>>)
      %get3A_1345 = arith.constant 1 : i32
      %get3A_1346 = arith.index_cast %get3A_1345 : i32 to index
      %get3A_1347 = arith.constant 0 : index
      %get3A_1348 = tpu.vector_load %arg7[%get3A_1346, %get3A_1347] {strides = array<i32>} : memref<2x128xi32, #tpu.memory_space<vmem>>, vector<1x16xi32>,
      %get3A_1349 = vector.shape_cast %get3A_1348 : vector<1x16xi32> to vector<16xi32>
      %add3A_1350 = vector.broadcast %mul3A_226 : i32 to vector<16xi32>
      %add3A_1351 = arith.addi %get3A_1349, %add3A_1350 : vector<16xi32>
      %swap3A_1352 = arith.constant 1 : i32
      %swap3A_1353 = arith.index_cast %swap3A_1352 : i32 to index
      %swap3A_1354 = arith.constant 0 : index
      %swap3A_1355 = tpu.vector_load %arg7[%swap3A_1353, %swap3A_1354] {strides = array<i32>} : memref<2x128xi32, #tpu.memory_space<vmem>>, vector<1x16xi32>,
      %swap3A_1356 = vector.shape_cast %swap3A_1355 : vector<1x16xi32> to vector<16xi32>
      %swap3A_1357 = vector.shape_cast %add3A_1351 : vector<16xi32> to vector<1x16xi32>
      tpu.vector_store %arg7[%swap3A_1353, %swap3A_1354], %swap3A_1357 {strides = array<i32>} : memref<2x128xi32, #tpu.memory_space<vmem>>, vector<1x16xi32>,
      %get3A_1358 = arith.constant 1 : i32
      %get3A_1359 = arith.index_cast %get3A_1358 : i32 to index
      %get3A_1360 = arith.constant 16 : index
      %get3A_1361 = tpu.vector_load %arg7[%get3A_1359, %get3A_1360] {strides = array<i32>} : memref<2x128xi32, #tpu.memory_space<vmem>>, vector<1x16xi32>,
      %get3A_1362 = vector.shape_cast %get3A_1361 : vector<1x16xi32> to vector<16xi32>
      %add3A_1363 = vector.broadcast %mul3A_226 : i32 to vector<16xi32>
      %add3A_1364 = arith.addi %get3A_1362, %add3A_1363 : vector<16xi32>
      %swap3A_1365 = arith.constant 1 : i32
      %swap3A_1366 = arith.index_cast %swap3A_1365 : i32 to index
      %swap3A_1367 = arith.constant 16 : index
      %swap3A_1368 = tpu.vector_load %arg7[%swap3A_1366, %swap3A_1367] {strides = array<i32>} : memref<2x128xi32, #tpu.memory_space<vmem>>, vector<1x16xi32>,
      %swap3A_1369 = vector.shape_cast %swap3A_1368 : vector<1x16xi32> to vector<16xi32>
      %swap3A_1370 = vector.shape_cast %add3A_1364 : vector<16xi32> to vector<1x16xi32>
      tpu.vector_store %arg7[%swap3A_1366, %swap3A_1367], %swap3A_1370 {strides = array<i32>} : memref<2x128xi32, #tpu.memory_space<vmem>>, vector<1x16xi32>,
      %get3A_1371 = arith.constant 1 : i32
      %get3A_1372 = arith.index_cast %get3A_1371 : i32 to index
      %get3A_1373 = arith.constant 32 : index
      %get3A_1374 = tpu.vector_load %arg7[%get3A_1372, %get3A_1373] {strides = array<i32>} : memref<2x128xi32, #tpu.memory_space<vmem>>, vector<1x16xi32>,
      %get3A_1375 = vector.shape_cast %get3A_1374 : vector<1x16xi32> to vector<16xi32>
      %add3A_1376 = vector.broadcast %mul3A_226 : i32 to vector<16xi32>
      %add3A_1377 = arith.addi %get3A_1375, %add3A_1376 : vector<16xi32>
      %swap3A_1378 = arith.constant 1 : i32
      %swap3A_1379 = arith.index_cast %swap3A_1378 : i32 to index
      %swap3A_1380 = arith.constant 32 : index
      %swap3A_1381 = tpu.vector_load %arg7[%swap3A_1379, %swap3A_1380] {strides = array<i32>} : memref<2x128xi32, #tpu.memory_space<vmem>>, vector<1x16xi32>,
      %swap3A_1382 = vector.shape_cast %swap3A_1381 : vector<1x16xi32> to vector<16xi32>
      %swap3A_1383 = vector.shape_cast %add3A_1377 : vector<16xi32> to vector<1x16xi32>
      tpu.vector_store %arg7[%swap3A_1379, %swap3A_1380], %swap3A_1383 {strides = array<i32>} : memref<2x128xi32, #tpu.memory_space<vmem>>, vector<1x16xi32>,
      %get3A_1384 = arith.constant 1 : i32
      %get3A_1385 = arith.index_cast %get3A_1384 : i32 to index
      %get3A_1386 = arith.constant 48 : index
      %get3A_1387 = tpu.vector_load %arg7[%get3A_1385, %get3A_1386] {strides = array<i32>} : memref<2x128xi32, #tpu.memory_space<vmem>>, vector<1x16xi32>,
      %get3A_1388 = vector.shape_cast %get3A_1387 : vector<1x16xi32> to vector<16xi32>
      %add3A_1389 = vector.broadcast %mul3A_226 : i32 to vector<16xi32>
      %add3A_1390 = arith.addi %get3A_1388, %add3A_1389 : vector<16xi32>
      %swap3A_1391 = arith.constant 1 : i32
      %swap3A_1392 = arith.index_cast %swap3A_1391 : i32 to index
      %swap3A_1393 = arith.constant 48 : index
      %swap3A_1394 = tpu.vector_load %arg7[%swap3A_1392, %swap3A_1393] {strides = array<i32>} : memref<2x128xi32, #tpu.memory_space<vmem>>, vector<1x16xi32>,
      %swap3A_1395 = vector.shape_cast %swap3A_1394 : vector<1x16xi32> to vector<16xi32>
      %swap3A_1396 = vector.shape_cast %add3A_1390 : vector<16xi32> to vector<1x16xi32>
      tpu.vector_store %arg7[%swap3A_1392, %swap3A_1393], %swap3A_1396 {strides = array<i32>} : memref<2x128xi32, #tpu.memory_space<vmem>>, vector<1x16xi32>,
      %get3A_1397 = arith.constant 1 : i32
      %get3A_1398 = arith.index_cast %get3A_1397 : i32 to index
      %get3A_1399 = arith.constant 64 : index
      %get3A_1400 = tpu.vector_load %arg7[%get3A_1398, %get3A_1399] {strides = array<i32>} : memref<2x128xi32, #tpu.memory_space<vmem>>, vector<1x16xi32>,
      %get3A_1401 = vector.shape_cast %get3A_1400 : vector<1x16xi32> to vector<16xi32>
      %add3A_1402 = vector.broadcast %mul3A_226 : i32 to vector<16xi32>
      %add3A_1403 = arith.addi %get3A_1401, %add3A_1402 : vector<16xi32>
      %swap3A_1404 = arith.constant 1 : i32
      %swap3A_1405 = arith.index_cast %swap3A_1404 : i32 to index
      %swap3A_1406 = arith.constant 64 : index
      %swap3A_1407 = tpu.vector_load %arg7[%swap3A_1405, %swap3A_1406] {strides = array<i32>} : memref<2x128xi32, #tpu.memory_space<vmem>>, vector<1x16xi32>,
      %swap3A_1408 = vector.shape_cast %swap3A_1407 : vector<1x16xi32> to vector<16xi32>
      %swap3A_1409 = vector.shape_cast %add3A_1403 : vector<16xi32> to vector<1x16xi32>
      tpu.vector_store %arg7[%swap3A_1405, %swap3A_1406], %swap3A_1409 {strides = array<i32>} : memref<2x128xi32, #tpu.memory_space<vmem>>, vector<1x16xi32>,
      %get3A_1410 = arith.constant 1 : i32
      %get3A_1411 = arith.index_cast %get3A_1410 : i32 to index
      %get3A_1412 = arith.constant 80 : index
      %get3A_1413 = tpu.vector_load %arg7[%get3A_1411, %get3A_1412] {strides = array<i32>} : memref<2x128xi32, #tpu.memory_space<vmem>>, vector<1x16xi32>,
      %get3A_1414 = vector.shape_cast %get3A_1413 : vector<1x16xi32> to vector<16xi32>
      %add3A_1415 = vector.broadcast %mul3A_226 : i32 to vector<16xi32>
      %add3A_1416 = arith.addi %get3A_1414, %add3A_1415 : vector<16xi32>
      %swap3A_1417 = arith.constant 1 : i32
      %swap3A_1418 = arith.index_cast %swap3A_1417 : i32 to index
      %swap3A_1419 = arith.constant 80 : index
      %swap3A_1420 = tpu.vector_load %arg7[%swap3A_1418, %swap3A_1419] {strides = array<i32>} : memref<2x128xi32, #tpu.memory_space<vmem>>, vector<1x16xi32>,
      %swap3A_1421 = vector.shape_cast %swap3A_1420 : vector<1x16xi32> to vector<16xi32>
      %swap3A_1422 = vector.shape_cast %add3A_1416 : vector<16xi32> to vector<1x16xi32>
      tpu.vector_store %arg7[%swap3A_1418, %swap3A_1419], %swap3A_1422 {strides = array<i32>} : memref<2x128xi32, #tpu.memory_space<vmem>>, vector<1x16xi32>,
      %get3A_1423 = arith.constant 1 : i32
      %get3A_1424 = arith.index_cast %get3A_1423 : i32 to index
      %get3A_1425 = arith.constant 96 : index
      %get3A_1426 = tpu.vector_load %arg7[%get3A_1424, %get3A_1425] {strides = array<i32>} : memref<2x128xi32, #tpu.memory_space<vmem>>, vector<1x16xi32>,
      %get3A_1427 = vector.shape_cast %get3A_1426 : vector<1x16xi32> to vector<16xi32>
      %add3A_1428 = vector.broadcast %mul3A_226 : i32 to vector<16xi32>
      %add3A_1429 = arith.addi %get3A_1427, %add3A_1428 : vector<16xi32>
      %swap3A_1430 = arith.constant 1 : i32
      %swap3A_1431 = arith.index_cast %swap3A_1430 : i32 to index
      %swap3A_1432 = arith.constant 96 : index
      %swap3A_1433 = tpu.vector_load %arg7[%swap3A_1431, %swap3A_1432] {strides = array<i32>} : memref<2x128xi32, #tpu.memory_space<vmem>>, vector<1x16xi32>,
      %swap3A_1434 = vector.shape_cast %swap3A_1433 : vector<1x16xi32> to vector<16xi32>
      %swap3A_1435 = vector.shape_cast %add3A_1429 : vector<16xi32> to vector<1x16xi32>
      tpu.vector_store %arg7[%swap3A_1431, %swap3A_1432], %swap3A_1435 {strides = array<i32>} : memref<2x128xi32, #tpu.memory_space<vmem>>, vector<1x16xi32>,
      %get3A_1436 = arith.constant 1 : i32
      %get3A_1437 = arith.index_cast %get3A_1436 : i32 to index
      %get3A_1438 = arith.constant 112 : index
      %get3A_1439 = tpu.vector_load %arg7[%get3A_1437, %get3A_1438] {strides = array<i32>} : memref<2x128xi32, #tpu.memory_space<vmem>>, vector<1x16xi32>,
      %get3A_1440 = vector.shape_cast %get3A_1439 : vector<1x16xi32> to vector<16xi32>
      %add3A_1441 = vector.broadcast %mul3A_226 : i32 to vector<16xi32>
      %add3A_1442 = arith.addi %get3A_1440, %add3A_1441 : vector<16xi32>
      %swap3A_1443 = arith.constant 1 : i32
      %swap3A_1444 = arith.index_cast %swap3A_1443 : i32 to index
      %swap3A_1445 = arith.constant 112 : index
      %swap3A_1446 = tpu.vector_load %arg7[%swap3A_1444, %swap3A_1445] {strides = array<i32>} : memref<2x128xi32, #tpu.memory_space<vmem>>, vector<1x16xi32>,
      %swap3A_1447 = vector.shape_cast %swap3A_1446 : vector<1x16xi32> to vector<16xi32>
      %swap3A_1448 = vector.shape_cast %add3A_1442 : vector<16xi32> to vector<1x16xi32>
      tpu.vector_store %arg7[%swap3A_1444, %swap3A_1445], %swap3A_1448 {strides = array<i32>} : memref<2x128xi32, #tpu.memory_space<vmem>>, vector<1x16xi32>,
      %dma_wait3A_1449 = arith.constant 1 : i32
      %dma_wait3A_1450 = arith.constant 1 : i32
      %dma_wait3A_1451 = arith.constant 0 : i32
      %dma_wait3A_1452 = arith.constant 0 : i32
      %dma_wait3A_1453 = tpu.memref_slice %arg9[%dma_wait3A_1449, %dma_wait3A_1451, %dma_wait3A_1452] : memref<2x128x128xf32, #tpu.memory_space<vmem>> -> memref<1x128x128xf32, #tpu.memory_space<vmem>>
      %dma_wait3A_1454 = tpu.memref_squeeze %dma_wait3A_1453 : memref<1x128x128xf32, #tpu.memory_space<vmem>> -> memref<128x128xf32, #tpu.memory_space<vmem>>
      %dma_wait3A_1455 = arith.constant 0 : i32
      %dma_wait3A_1456 = tpu.memref_slice %arg8[%dma_wait3A_1450, %dma_wait3A_1455] : memref<2x128xi32, #tpu.memory_space<vmem>> -> memref<1x128xi32, #tpu.memory_space<vmem>>
      %dma_wait3A_1457 = tpu.memref_squeeze %dma_wait3A_1456 : memref<1x128xi32, #tpu.memory_space<vmem>> -> memref<128xi32, #tpu.memory_space<vmem>>
      %dma_wait3A_1458 = arith.constant 0 : i32
      %dma_wait3A_1459 = arith.constant 0 : i32
      %dma_wait3A_1460 = tpu.memref_slice %arg14[%dma_wait3A_1458, %dma_wait3A_1459] : memref<10240x128xf32, #tpu.memory_space<vmem_shared>> -> memref<10240x128xf32, #tpu.memory_space<vmem_shared>>
      tpu.wait_indirect_dma semaphore(%arg19 : memref<!tpu.dma_semaphore, #tpu.memory_space<semaphore_mem>>) src(%dma_wait3A_1454 : memref<128x128xf32, #tpu.memory_space<vmem>>) dst(%dma_wait3A_1460 : memref<10240x128xf32, #tpu.memory_space<vmem_shared>>)
      %dma_wait3A_1461 = arith.constant 1 : i32
      %dma_wait3A_1462 = arith.constant 0 : i32
      %dma_wait3A_1463 = tpu.memref_slice %arg8[%dma_wait3A_1461, %dma_wait3A_1462] : memref<2x128xi32, #tpu.memory_space<vmem>> -> memref<1x128xi32, #tpu.memory_space<vmem>>
      %dma_wait3A_1464 = tpu.memref_squeeze %dma_wait3A_1463 : memref<1x128xi32, #tpu.memory_space<vmem>> -> memref<128xi32, #tpu.memory_space<vmem>>
      %dma_wait3A_1465 = arith.constant 0 : i32
      %dma_wait3A_1466 = tpu.memref_slice %arg15[%dma_wait3A_1465] : memref<10240xf32, #tpu.memory_space<vmem_shared>> -> memref<10240xf32, #tpu.memory_space<vmem_shared>>
      tpu.wait_indirect_dma semaphore(%arg19 : memref<!tpu.dma_semaphore, #tpu.memory_space<semaphore_mem>>) src(%arg12 : memref<128xf32, #tpu.memory_space<vmem>>) dst(%dma_wait3A_1466 : memref<10240xf32, #tpu.memory_space<vmem_shared>>)
      %add3A_1467 = arith.constant 2 : i32
      %add3A_1468 = arith.addi %add3A_1268, %add3A_1467 : i32
      %mul3A_1469 = arith.constant 10000 : i32
      %mul3A_1470 = arith.muli %arg1, %mul3A_1469 : i32
      %mul3A_1471 = arith.constant 128 : i32
      %mul3A_1472 = arith.muli %add3A_1468, %mul3A_1471 : i32
      %add3A_1473 = arith.addi %mul3A_1470, %mul3A_1472 : i32
      %dma_start3A_1474 = arith.constant 1 : i32
      %dma_start3A_1475 = arith.constant 0 : i32
      %dma_start3A_1476 = tpu.memref_slice %arg8[%dma_start3A_1474, %dma_start3A_1475] : memref<2x128xi32, #tpu.memory_space<vmem>> -> memref<1x128xi32, #tpu.memory_space<vmem>>
      %dma_start3A_1477 = tpu.memref_squeeze %dma_start3A_1476 : memref<1x128xi32, #tpu.memory_space<vmem>> -> memref<128xi32, #tpu.memory_space<vmem>>
      %dma_start3A_1478 = tpu.memref_slice %arg4[%add3A_1473] : memref<160000xi32, #tpu.memory_space<hbm>> -> memref<128xi32, #tpu.memory_space<hbm>>
      %dma_start3A_1479 = arith.constant 0 : i32
      %dma_start3A_1480 = tpu.memref_slice %arg8[%dma_start3A_1474, %dma_start3A_1479] : memref<2x128xi32, #tpu.memory_space<vmem>> -> memref<1x128xi32, #tpu.memory_space<vmem>>
      %dma_start3A_1481 = tpu.memref_squeeze %dma_start3A_1480 : memref<1x128xi32, #tpu.memory_space<vmem>> -> memref<128xi32, #tpu.memory_space<vmem>>
      %dma_start3A_1482 = tpu.memref_slice %arg4[%add3A_1473] : memref<160000xi32, #tpu.memory_space<hbm>> -> memref<128xi32, #tpu.memory_space<hbm>>
      tpu.enqueue_dma source(%dma_start3A_1482 : memref<128xi32, #tpu.memory_space<hbm>>) target(%dma_start3A_1481 : memref<128xi32, #tpu.memory_space<vmem>>) target_semaphore(%arg23 : memref<!tpu.dma_semaphore, #tpu.memory_space<semaphore_mem>>)
      %dma_start3A_1483 = arith.constant 1 : i32
      %dma_start3A_1484 = arith.constant 1 : i32
      %dma_start3A_1485 = arith.constant 0 : i32
      %dma_start3A_1486 = arith.constant 0 : i32
      %dma_start3A_1487 = tpu.memref_slice %arg9[%dma_start3A_1484, %dma_start3A_1485, %dma_start3A_1486] : memref<2x128x128xf32, #tpu.memory_space<vmem>> -> memref<1x128x128xf32, #tpu.memory_space<vmem>>
      %dma_start3A_1488 = tpu.memref_squeeze %dma_start3A_1487 : memref<1x128x128xf32, #tpu.memory_space<vmem>> -> memref<128x128xf32, #tpu.memory_space<vmem>>
      %dma_start3A_1489 = arith.constant 0 : i32
      %dma_start3A_1490 = tpu.memref_slice %arg7[%dma_start3A_1483, %dma_start3A_1489] : memref<2x128xi32, #tpu.memory_space<vmem>> -> memref<1x128xi32, #tpu.memory_space<vmem>>
      %dma_start3A_1491 = tpu.memref_squeeze %dma_start3A_1490 : memref<1x128xi32, #tpu.memory_space<vmem>> -> memref<128xi32, #tpu.memory_space<vmem>>
      %dma_start3A_1492 = arith.constant 0 : i32
      %dma_start3A_1493 = arith.constant 0 : i32
      %dma_start3A_1494 = tpu.memref_slice %arg2[%dma_start3A_1492, %dma_start3A_1493] : memref<20480x128xf32, #tpu.memory_space<hbm>> -> memref<20480x128xf32, #tpu.memory_space<hbm>>
      tpu.enqueue_indirect_dma source(%dma_start3A_1494 : memref<20480x128xf32, #tpu.memory_space<hbm>>) target(%dma_start3A_1488 : memref<128x128xf32, #tpu.memory_space<vmem>>) offsets(%dma_start3A_1491 : memref<128xi32, #tpu.memory_space<vmem>>) semaphore(%arg17 : memref<!tpu.dma_semaphore, #tpu.memory_space<semaphore_mem>>)
    }
    %scan3A_541 = arith.constant 38 : i32
    %dma_wait3A_542 = arith.constant 0 : i32
    %dma_wait3A_543 = arith.constant 0 : i32
    %dma_wait3A_544 = arith.constant 0 : i32
    %dma_wait3A_545 = arith.constant 0 : i32
    %dma_wait3A_546 = tpu.memref_slice %arg9[%dma_wait3A_543, %dma_wait3A_544, %dma_wait3A_545] : memref<2x128x128xf32, #tpu.memory_space<vmem>> -> memref<1x128x128xf32, #tpu.memory_space<vmem>>
    %dma_wait3A_547 = tpu.memref_squeeze %dma_wait3A_546 : memref<1x128x128xf32, #tpu.memory_space<vmem>> -> memref<128x128xf32, #tpu.memory_space<vmem>>
    %dma_wait3A_548 = arith.constant 0 : i32
    %dma_wait3A_549 = tpu.memref_slice %arg7[%dma_wait3A_542, %dma_wait3A_548] : memref<2x128xi32, #tpu.memory_space<vmem>> -> memref<1x128xi32, #tpu.memory_space<vmem>>
    %dma_wait3A_550 = tpu.memref_squeeze %dma_wait3A_549 : memref<1x128xi32, #tpu.memory_space<vmem>> -> memref<128xi32, #tpu.memory_space<vmem>>
    %dma_wait3A_551 = arith.constant 0 : i32
    %dma_wait3A_552 = arith.constant 0 : i32
    %dma_wait3A_553 = tpu.memref_slice %arg2[%dma_wait3A_551, %dma_wait3A_552] : memref<20480x128xf32, #tpu.memory_space<hbm>> -> memref<20480x128xf32, #tpu.memory_space<hbm>>
    tpu.wait_indirect_dma semaphore(%arg16 : memref<!tpu.dma_semaphore, #tpu.memory_space<semaphore_mem>>) src(%dma_wait3A_553 : memref<20480x128xf32, #tpu.memory_space<hbm>>) dst(%dma_wait3A_547 : memref<128x128xf32, #tpu.memory_space<vmem>>)
    %mul3A_554 = arith.constant 10000 : i32
    %mul3A_555 = arith.muli %arg1, %mul3A_554 : i32
    %add3A_556 = arith.constant 9728 : i32
    %add3A_557 = arith.addi %mul3A_555, %add3A_556 : i32
    %dma_wait3A_558 = arith.constant 0 : i32
    %dma_wait3A_559 = arith.constant 0 : i32
    %dma_wait3A_560 = tpu.memref_slice %arg8[%dma_wait3A_558, %dma_wait3A_559] : memref<2x128xi32, #tpu.memory_space<vmem>> -> memref<1x128xi32, #tpu.memory_space<vmem>>
    %dma_wait3A_561 = tpu.memref_squeeze %dma_wait3A_560 : memref<1x128xi32, #tpu.memory_space<vmem>> -> memref<128xi32, #tpu.memory_space<vmem>>
    %dma_wait3A_562 = tpu.memref_slice %arg4[%add3A_557] : memref<160000xi32, #tpu.memory_space<hbm>> -> memref<128xi32, #tpu.memory_space<hbm>>
    %dma_wait3A_563 = arith.constant 0 : i32
    %dma_wait3A_564 = tpu.memref_slice %arg8[%dma_wait3A_558, %dma_wait3A_563] : memref<2x128xi32, #tpu.memory_space<vmem>> -> memref<1x128xi32, #tpu.memory_space<vmem>>
    %dma_wait3A_565 = tpu.memref_squeeze %dma_wait3A_564 : memref<1x128xi32, #tpu.memory_space<vmem>> -> memref<128xi32, #tpu.memory_space<vmem>>
    %dma_wait3A_566 = tpu.memref_slice %arg4[%add3A_557] : memref<160000xi32, #tpu.memory_space<hbm>> -> memref<128xi32, #tpu.memory_space<hbm>>
    tpu.wait_dma2 semaphore(%arg22 : memref<!tpu.dma_semaphore, #tpu.memory_space<semaphore_mem>>) src(%dma_wait3A_566 : memref<128xi32, #tpu.memory_space<hbm>>) dst(%dma_wait3A_565 : memref<128xi32, #tpu.memory_space<vmem>>)
    %dma_start3A_567 = arith.constant 0 : i32
    %dma_start3A_568 = arith.constant 0 : i32
    %dma_start3A_569 = arith.constant 0 : i32
    %dma_start3A_570 = arith.constant 0 : i32
    %dma_start3A_571 = tpu.memref_slice %arg9[%dma_start3A_567, %dma_start3A_569, %dma_start3A_570] : memref<2x128x128xf32, #tpu.memory_space<vmem>> -> memref<1x128x128xf32, #tpu.memory_space<vmem>>
    %dma_start3A_572 = tpu.memref_squeeze %dma_start3A_571 : memref<1x128x128xf32, #tpu.memory_space<vmem>> -> memref<128x128xf32, #tpu.memory_space<vmem>>
    %dma_start3A_573 = arith.constant 0 : i32
    %dma_start3A_574 = tpu.memref_slice %arg8[%dma_start3A_568, %dma_start3A_573] : memref<2x128xi32, #tpu.memory_space<vmem>> -> memref<1x128xi32, #tpu.memory_space<vmem>>
    %dma_start3A_575 = tpu.memref_squeeze %dma_start3A_574 : memref<1x128xi32, #tpu.memory_space<vmem>> -> memref<128xi32, #tpu.memory_space<vmem>>
    %dma_start3A_576 = arith.constant 0 : i32
    %dma_start3A_577 = arith.constant 0 : i32
    %dma_start3A_578 = tpu.memref_slice %arg14[%dma_start3A_576, %dma_start3A_577] : memref<10240x128xf32, #tpu.memory_space<vmem_shared>> -> memref<10240x128xf32, #tpu.memory_space<vmem_shared>>
    tpu.enqueue_indirect_dma source(%dma_start3A_572 : memref<128x128xf32, #tpu.memory_space<vmem>>) target(%dma_start3A_578 : memref<10240x128xf32, #tpu.memory_space<vmem_shared>>) offsets(%dma_start3A_575 : memref<128xi32, #tpu.memory_space<vmem>>) semaphore(%arg18 : memref<!tpu.dma_semaphore, #tpu.memory_space<semaphore_mem>>) {add = true}
    %dma_start3A_579 = arith.constant 0 : i32
    %dma_start3A_580 = arith.constant 0 : i32
    %dma_start3A_581 = tpu.memref_slice %arg8[%dma_start3A_579, %dma_start3A_580] : memref<2x128xi32, #tpu.memory_space<vmem>> -> memref<1x128xi32, #tpu.memory_space<vmem>>
    %dma_start3A_582 = tpu.memref_squeeze %dma_start3A_581 : memref<1x128xi32, #tpu.memory_space<vmem>> -> memref<128xi32, #tpu.memory_space<vmem>>
    %dma_start3A_583 = arith.constant 0 : i32
    %dma_start3A_584 = tpu.memref_slice %arg15[%dma_start3A_583] : memref<10240xf32, #tpu.memory_space<vmem_shared>> -> memref<10240xf32, #tpu.memory_space<vmem_shared>>
    tpu.enqueue_indirect_dma source(%arg12 : memref<128xf32, #tpu.memory_space<vmem>>) target(%dma_start3A_584 : memref<10240xf32, #tpu.memory_space<vmem_shared>>) offsets(%dma_start3A_582 : memref<128xi32, #tpu.memory_space<vmem>>) semaphore(%arg18 : memref<!tpu.dma_semaphore, #tpu.memory_space<semaphore_mem>>) {add = true}
    %dma_wait3A_585 = arith.constant 0 : i32
    %dma_wait3A_586 = arith.constant 0 : i32
    %dma_wait3A_587 = arith.constant 0 : i32
    %dma_wait3A_588 = arith.constant 0 : i32
    %dma_wait3A_589 = tpu.memref_slice %arg9[%dma_wait3A_585, %dma_wait3A_587, %dma_wait3A_588] : memref<2x128x128xf32, #tpu.memory_space<vmem>> -> memref<1x128x128xf32, #tpu.memory_space<vmem>>
    %dma_wait3A_590 = tpu.memref_squeeze %dma_wait3A_589 : memref<1x128x128xf32, #tpu.memory_space<vmem>> -> memref<128x128xf32, #tpu.memory_space<vmem>>
    %dma_wait3A_591 = arith.constant 0 : i32
    %dma_wait3A_592 = tpu.memref_slice %arg8[%dma_wait3A_586, %dma_wait3A_591] : memref<2x128xi32, #tpu.memory_space<vmem>> -> memref<1x128xi32, #tpu.memory_space<vmem>>
    %dma_wait3A_593 = tpu.memref_squeeze %dma_wait3A_592 : memref<1x128xi32, #tpu.memory_space<vmem>> -> memref<128xi32, #tpu.memory_space<vmem>>
    %dma_wait3A_594 = arith.constant 0 : i32
    %dma_wait3A_595 = arith.constant 0 : i32
    %dma_wait3A_596 = tpu.memref_slice %arg14[%dma_wait3A_594, %dma_wait3A_595] : memref<10240x128xf32, #tpu.memory_space<vmem_shared>> -> memref<10240x128xf32, #tpu.memory_space<vmem_shared>>
    tpu.wait_indirect_dma semaphore(%arg18 : memref<!tpu.dma_semaphore, #tpu.memory_space<semaphore_mem>>) src(%dma_wait3A_590 : memref<128x128xf32, #tpu.memory_space<vmem>>) dst(%dma_wait3A_596 : memref<10240x128xf32, #tpu.memory_space<vmem_shared>>)
    %dma_wait3A_597 = arith.constant 0 : i32
    %dma_wait3A_598 = arith.constant 0 : i32
    %dma_wait3A_599 = tpu.memref_slice %arg8[%dma_wait3A_597, %dma_wait3A_598] : memref<2x128xi32, #tpu.memory_space<vmem>> -> memref<1x128xi32, #tpu.memory_space<vmem>>
    %dma_wait3A_600 = tpu.memref_squeeze %dma_wait3A_599 : memref<1x128xi32, #tpu.memory_space<vmem>> -> memref<128xi32, #tpu.memory_space<vmem>>
    %dma_wait3A_601 = arith.constant 0 : i32
    %dma_wait3A_602 = tpu.memref_slice %arg15[%dma_wait3A_601] : memref<10240xf32, #tpu.memory_space<vmem_shared>> -> memref<10240xf32, #tpu.memory_space<vmem_shared>>
    tpu.wait_indirect_dma semaphore(%arg18 : memref<!tpu.dma_semaphore, #tpu.memory_space<semaphore_mem>>) src(%arg12 : memref<128xf32, #tpu.memory_space<vmem>>) dst(%dma_wait3A_602 : memref<10240xf32, #tpu.memory_space<vmem_shared>>)
    %dma_wait3A_603 = arith.constant 1 : i32
    %dma_wait3A_604 = arith.constant 1 : i32
    %dma_wait3A_605 = arith.constant 0 : i32
    %dma_wait3A_606 = arith.constant 0 : i32
    %dma_wait3A_607 = tpu.memref_slice %arg9[%dma_wait3A_604, %dma_wait3A_605, %dma_wait3A_606] : memref<2x128x128xf32, #tpu.memory_space<vmem>> -> memref<1x128x128xf32, #tpu.memory_space<vmem>>
    %dma_wait3A_608 = tpu.memref_squeeze %dma_wait3A_607 : memref<1x128x128xf32, #tpu.memory_space<vmem>> -> memref<128x128xf32, #tpu.memory_space<vmem>>
    %dma_wait3A_609 = arith.constant 0 : i32
    %dma_wait3A_610 = tpu.memref_slice %arg7[%dma_wait3A_603, %dma_wait3A_609] : memref<2x128xi32, #tpu.memory_space<vmem>> -> memref<1x128xi32, #tpu.memory_space<vmem>>
    %dma_wait3A_611 = tpu.memref_squeeze %dma_wait3A_610 : memref<1x128xi32, #tpu.memory_space<vmem>> -> memref<128xi32, #tpu.memory_space<vmem>>
    %dma_wait3A_612 = arith.constant 0 : i32
    %dma_wait3A_613 = arith.constant 0 : i32
    %dma_wait3A_614 = tpu.memref_slice %arg2[%dma_wait3A_612, %dma_wait3A_613] : memref<20480x128xf32, #tpu.memory_space<hbm>> -> memref<20480x128xf32, #tpu.memory_space<hbm>>
    tpu.wait_indirect_dma semaphore(%arg17 : memref<!tpu.dma_semaphore, #tpu.memory_space<semaphore_mem>>) src(%dma_wait3A_614 : memref<20480x128xf32, #tpu.memory_space<hbm>>) dst(%dma_wait3A_608 : memref<128x128xf32, #tpu.memory_space<vmem>>)
    %mul3A_615 = arith.constant 10000 : i32
    %mul3A_616 = arith.muli %arg1, %mul3A_615 : i32
    %add3A_617 = arith.constant 9856 : i32
    %add3A_618 = arith.addi %mul3A_616, %add3A_617 : i32
    %dma_wait3A_619 = arith.constant 1 : i32
    %dma_wait3A_620 = arith.constant 0 : i32
    %dma_wait3A_621 = tpu.memref_slice %arg8[%dma_wait3A_619, %dma_wait3A_620] : memref<2x128xi32, #tpu.memory_space<vmem>> -> memref<1x128xi32, #tpu.memory_space<vmem>>
    %dma_wait3A_622 = tpu.memref_squeeze %dma_wait3A_621 : memref<1x128xi32, #tpu.memory_space<vmem>> -> memref<128xi32, #tpu.memory_space<vmem>>
    %dma_wait3A_623 = tpu.memref_slice %arg4[%add3A_618] : memref<160000xi32, #tpu.memory_space<hbm>> -> memref<128xi32, #tpu.memory_space<hbm>>
    %dma_wait3A_624 = arith.constant 0 : i32
    %dma_wait3A_625 = tpu.memref_slice %arg8[%dma_wait3A_619, %dma_wait3A_624] : memref<2x128xi32, #tpu.memory_space<vmem>> -> memref<1x128xi32, #tpu.memory_space<vmem>>
    %dma_wait3A_626 = tpu.memref_squeeze %dma_wait3A_625 : memref<1x128xi32, #tpu.memory_space<vmem>> -> memref<128xi32, #tpu.memory_space<vmem>>
    %dma_wait3A_627 = tpu.memref_slice %arg4[%add3A_618] : memref<160000xi32, #tpu.memory_space<hbm>> -> memref<128xi32, #tpu.memory_space<hbm>>
    tpu.wait_dma2 semaphore(%arg23 : memref<!tpu.dma_semaphore, #tpu.memory_space<semaphore_mem>>) src(%dma_wait3A_627 : memref<128xi32, #tpu.memory_space<hbm>>) dst(%dma_wait3A_626 : memref<128xi32, #tpu.memory_space<vmem>>)
    %dma_start3A_628 = arith.constant 1 : i32
    %dma_start3A_629 = arith.constant 1 : i32
    %dma_start3A_630 = arith.constant 0 : i32
    %dma_start3A_631 = arith.constant 0 : i32
    %dma_start3A_632 = tpu.memref_slice %arg9[%dma_start3A_628, %dma_start3A_630, %dma_start3A_631] : memref<2x128x128xf32, #tpu.memory_space<vmem>> -> memref<1x128x128xf32, #tpu.memory_space<vmem>>
    %dma_start3A_633 = tpu.memref_squeeze %dma_start3A_632 : memref<1x128x128xf32, #tpu.memory_space<vmem>> -> memref<128x128xf32, #tpu.memory_space<vmem>>
    %dma_start3A_634 = arith.constant 0 : i32
    %dma_start3A_635 = tpu.memref_slice %arg8[%dma_start3A_629, %dma_start3A_634] : memref<2x128xi32, #tpu.memory_space<vmem>> -> memref<1x128xi32, #tpu.memory_space<vmem>>
    %dma_start3A_636 = tpu.memref_squeeze %dma_start3A_635 : memref<1x128xi32, #tpu.memory_space<vmem>> -> memref<128xi32, #tpu.memory_space<vmem>>
    %dma_start3A_637 = arith.constant 0 : i32
    %dma_start3A_638 = arith.constant 0 : i32
    %dma_start3A_639 = tpu.memref_slice %arg14[%dma_start3A_637, %dma_start3A_638] : memref<10240x128xf32, #tpu.memory_space<vmem_shared>> -> memref<10240x128xf32, #tpu.memory_space<vmem_shared>>
    tpu.enqueue_indirect_dma source(%dma_start3A_633 : memref<128x128xf32, #tpu.memory_space<vmem>>) target(%dma_start3A_639 : memref<10240x128xf32, #tpu.memory_space<vmem_shared>>) offsets(%dma_start3A_636 : memref<128xi32, #tpu.memory_space<vmem>>) semaphore(%arg19 : memref<!tpu.dma_semaphore, #tpu.memory_space<semaphore_mem>>) {add = true}
    %dma_start3A_640 = arith.constant 1 : i32
    %dma_start3A_641 = arith.constant 0 : i32
    %dma_start3A_642 = tpu.memref_slice %arg8[%dma_start3A_640, %dma_start3A_641] : memref<2x128xi32, #tpu.memory_space<vmem>> -> memref<1x128xi32, #tpu.memory_space<vmem>>
    %dma_start3A_643 = tpu.memref_squeeze %dma_start3A_642 : memref<1x128xi32, #tpu.memory_space<vmem>> -> memref<128xi32, #tpu.memory_space<vmem>>
    %dma_start3A_644 = arith.constant 0 : i32
    %dma_start3A_645 = tpu.memref_slice %arg15[%dma_start3A_644] : memref<10240xf32, #tpu.memory_space<vmem_shared>> -> memref<10240xf32, #tpu.memory_space<vmem_shared>>
    tpu.enqueue_indirect_dma source(%arg12 : memref<128xf32, #tpu.memory_space<vmem>>) target(%dma_start3A_645 : memref<10240xf32, #tpu.memory_space<vmem_shared>>) offsets(%dma_start3A_643 : memref<128xi32, #tpu.memory_space<vmem>>) semaphore(%arg19 : memref<!tpu.dma_semaphore, #tpu.memory_space<semaphore_mem>>) {add = true}
    %dma_wait3A_646 = arith.constant 1 : i32
    %dma_wait3A_647 = arith.constant 1 : i32
    %dma_wait3A_648 = arith.constant 0 : i32
    %dma_wait3A_649 = arith.constant 0 : i32
    %dma_wait3A_650 = tpu.memref_slice %arg9[%dma_wait3A_646, %dma_wait3A_648, %dma_wait3A_649] : memref<2x128x128xf32, #tpu.memory_space<vmem>> -> memref<1x128x128xf32, #tpu.memory_space<vmem>>
    %dma_wait3A_651 = tpu.memref_squeeze %dma_wait3A_650 : memref<1x128x128xf32, #tpu.memory_space<vmem>> -> memref<128x128xf32, #tpu.memory_space<vmem>>
    %dma_wait3A_652 = arith.constant 0 : i32
    %dma_wait3A_653 = tpu.memref_slice %arg8[%dma_wait3A_647, %dma_wait3A_652] : memref<2x128xi32, #tpu.memory_space<vmem>> -> memref<1x128xi32, #tpu.memory_space<vmem>>
    %dma_wait3A_654 = tpu.memref_squeeze %dma_wait3A_653 : memref<1x128xi32, #tpu.memory_space<vmem>> -> memref<128xi32, #tpu.memory_space<vmem>>
    %dma_wait3A_655 = arith.constant 0 : i32
    %dma_wait3A_656 = arith.constant 0 : i32
    %dma_wait3A_657 = tpu.memref_slice %arg14[%dma_wait3A_655, %dma_wait3A_656] : memref<10240x128xf32, #tpu.memory_space<vmem_shared>> -> memref<10240x128xf32, #tpu.memory_space<vmem_shared>>
    tpu.wait_indirect_dma semaphore(%arg19 : memref<!tpu.dma_semaphore, #tpu.memory_space<semaphore_mem>>) src(%dma_wait3A_651 : memref<128x128xf32, #tpu.memory_space<vmem>>) dst(%dma_wait3A_657 : memref<10240x128xf32, #tpu.memory_space<vmem_shared>>)
    %dma_wait3A_658 = arith.constant 1 : i32
    %dma_wait3A_659 = arith.constant 0 : i32
    %dma_wait3A_660 = tpu.memref_slice %arg8[%dma_wait3A_658, %dma_wait3A_659] : memref<2x128xi32, #tpu.memory_space<vmem>> -> memref<1x128xi32, #tpu.memory_space<vmem>>
    %dma_wait3A_661 = tpu.memref_squeeze %dma_wait3A_660 : memref<1x128xi32, #tpu.memory_space<vmem>> -> memref<128xi32, #tpu.memory_space<vmem>>
    %dma_wait3A_662 = arith.constant 0 : i32
    %dma_wait3A_663 = tpu.memref_slice %arg15[%dma_wait3A_662] : memref<10240xf32, #tpu.memory_space<vmem_shared>> -> memref<10240xf32, #tpu.memory_space<vmem_shared>>
    tpu.wait_indirect_dma semaphore(%arg19 : memref<!tpu.dma_semaphore, #tpu.memory_space<semaphore_mem>>) src(%arg12 : memref<128xf32, #tpu.memory_space<vmem>>) dst(%dma_wait3A_663 : memref<10240xf32, #tpu.memory_space<vmem_shared>>)
    %mul3A_664 = arith.constant 10000 : i32
    %mul3A_665 = arith.muli %arg1, %mul3A_664 : i32
    %add3A_666 = arith.constant 9984 : i32
    %add3A_667 = arith.addi %mul3A_665, %add3A_666 : i32
    "tpu.region"() ({
      %run_scoped3A_1036 = tpu.sem_alloc : memref<!tpu.dma_semaphore, #tpu.memory_space<semaphore_mem>>
      %dma_start3A_1037 = tpu.memref_slice %arg3[%add3A_667] : memref<160000xi32, #tpu.memory_space<hbm>> -> memref<16xi32, #tpu.memory_space<hbm>>
      %dma_start3A_1038 = tpu.memref_slice %arg3[%add3A_667] : memref<160000xi32, #tpu.memory_space<hbm>> -> memref<16xi32, #tpu.memory_space<hbm>>
      tpu.enqueue_dma source(%dma_start3A_1038 : memref<16xi32, #tpu.memory_space<hbm>>) target(%arg10 : memref<16xi32, #tpu.memory_space<vmem>>) target_semaphore(%run_scoped3A_1036 : memref<!tpu.dma_semaphore, #tpu.memory_space<semaphore_mem>>)
      %dma_wait3A_1039 = tpu.memref_slice %arg3[%add3A_667] : memref<160000xi32, #tpu.memory_space<hbm>> -> memref<16xi32, #tpu.memory_space<hbm>>
      %dma_wait3A_1040 = tpu.memref_slice %arg3[%add3A_667] : memref<160000xi32, #tpu.memory_space<hbm>> -> memref<16xi32, #tpu.memory_space<hbm>>
      tpu.wait_dma2 semaphore(%run_scoped3A_1036 : memref<!tpu.dma_semaphore, #tpu.memory_space<semaphore_mem>>) src(%dma_wait3A_1040 : memref<16xi32, #tpu.memory_space<hbm>>) dst(%arg10 : memref<16xi32, #tpu.memory_space<vmem>>)
      tpu.yield
    }) : () -> ()
    "tpu.region"() ({
      %run_scoped3A_1036 = tpu.sem_alloc : memref<!tpu.dma_semaphore, #tpu.memory_space<semaphore_mem>>
      %dma_start3A_1037 = tpu.memref_slice %arg4[%add3A_667] : memref<160000xi32, #tpu.memory_space<hbm>> -> memref<16xi32, #tpu.memory_space<hbm>>
      %dma_start3A_1038 = tpu.memref_slice %arg4[%add3A_667] : memref<160000xi32, #tpu.memory_space<hbm>> -> memref<16xi32, #tpu.memory_space<hbm>>
      tpu.enqueue_dma source(%dma_start3A_1038 : memref<16xi32, #tpu.memory_space<hbm>>) target(%arg11 : memref<16xi32, #tpu.memory_space<vmem>>) target_semaphore(%run_scoped3A_1036 : memref<!tpu.dma_semaphore, #tpu.memory_space<semaphore_mem>>)
      %dma_wait3A_1039 = tpu.memref_slice %arg4[%add3A_667] : memref<160000xi32, #tpu.memory_space<hbm>> -> memref<16xi32, #tpu.memory_space<hbm>>
      %dma_wait3A_1040 = tpu.memref_slice %arg4[%add3A_667] : memref<160000xi32, #tpu.memory_space<hbm>> -> memref<16xi32, #tpu.memory_space<hbm>>
      tpu.wait_dma2 semaphore(%run_scoped3A_1036 : memref<!tpu.dma_semaphore, #tpu.memory_space<semaphore_mem>>) src(%dma_wait3A_1040 : memref<16xi32, #tpu.memory_space<hbm>>) dst(%arg11 : memref<16xi32, #tpu.memory_space<vmem>>)
      tpu.yield
    }) : () -> ()
    %get3A_668 = arith.constant 0 : index
    %get3A_669 = tpu.vector_load %arg10[%get3A_668] {strides = array<i32>} : memref<16xi32, #tpu.memory_space<vmem>>, vector<16xi32>,
    %get3A_670 = vector.shape_cast %get3A_669 : vector<16xi32> to vector<16xi32>
    %add3A_671 = vector.broadcast %mul3A_226 : i32 to vector<16xi32>
    %add3A_672 = arith.addi %get3A_670, %add3A_671 : vector<16xi32>
    %swap3A_673 = arith.constant 0 : index
    %swap3A_674 = tpu.vector_load %arg10[%swap3A_673] {strides = array<i32>} : memref<16xi32, #tpu.memory_space<vmem>>, vector<16xi32>,
    %swap3A_675 = vector.shape_cast %swap3A_674 : vector<16xi32> to vector<16xi32>
    %swap3A_676 = vector.shape_cast %add3A_672 : vector<16xi32> to vector<16xi32>
    tpu.vector_store %arg10[%swap3A_673], %swap3A_676 {strides = array<i32>} : memref<16xi32, #tpu.memory_space<vmem>>, vector<16xi32>,
    %dma_start3A_677 = arith.constant 0 : i32
    %dma_start3A_678 = arith.constant 0 : i32
    %dma_start3A_679 = arith.constant 0 : i32
    %dma_start3A_680 = tpu.memref_slice %arg9[%dma_start3A_677, %dma_start3A_678, %dma_start3A_679] : memref<2x128x128xf32, #tpu.memory_space<vmem>> -> memref<1x16x128xf32, #tpu.memory_space<vmem>>
    %dma_start3A_681 = tpu.memref_squeeze %dma_start3A_680 : memref<1x16x128xf32, #tpu.memory_space<vmem>> -> memref<16x128xf32, #tpu.memory_space<vmem>>
    %dma_start3A_682 = arith.constant 0 : i32
    %dma_start3A_683 = arith.constant 0 : i32
    %dma_start3A_684 = tpu.memref_slice %arg2[%dma_start3A_682, %dma_start3A_683] : memref<20480x128xf32, #tpu.memory_space<hbm>> -> memref<20480x128xf32, #tpu.memory_space<hbm>>
    tpu.enqueue_indirect_dma source(%dma_start3A_684 : memref<20480x128xf32, #tpu.memory_space<hbm>>) target(%dma_start3A_681 : memref<16x128xf32, #tpu.memory_space<vmem>>) offsets(%arg10 : memref<16xi32, #tpu.memory_space<vmem>>) semaphore(%arg16 : memref<!tpu.dma_semaphore, #tpu.memory_space<semaphore_mem>>)
    %dma_wait3A_685 = arith.constant 0 : i32
    %dma_wait3A_686 = arith.constant 0 : i32
    %dma_wait3A_687 = arith.constant 0 : i32
    %dma_wait3A_688 = tpu.memref_slice %arg9[%dma_wait3A_685, %dma_wait3A_686, %dma_wait3A_687] : memref<2x128x128xf32, #tpu.memory_space<vmem>> -> memref<1x16x128xf32, #tpu.memory_space<vmem>>
    %dma_wait3A_689 = tpu.memref_squeeze %dma_wait3A_688 : memref<1x16x128xf32, #tpu.memory_space<vmem>> -> memref<16x128xf32, #tpu.memory_space<vmem>>
    %dma_wait3A_690 = arith.constant 0 : i32
    %dma_wait3A_691 = arith.constant 0 : i32
    %dma_wait3A_692 = tpu.memref_slice %arg2[%dma_wait3A_690, %dma_wait3A_691] : memref<20480x128xf32, #tpu.memory_space<hbm>> -> memref<20480x128xf32, #tpu.memory_space<hbm>>
    tpu.wait_indirect_dma semaphore(%arg16 : memref<!tpu.dma_semaphore, #tpu.memory_space<semaphore_mem>>) src(%dma_wait3A_692 : memref<20480x128xf32, #tpu.memory_space<hbm>>) dst(%dma_wait3A_689 : memref<16x128xf32, #tpu.memory_space<vmem>>)
    %run_scoped3A = arith.constant 0 : i32
    "tpu.region"() ({
      %run_scoped3A_1036 = tpu.sem_alloc : memref<!tpu.dma_semaphore, #tpu.memory_space<semaphore_mem>>
      %dma_start3A_1037 = arith.constant 0 : i32
      %dma_start3A_1038 = arith.constant 0 : i32
      %dma_start3A_1039 = tpu.memref_slice %arg9[%run_scoped3A, %dma_start3A_1037, %dma_start3A_1038] : memref<2x128x128xf32, #tpu.memory_space<vmem>> -> memref<1x16x128xf32, #tpu.memory_space<vmem>>
      %dma_start3A_1040 = tpu.memref_squeeze %dma_start3A_1039 : memref<1x16x128xf32, #tpu.memory_space<vmem>> -> memref<16x128xf32, #tpu.memory_space<vmem>>
      %dma_start3A_1041 = arith.constant 0 : i32
      %dma_start3A_1042 = arith.constant 0 : i32
      %dma_start3A_1043 = tpu.memref_slice %arg14[%dma_start3A_1041, %dma_start3A_1042] : memref<10240x128xf32, #tpu.memory_space<vmem_shared>> -> memref<10240x128xf32, #tpu.memory_space<vmem_shared>>
      tpu.enqueue_indirect_dma source(%dma_start3A_1040 : memref<16x128xf32, #tpu.memory_space<vmem>>) target(%dma_start3A_1043 : memref<10240x128xf32, #tpu.memory_space<vmem_shared>>) offsets(%arg11 : memref<16xi32, #tpu.memory_space<vmem>>) semaphore(%run_scoped3A_1036 : memref<!tpu.dma_semaphore, #tpu.memory_space<semaphore_mem>>) {add = true}
      %dma_wait3A_1044 = arith.constant 0 : i32
      %dma_wait3A_1045 = arith.constant 0 : i32
      %dma_wait3A_1046 = tpu.memref_slice %arg9[%run_scoped3A, %dma_wait3A_1044, %dma_wait3A_1045] : memref<2x128x128xf32, #tpu.memory_space<vmem>> -> memref<1x16x128xf32, #tpu.memory_space<vmem>>
      %dma_wait3A_1047 = tpu.memref_squeeze %dma_wait3A_1046 : memref<1x16x128xf32, #tpu.memory_space<vmem>> -> memref<16x128xf32, #tpu.memory_space<vmem>>
      %dma_wait3A_1048 = arith.constant 0 : i32
      %dma_wait3A_1049 = arith.constant 0 : i32
      %dma_wait3A_1050 = tpu.memref_slice %arg14[%dma_wait3A_1048, %dma_wait3A_1049] : memref<10240x128xf32, #tpu.memory_space<vmem_shared>> -> memref<10240x128xf32, #tpu.memory_space<vmem_shared>>
      tpu.wait_indirect_dma semaphore(%run_scoped3A_1036 : memref<!tpu.dma_semaphore, #tpu.memory_space<semaphore_mem>>) src(%dma_wait3A_1047 : memref<16x128xf32, #tpu.memory_space<vmem>>) dst(%dma_wait3A_1050 : memref<10240x128xf32, #tpu.memory_space<vmem_shared>>)
      tpu.yield
    }) : () -> ()
    "tpu.region"() ({
      %run_scoped3A_1036 = tpu.sem_alloc : memref<!tpu.dma_semaphore, #tpu.memory_space<semaphore_mem>>
      %dma_start3A_1037 = arith.constant 0 : i32
      %dma_start3A_1038 = tpu.memref_slice %arg12[%dma_start3A_1037] : memref<128xf32, #tpu.memory_space<vmem>> -> memref<16xf32, #tpu.memory_space<vmem>>
      %dma_start3A_1039 = arith.constant 0 : i32
      %dma_start3A_1040 = tpu.memref_slice %arg15[%dma_start3A_1039] : memref<10240xf32, #tpu.memory_space<vmem_shared>> -> memref<10240xf32, #tpu.memory_space<vmem_shared>>
      tpu.enqueue_indirect_dma source(%dma_start3A_1038 : memref<16xf32, #tpu.memory_space<vmem>>) target(%dma_start3A_1040 : memref<10240xf32, #tpu.memory_space<vmem_shared>>) offsets(%arg11 : memref<16xi32, #tpu.memory_space<vmem>>) semaphore(%run_scoped3A_1036 : memref<!tpu.dma_semaphore, #tpu.memory_space<semaphore_mem>>) {add = true}
      %dma_wait3A_1041 = arith.constant 0 : i32
      %dma_wait3A_1042 = tpu.memref_slice %arg12[%dma_wait3A_1041] : memref<128xf32, #tpu.memory_space<vmem>> -> memref<16xf32, #tpu.memory_space<vmem>>
      %dma_wait3A_1043 = arith.constant 0 : i32
      %dma_wait3A_1044 = tpu.memref_slice %arg15[%dma_wait3A_1043] : memref<10240xf32, #tpu.memory_space<vmem_shared>> -> memref<10240xf32, #tpu.memory_space<vmem_shared>>
      tpu.wait_indirect_dma semaphore(%run_scoped3A_1036 : memref<!tpu.dma_semaphore, #tpu.memory_space<semaphore_mem>>) src(%dma_wait3A_1042 : memref<16xf32, #tpu.memory_space<vmem>>) dst(%dma_wait3A_1044 : memref<10240xf32, #tpu.memory_space<vmem_shared>>)
      tpu.yield
    }) : () -> ()
    %barrier3A_693 = arith.constant 0 : index
    tpu.barrier barrier_id(%barrier3A_693)
    %mul3A_694 = arith.constant 640 : i32
    %mul3A_695 = arith.muli %arg1, %mul3A_694 : i32
    %add3A_696 = arith.constant 0 : i32
    %add3A_697 = arith.addi %mul3A_695, %add3A_696 : i32
    %dma_start3A_698 = arith.constant 0 : i32
    %dma_start3A_699 = arith.constant 0 : i32
    %dma_start3A_700 = arith.constant 0 : i32
    %dma_start3A_701 = tpu.memref_slice %arg9[%dma_start3A_698, %dma_start3A_699, %dma_start3A_700] : memref<2x128x128xf32, #tpu.memory_space<vmem>> -> memref<1x128x128xf32, #tpu.memory_space<vmem>>
    %dma_start3A_702 = tpu.memref_squeeze %dma_start3A_701 : memref<1x128x128xf32, #tpu.memory_space<vmem>> -> memref<128x128xf32, #tpu.memory_space<vmem>>
    %dma_start3A_703 = arith.constant 0 : i32
    %dma_start3A_704 = tpu.memref_slice %arg14[%add3A_697, %dma_start3A_703] : memref<10240x128xf32, #tpu.memory_space<vmem_shared>> -> memref<128x128xf32, #tpu.memory_space<vmem_shared>>
    %dma_start3A_705 = arith.constant 0 : i32
    %dma_start3A_706 = arith.constant 0 : i32
    %dma_start3A_707 = tpu.memref_slice %arg9[%dma_start3A_698, %dma_start3A_705, %dma_start3A_706] : memref<2x128x128xf32, #tpu.memory_space<vmem>> -> memref<1x128x128xf32, #tpu.memory_space<vmem>>
    %dma_start3A_708 = tpu.memref_squeeze %dma_start3A_707 : memref<1x128x128xf32, #tpu.memory_space<vmem>> -> memref<128x128xf32, #tpu.memory_space<vmem>>
    %dma_start3A_709 = arith.constant 0 : i32
    %dma_start3A_710 = tpu.memref_slice %arg14[%add3A_697, %dma_start3A_709] : memref<10240x128xf32, #tpu.memory_space<vmem_shared>> -> memref<128x128xf32, #tpu.memory_space<vmem_shared>>
    tpu.enqueue_dma source(%dma_start3A_710 : memref<128x128xf32, #tpu.memory_space<vmem_shared>>) target(%dma_start3A_708 : memref<128x128xf32, #tpu.memory_space<vmem>>) target_semaphore(%arg16 : memref<!tpu.dma_semaphore, #tpu.memory_space<semaphore_mem>>)
    %dma_wait3A_711 = arith.constant 0 : i32
    %dma_wait3A_712 = arith.constant 0 : i32
    %dma_wait3A_713 = arith.constant 0 : i32
    %dma_wait3A_714 = tpu.memref_slice %arg9[%dma_wait3A_711, %dma_wait3A_712, %dma_wait3A_713] : memref<2x128x128xf32, #tpu.memory_space<vmem>> -> memref<1x128x128xf32, #tpu.memory_space<vmem>>
    %dma_wait3A_715 = tpu.memref_squeeze %dma_wait3A_714 : memref<1x128x128xf32, #tpu.memory_space<vmem>> -> memref<128x128xf32, #tpu.memory_space<vmem>>
    %dma_wait3A_716 = arith.constant 0 : i32
    %dma_wait3A_717 = tpu.memref_slice %arg14[%add3A_697, %dma_wait3A_716] : memref<10240x128xf32, #tpu.memory_space<vmem_shared>> -> memref<128x128xf32, #tpu.memory_space<vmem_shared>>
    %dma_wait3A_718 = arith.constant 0 : i32
    %dma_wait3A_719 = arith.constant 0 : i32
    %dma_wait3A_720 = tpu.memref_slice %arg9[%dma_wait3A_711, %dma_wait3A_718, %dma_wait3A_719] : memref<2x128x128xf32, #tpu.memory_space<vmem>> -> memref<1x128x128xf32, #tpu.memory_space<vmem>>
    %dma_wait3A_721 = tpu.memref_squeeze %dma_wait3A_720 : memref<1x128x128xf32, #tpu.memory_space<vmem>> -> memref<128x128xf32, #tpu.memory_space<vmem>>
    %dma_wait3A_722 = arith.constant 0 : i32
    %dma_wait3A_723 = tpu.memref_slice %arg14[%add3A_697, %dma_wait3A_722] : memref<10240x128xf32, #tpu.memory_space<vmem_shared>> -> memref<128x128xf32, #tpu.memory_space<vmem_shared>>
    tpu.wait_dma2 semaphore(%arg16 : memref<!tpu.dma_semaphore, #tpu.memory_space<semaphore_mem>>) src(%dma_wait3A_723 : memref<128x128xf32, #tpu.memory_space<vmem_shared>>) dst(%dma_wait3A_721 : memref<128x128xf32, #tpu.memory_space<vmem>>)
    %mul3A_724 = arith.constant 640 : i32
    %mul3A_725 = arith.muli %arg1, %mul3A_724 : i32
    %add3A_726 = arith.constant 0 : i32
    %add3A_727 = arith.addi %mul3A_725, %add3A_726 : i32
    %dma_start3A_728 = arith.constant 0 : i32
    %dma_start3A_729 = arith.constant 0 : i32
    %dma_start3A_730 = arith.constant 0 : i32
    %dma_start3A_731 = tpu.memref_slice %arg9[%dma_start3A_728, %dma_start3A_729, %dma_start3A_730] : memref<2x128x128xf32, #tpu.memory_space<vmem>> -> memref<1x128x128xf32, #tpu.memory_space<vmem>>
    %dma_start3A_732 = tpu.memref_squeeze %dma_start3A_731 : memref<1x128x128xf32, #tpu.memory_space<vmem>> -> memref<128x128xf32, #tpu.memory_space<vmem>>
    %dma_start3A_733 = arith.constant 0 : i32
    %dma_start3A_734 = tpu.memref_slice %arg5[%arg0, %add3A_727, %dma_start3A_733] : memref<2x10240x128xf32, #tpu.memory_space<hbm>> -> memref<1x128x128xf32, #tpu.memory_space<hbm>>
    %dma_start3A_735 = tpu.memref_squeeze %dma_start3A_734 : memref<1x128x128xf32, #tpu.memory_space<hbm>> -> memref<128x128xf32, #tpu.memory_space<hbm>>
    %dma_start3A_736 = arith.constant 0 : i32
    %dma_start3A_737 = tpu.memref_slice %arg5[%arg0, %add3A_727, %dma_start3A_736] : memref<2x10240x128xf32, #tpu.memory_space<hbm>> -> memref<1x128x128xf32, #tpu.memory_space<hbm>>
    %dma_start3A_738 = tpu.memref_squeeze %dma_start3A_737 : memref<1x128x128xf32, #tpu.memory_space<hbm>> -> memref<128x128xf32, #tpu.memory_space<hbm>>
    %dma_start3A_739 = arith.constant 0 : i32
    %dma_start3A_740 = arith.constant 0 : i32
    %dma_start3A_741 = tpu.memref_slice %arg9[%dma_start3A_728, %dma_start3A_739, %dma_start3A_740] : memref<2x128x128xf32, #tpu.memory_space<vmem>> -> memref<1x128x128xf32, #tpu.memory_space<vmem>>
    %dma_start3A_742 = tpu.memref_squeeze %dma_start3A_741 : memref<1x128x128xf32, #tpu.memory_space<vmem>> -> memref<128x128xf32, #tpu.memory_space<vmem>>
    tpu.enqueue_dma source(%dma_start3A_742 : memref<128x128xf32, #tpu.memory_space<vmem>>) target(%dma_start3A_738 : memref<128x128xf32, #tpu.memory_space<hbm>>) target_semaphore(%arg18 : memref<!tpu.dma_semaphore, #tpu.memory_space<semaphore_mem>>)
    %mul3A_743 = arith.constant 640 : i32
    %mul3A_744 = arith.muli %arg1, %mul3A_743 : i32
    %add3A_745 = arith.constant 128 : i32
    %add3A_746 = arith.addi %mul3A_744, %add3A_745 : i32
    %dma_start3A_747 = arith.constant 1 : i32
    %dma_start3A_748 = arith.constant 0 : i32
    %dma_start3A_749 = arith.constant 0 : i32
    %dma_start3A_750 = tpu.memref_slice %arg9[%dma_start3A_747, %dma_start3A_748, %dma_start3A_749] : memref<2x128x128xf32, #tpu.memory_space<vmem>> -> memref<1x128x128xf32, #tpu.memory_space<vmem>>
    %dma_start3A_751 = tpu.memref_squeeze %dma_start3A_750 : memref<1x128x128xf32, #tpu.memory_space<vmem>> -> memref<128x128xf32, #tpu.memory_space<vmem>>
    %dma_start3A_752 = arith.constant 0 : i32
    %dma_start3A_753 = tpu.memref_slice %arg14[%add3A_746, %dma_start3A_752] : memref<10240x128xf32, #tpu.memory_space<vmem_shared>> -> memref<128x128xf32, #tpu.memory_space<vmem_shared>>
    %dma_start3A_754 = arith.constant 0 : i32
    %dma_start3A_755 = arith.constant 0 : i32
    %dma_start3A_756 = tpu.memref_slice %arg9[%dma_start3A_747, %dma_start3A_754, %dma_start3A_755] : memref<2x128x128xf32, #tpu.memory_space<vmem>> -> memref<1x128x128xf32, #tpu.memory_space<vmem>>
    %dma_start3A_757 = tpu.memref_squeeze %dma_start3A_756 : memref<1x128x128xf32, #tpu.memory_space<vmem>> -> memref<128x128xf32, #tpu.memory_space<vmem>>
    %dma_start3A_758 = arith.constant 0 : i32
    %dma_start3A_759 = tpu.memref_slice %arg14[%add3A_746, %dma_start3A_758] : memref<10240x128xf32, #tpu.memory_space<vmem_shared>> -> memref<128x128xf32, #tpu.memory_space<vmem_shared>>
    tpu.enqueue_dma source(%dma_start3A_759 : memref<128x128xf32, #tpu.memory_space<vmem_shared>>) target(%dma_start3A_757 : memref<128x128xf32, #tpu.memory_space<vmem>>) target_semaphore(%arg17 : memref<!tpu.dma_semaphore, #tpu.memory_space<semaphore_mem>>)
    %dma_wait3A_760 = arith.constant 1 : i32
    %dma_wait3A_761 = arith.constant 0 : i32
    %dma_wait3A_762 = arith.constant 0 : i32
    %dma_wait3A_763 = tpu.memref_slice %arg9[%dma_wait3A_760, %dma_wait3A_761, %dma_wait3A_762] : memref<2x128x128xf32, #tpu.memory_space<vmem>> -> memref<1x128x128xf32, #tpu.memory_space<vmem>>
    %dma_wait3A_764 = tpu.memref_squeeze %dma_wait3A_763 : memref<1x128x128xf32, #tpu.memory_space<vmem>> -> memref<128x128xf32, #tpu.memory_space<vmem>>
    %dma_wait3A_765 = arith.constant 0 : i32
    %dma_wait3A_766 = tpu.memref_slice %arg14[%add3A_746, %dma_wait3A_765] : memref<10240x128xf32, #tpu.memory_space<vmem_shared>> -> memref<128x128xf32, #tpu.memory_space<vmem_shared>>
    %dma_wait3A_767 = arith.constant 0 : i32
    %dma_wait3A_768 = arith.constant 0 : i32
    %dma_wait3A_769 = tpu.memref_slice %arg9[%dma_wait3A_760, %dma_wait3A_767, %dma_wait3A_768] : memref<2x128x128xf32, #tpu.memory_space<vmem>> -> memref<1x128x128xf32, #tpu.memory_space<vmem>>
    %dma_wait3A_770 = tpu.memref_squeeze %dma_wait3A_769 : memref<1x128x128xf32, #tpu.memory_space<vmem>> -> memref<128x128xf32, #tpu.memory_space<vmem>>
    %dma_wait3A_771 = arith.constant 0 : i32
    %dma_wait3A_772 = tpu.memref_slice %arg14[%add3A_746, %dma_wait3A_771] : memref<10240x128xf32, #tpu.memory_space<vmem_shared>> -> memref<128x128xf32, #tpu.memory_space<vmem_shared>>
    tpu.wait_dma2 semaphore(%arg17 : memref<!tpu.dma_semaphore, #tpu.memory_space<semaphore_mem>>) src(%dma_wait3A_772 : memref<128x128xf32, #tpu.memory_space<vmem_shared>>) dst(%dma_wait3A_770 : memref<128x128xf32, #tpu.memory_space<vmem>>)
    %mul3A_773 = arith.constant 640 : i32
    %mul3A_774 = arith.muli %arg1, %mul3A_773 : i32
    %add3A_775 = arith.constant 128 : i32
    %add3A_776 = arith.addi %mul3A_774, %add3A_775 : i32
    %dma_start3A_777 = arith.constant 1 : i32
    %dma_start3A_778 = arith.constant 0 : i32
    %dma_start3A_779 = arith.constant 0 : i32
    %dma_start3A_780 = tpu.memref_slice %arg9[%dma_start3A_777, %dma_start3A_778, %dma_start3A_779] : memref<2x128x128xf32, #tpu.memory_space<vmem>> -> memref<1x128x128xf32, #tpu.memory_space<vmem>>
    %dma_start3A_781 = tpu.memref_squeeze %dma_start3A_780 : memref<1x128x128xf32, #tpu.memory_space<vmem>> -> memref<128x128xf32, #tpu.memory_space<vmem>>
    %dma_start3A_782 = arith.constant 0 : i32
    %dma_start3A_783 = tpu.memref_slice %arg5[%arg0, %add3A_776, %dma_start3A_782] : memref<2x10240x128xf32, #tpu.memory_space<hbm>> -> memref<1x128x128xf32, #tpu.memory_space<hbm>>
    %dma_start3A_784 = tpu.memref_squeeze %dma_start3A_783 : memref<1x128x128xf32, #tpu.memory_space<hbm>> -> memref<128x128xf32, #tpu.memory_space<hbm>>
    %dma_start3A_785 = arith.constant 0 : i32
    %dma_start3A_786 = tpu.memref_slice %arg5[%arg0, %add3A_776, %dma_start3A_785] : memref<2x10240x128xf32, #tpu.memory_space<hbm>> -> memref<1x128x128xf32, #tpu.memory_space<hbm>>
    %dma_start3A_787 = tpu.memref_squeeze %dma_start3A_786 : memref<1x128x128xf32, #tpu.memory_space<hbm>> -> memref<128x128xf32, #tpu.memory_space<hbm>>
    %dma_start3A_788 = arith.constant 0 : i32
    %dma_start3A_789 = arith.constant 0 : i32
    %dma_start3A_790 = tpu.memref_slice %arg9[%dma_start3A_777, %dma_start3A_788, %dma_start3A_789] : memref<2x128x128xf32, #tpu.memory_space<vmem>> -> memref<1x128x128xf32, #tpu.memory_space<vmem>>
    %dma_start3A_791 = tpu.memref_squeeze %dma_start3A_790 : memref<1x128x128xf32, #tpu.memory_space<vmem>> -> memref<128x128xf32, #tpu.memory_space<vmem>>
    tpu.enqueue_dma source(%dma_start3A_791 : memref<128x128xf32, #tpu.memory_space<vmem>>) target(%dma_start3A_787 : memref<128x128xf32, #tpu.memory_space<hbm>>) target_semaphore(%arg19 : memref<!tpu.dma_semaphore, #tpu.memory_space<semaphore_mem>>)
    %mul3A_792 = arith.constant 640 : i32
    %mul3A_793 = arith.muli %arg1, %mul3A_792 : i32
    %add3A_794 = arith.constant 0 : i32
    %add3A_795 = arith.addi %mul3A_793, %add3A_794 : i32
    %dma_wait3A_796 = arith.constant 0 : i32
    %dma_wait3A_797 = arith.constant 0 : i32
    %dma_wait3A_798 = arith.constant 0 : i32
    %dma_wait3A_799 = tpu.memref_slice %arg9[%dma_wait3A_796, %dma_wait3A_797, %dma_wait3A_798] : memref<2x128x128xf32, #tpu.memory_space<vmem>> -> memref<1x128x128xf32, #tpu.memory_space<vmem>>
    %dma_wait3A_800 = tpu.memref_squeeze %dma_wait3A_799 : memref<1x128x128xf32, #tpu.memory_space<vmem>> -> memref<128x128xf32, #tpu.memory_space<vmem>>
    %dma_wait3A_801 = arith.constant 0 : i32
    %dma_wait3A_802 = tpu.memref_slice %arg5[%arg0, %add3A_795, %dma_wait3A_801] : memref<2x10240x128xf32, #tpu.memory_space<hbm>> -> memref<1x128x128xf32, #tpu.memory_space<hbm>>
    %dma_wait3A_803 = tpu.memref_squeeze %dma_wait3A_802 : memref<1x128x128xf32, #tpu.memory_space<hbm>> -> memref<128x128xf32, #tpu.memory_space<hbm>>
    %dma_wait3A_804 = arith.constant 0 : i32
    %dma_wait3A_805 = tpu.memref_slice %arg5[%arg0, %add3A_795, %dma_wait3A_804] : memref<2x10240x128xf32, #tpu.memory_space<hbm>> -> memref<1x128x128xf32, #tpu.memory_space<hbm>>
    %dma_wait3A_806 = tpu.memref_squeeze %dma_wait3A_805 : memref<1x128x128xf32, #tpu.memory_space<hbm>> -> memref<128x128xf32, #tpu.memory_space<hbm>>
    %dma_wait3A_807 = arith.constant 0 : i32
    %dma_wait3A_808 = arith.constant 0 : i32
    %dma_wait3A_809 = tpu.memref_slice %arg9[%dma_wait3A_796, %dma_wait3A_807, %dma_wait3A_808] : memref<2x128x128xf32, #tpu.memory_space<vmem>> -> memref<1x128x128xf32, #tpu.memory_space<vmem>>
    %dma_wait3A_810 = tpu.memref_squeeze %dma_wait3A_809 : memref<1x128x128xf32, #tpu.memory_space<vmem>> -> memref<128x128xf32, #tpu.memory_space<vmem>>
    tpu.wait_dma2 semaphore(%arg18 : memref<!tpu.dma_semaphore, #tpu.memory_space<semaphore_mem>>) src(%dma_wait3A_810 : memref<128x128xf32, #tpu.memory_space<vmem>>) dst(%dma_wait3A_806 : memref<128x128xf32, #tpu.memory_space<hbm>>)
    %mul3A_811 = arith.constant 640 : i32
    %mul3A_812 = arith.muli %arg1, %mul3A_811 : i32
    %add3A_813 = arith.constant 256 : i32
    %add3A_814 = arith.addi %mul3A_812, %add3A_813 : i32
    %dma_start3A_815 = arith.constant 0 : i32
    %dma_start3A_816 = arith.constant 0 : i32
    %dma_start3A_817 = arith.constant 0 : i32
    %dma_start3A_818 = tpu.memref_slice %arg9[%dma_start3A_815, %dma_start3A_816, %dma_start3A_817] : memref<2x128x128xf32, #tpu.memory_space<vmem>> -> memref<1x128x128xf32, #tpu.memory_space<vmem>>
    %dma_start3A_819 = tpu.memref_squeeze %dma_start3A_818 : memref<1x128x128xf32, #tpu.memory_space<vmem>> -> memref<128x128xf32, #tpu.memory_space<vmem>>
    %dma_start3A_820 = arith.constant 0 : i32
    %dma_start3A_821 = tpu.memref_slice %arg14[%add3A_814, %dma_start3A_820] : memref<10240x128xf32, #tpu.memory_space<vmem_shared>> -> memref<128x128xf32, #tpu.memory_space<vmem_shared>>
    %dma_start3A_822 = arith.constant 0 : i32
    %dma_start3A_823 = arith.constant 0 : i32
    %dma_start3A_824 = tpu.memref_slice %arg9[%dma_start3A_815, %dma_start3A_822, %dma_start3A_823] : memref<2x128x128xf32, #tpu.memory_space<vmem>> -> memref<1x128x128xf32, #tpu.memory_space<vmem>>
    %dma_start3A_825 = tpu.memref_squeeze %dma_start3A_824 : memref<1x128x128xf32, #tpu.memory_space<vmem>> -> memref<128x128xf32, #tpu.memory_space<vmem>>
    %dma_start3A_826 = arith.constant 0 : i32
    %dma_start3A_827 = tpu.memref_slice %arg14[%add3A_814, %dma_start3A_826] : memref<10240x128xf32, #tpu.memory_space<vmem_shared>> -> memref<128x128xf32, #tpu.memory_space<vmem_shared>>
    tpu.enqueue_dma source(%dma_start3A_827 : memref<128x128xf32, #tpu.memory_space<vmem_shared>>) target(%dma_start3A_825 : memref<128x128xf32, #tpu.memory_space<vmem>>) target_semaphore(%arg16 : memref<!tpu.dma_semaphore, #tpu.memory_space<semaphore_mem>>)
    %dma_wait3A_828 = arith.constant 0 : i32
    %dma_wait3A_829 = arith.constant 0 : i32
    %dma_wait3A_830 = arith.constant 0 : i32
    %dma_wait3A_831 = tpu.memref_slice %arg9[%dma_wait3A_828, %dma_wait3A_829, %dma_wait3A_830] : memref<2x128x128xf32, #tpu.memory_space<vmem>> -> memref<1x128x128xf32, #tpu.memory_space<vmem>>
    %dma_wait3A_832 = tpu.memref_squeeze %dma_wait3A_831 : memref<1x128x128xf32, #tpu.memory_space<vmem>> -> memref<128x128xf32, #tpu.memory_space<vmem>>
    %dma_wait3A_833 = arith.constant 0 : i32
    %dma_wait3A_834 = tpu.memref_slice %arg14[%add3A_814, %dma_wait3A_833] : memref<10240x128xf32, #tpu.memory_space<vmem_shared>> -> memref<128x128xf32, #tpu.memory_space<vmem_shared>>
    %dma_wait3A_835 = arith.constant 0 : i32
    %dma_wait3A_836 = arith.constant 0 : i32
    %dma_wait3A_837 = tpu.memref_slice %arg9[%dma_wait3A_828, %dma_wait3A_835, %dma_wait3A_836] : memref<2x128x128xf32, #tpu.memory_space<vmem>> -> memref<1x128x128xf32, #tpu.memory_space<vmem>>
    %dma_wait3A_838 = tpu.memref_squeeze %dma_wait3A_837 : memref<1x128x128xf32, #tpu.memory_space<vmem>> -> memref<128x128xf32, #tpu.memory_space<vmem>>
    %dma_wait3A_839 = arith.constant 0 : i32
    %dma_wait3A_840 = tpu.memref_slice %arg14[%add3A_814, %dma_wait3A_839] : memref<10240x128xf32, #tpu.memory_space<vmem_shared>> -> memref<128x128xf32, #tpu.memory_space<vmem_shared>>
    tpu.wait_dma2 semaphore(%arg16 : memref<!tpu.dma_semaphore, #tpu.memory_space<semaphore_mem>>) src(%dma_wait3A_840 : memref<128x128xf32, #tpu.memory_space<vmem_shared>>) dst(%dma_wait3A_838 : memref<128x128xf32, #tpu.memory_space<vmem>>)
    %mul3A_841 = arith.constant 640 : i32
    %mul3A_842 = arith.muli %arg1, %mul3A_841 : i32
    %add3A_843 = arith.constant 256 : i32
    %add3A_844 = arith.addi %mul3A_842, %add3A_843 : i32
    %dma_start3A_845 = arith.constant 0 : i32
    %dma_start3A_846 = arith.constant 0 : i32
    %dma_start3A_847 = arith.constant 0 : i32
    %dma_start3A_848 = tpu.memref_slice %arg9[%dma_start3A_845, %dma_start3A_846, %dma_start3A_847] : memref<2x128x128xf32, #tpu.memory_space<vmem>> -> memref<1x128x128xf32, #tpu.memory_space<vmem>>
    %dma_start3A_849 = tpu.memref_squeeze %dma_start3A_848 : memref<1x128x128xf32, #tpu.memory_space<vmem>> -> memref<128x128xf32, #tpu.memory_space<vmem>>
    %dma_start3A_850 = arith.constant 0 : i32
    %dma_start3A_851 = tpu.memref_slice %arg5[%arg0, %add3A_844, %dma_start3A_850] : memref<2x10240x128xf32, #tpu.memory_space<hbm>> -> memref<1x128x128xf32, #tpu.memory_space<hbm>>
    %dma_start3A_852 = tpu.memref_squeeze %dma_start3A_851 : memref<1x128x128xf32, #tpu.memory_space<hbm>> -> memref<128x128xf32, #tpu.memory_space<hbm>>
    %dma_start3A_853 = arith.constant 0 : i32
    %dma_start3A_854 = tpu.memref_slice %arg5[%arg0, %add3A_844, %dma_start3A_853] : memref<2x10240x128xf32, #tpu.memory_space<hbm>> -> memref<1x128x128xf32, #tpu.memory_space<hbm>>
    %dma_start3A_855 = tpu.memref_squeeze %dma_start3A_854 : memref<1x128x128xf32, #tpu.memory_space<hbm>> -> memref<128x128xf32, #tpu.memory_space<hbm>>
    %dma_start3A_856 = arith.constant 0 : i32
    %dma_start3A_857 = arith.constant 0 : i32
    %dma_start3A_858 = tpu.memref_slice %arg9[%dma_start3A_845, %dma_start3A_856, %dma_start3A_857] : memref<2x128x128xf32, #tpu.memory_space<vmem>> -> memref<1x128x128xf32, #tpu.memory_space<vmem>>
    %dma_start3A_859 = tpu.memref_squeeze %dma_start3A_858 : memref<1x128x128xf32, #tpu.memory_space<vmem>> -> memref<128x128xf32, #tpu.memory_space<vmem>>
    tpu.enqueue_dma source(%dma_start3A_859 : memref<128x128xf32, #tpu.memory_space<vmem>>) target(%dma_start3A_855 : memref<128x128xf32, #tpu.memory_space<hbm>>) target_semaphore(%arg18 : memref<!tpu.dma_semaphore, #tpu.memory_space<semaphore_mem>>)
    %mul3A_860 = arith.constant 640 : i32
    %mul3A_861 = arith.muli %arg1, %mul3A_860 : i32
    %add3A_862 = arith.constant 128 : i32
    %add3A_863 = arith.addi %mul3A_861, %add3A_862 : i32
    %dma_wait3A_864 = arith.constant 1 : i32
    %dma_wait3A_865 = arith.constant 0 : i32
    %dma_wait3A_866 = arith.constant 0 : i32
    %dma_wait3A_867 = tpu.memref_slice %arg9[%dma_wait3A_864, %dma_wait3A_865, %dma_wait3A_866] : memref<2x128x128xf32, #tpu.memory_space<vmem>> -> memref<1x128x128xf32, #tpu.memory_space<vmem>>
    %dma_wait3A_868 = tpu.memref_squeeze %dma_wait3A_867 : memref<1x128x128xf32, #tpu.memory_space<vmem>> -> memref<128x128xf32, #tpu.memory_space<vmem>>
    %dma_wait3A_869 = arith.constant 0 : i32
    %dma_wait3A_870 = tpu.memref_slice %arg5[%arg0, %add3A_863, %dma_wait3A_869] : memref<2x10240x128xf32, #tpu.memory_space<hbm>> -> memref<1x128x128xf32, #tpu.memory_space<hbm>>
    %dma_wait3A_871 = tpu.memref_squeeze %dma_wait3A_870 : memref<1x128x128xf32, #tpu.memory_space<hbm>> -> memref<128x128xf32, #tpu.memory_space<hbm>>
    %dma_wait3A_872 = arith.constant 0 : i32
    %dma_wait3A_873 = tpu.memref_slice %arg5[%arg0, %add3A_863, %dma_wait3A_872] : memref<2x10240x128xf32, #tpu.memory_space<hbm>> -> memref<1x128x128xf32, #tpu.memory_space<hbm>>
    %dma_wait3A_874 = tpu.memref_squeeze %dma_wait3A_873 : memref<1x128x128xf32, #tpu.memory_space<hbm>> -> memref<128x128xf32, #tpu.memory_space<hbm>>
    %dma_wait3A_875 = arith.constant 0 : i32
    %dma_wait3A_876 = arith.constant 0 : i32
    %dma_wait3A_877 = tpu.memref_slice %arg9[%dma_wait3A_864, %dma_wait3A_875, %dma_wait3A_876] : memref<2x128x128xf32, #tpu.memory_space<vmem>> -> memref<1x128x128xf32, #tpu.memory_space<vmem>>
    %dma_wait3A_878 = tpu.memref_squeeze %dma_wait3A_877 : memref<1x128x128xf32, #tpu.memory_space<vmem>> -> memref<128x128xf32, #tpu.memory_space<vmem>>
    tpu.wait_dma2 semaphore(%arg19 : memref<!tpu.dma_semaphore, #tpu.memory_space<semaphore_mem>>) src(%dma_wait3A_878 : memref<128x128xf32, #tpu.memory_space<vmem>>) dst(%dma_wait3A_874 : memref<128x128xf32, #tpu.memory_space<hbm>>)
    %mul3A_879 = arith.constant 640 : i32
    %mul3A_880 = arith.muli %arg1, %mul3A_879 : i32
    %add3A_881 = arith.constant 384 : i32
    %add3A_882 = arith.addi %mul3A_880, %add3A_881 : i32
    %dma_start3A_883 = arith.constant 1 : i32
    %dma_start3A_884 = arith.constant 0 : i32
    %dma_start3A_885 = arith.constant 0 : i32
    %dma_start3A_886 = tpu.memref_slice %arg9[%dma_start3A_883, %dma_start3A_884, %dma_start3A_885] : memref<2x128x128xf32, #tpu.memory_space<vmem>> -> memref<1x128x128xf32, #tpu.memory_space<vmem>>
    %dma_start3A_887 = tpu.memref_squeeze %dma_start3A_886 : memref<1x128x128xf32, #tpu.memory_space<vmem>> -> memref<128x128xf32, #tpu.memory_space<vmem>>
    %dma_start3A_888 = arith.constant 0 : i32
    %dma_start3A_889 = tpu.memref_slice %arg14[%add3A_882, %dma_start3A_888] : memref<10240x128xf32, #tpu.memory_space<vmem_shared>> -> memref<128x128xf32, #tpu.memory_space<vmem_shared>>
    %dma_start3A_890 = arith.constant 0 : i32
    %dma_start3A_891 = arith.constant 0 : i32
    %dma_start3A_892 = tpu.memref_slice %arg9[%dma_start3A_883, %dma_start3A_890, %dma_start3A_891] : memref<2x128x128xf32, #tpu.memory_space<vmem>> -> memref<1x128x128xf32, #tpu.memory_space<vmem>>
    %dma_start3A_893 = tpu.memref_squeeze %dma_start3A_892 : memref<1x128x128xf32, #tpu.memory_space<vmem>> -> memref<128x128xf32, #tpu.memory_space<vmem>>
    %dma_start3A_894 = arith.constant 0 : i32
    %dma_start3A_895 = tpu.memref_slice %arg14[%add3A_882, %dma_start3A_894] : memref<10240x128xf32, #tpu.memory_space<vmem_shared>> -> memref<128x128xf32, #tpu.memory_space<vmem_shared>>
    tpu.enqueue_dma source(%dma_start3A_895 : memref<128x128xf32, #tpu.memory_space<vmem_shared>>) target(%dma_start3A_893 : memref<128x128xf32, #tpu.memory_space<vmem>>) target_semaphore(%arg17 : memref<!tpu.dma_semaphore, #tpu.memory_space<semaphore_mem>>)
    %dma_wait3A_896 = arith.constant 1 : i32
    %dma_wait3A_897 = arith.constant 0 : i32
    %dma_wait3A_898 = arith.constant 0 : i32
    %dma_wait3A_899 = tpu.memref_slice %arg9[%dma_wait3A_896, %dma_wait3A_897, %dma_wait3A_898] : memref<2x128x128xf32, #tpu.memory_space<vmem>> -> memref<1x128x128xf32, #tpu.memory_space<vmem>>
    %dma_wait3A_900 = tpu.memref_squeeze %dma_wait3A_899 : memref<1x128x128xf32, #tpu.memory_space<vmem>> -> memref<128x128xf32, #tpu.memory_space<vmem>>
    %dma_wait3A_901 = arith.constant 0 : i32
    %dma_wait3A_902 = tpu.memref_slice %arg14[%add3A_882, %dma_wait3A_901] : memref<10240x128xf32, #tpu.memory_space<vmem_shared>> -> memref<128x128xf32, #tpu.memory_space<vmem_shared>>
    %dma_wait3A_903 = arith.constant 0 : i32
    %dma_wait3A_904 = arith.constant 0 : i32
    %dma_wait3A_905 = tpu.memref_slice %arg9[%dma_wait3A_896, %dma_wait3A_903, %dma_wait3A_904] : memref<2x128x128xf32, #tpu.memory_space<vmem>> -> memref<1x128x128xf32, #tpu.memory_space<vmem>>
    %dma_wait3A_906 = tpu.memref_squeeze %dma_wait3A_905 : memref<1x128x128xf32, #tpu.memory_space<vmem>> -> memref<128x128xf32, #tpu.memory_space<vmem>>
    %dma_wait3A_907 = arith.constant 0 : i32
    %dma_wait3A_908 = tpu.memref_slice %arg14[%add3A_882, %dma_wait3A_907] : memref<10240x128xf32, #tpu.memory_space<vmem_shared>> -> memref<128x128xf32, #tpu.memory_space<vmem_shared>>
    tpu.wait_dma2 semaphore(%arg17 : memref<!tpu.dma_semaphore, #tpu.memory_space<semaphore_mem>>) src(%dma_wait3A_908 : memref<128x128xf32, #tpu.memory_space<vmem_shared>>) dst(%dma_wait3A_906 : memref<128x128xf32, #tpu.memory_space<vmem>>)
    %mul3A_909 = arith.constant 640 : i32
    %mul3A_910 = arith.muli %arg1, %mul3A_909 : i32
    %add3A_911 = arith.constant 384 : i32
    %add3A_912 = arith.addi %mul3A_910, %add3A_911 : i32
    %dma_start3A_913 = arith.constant 1 : i32
    %dma_start3A_914 = arith.constant 0 : i32
    %dma_start3A_915 = arith.constant 0 : i32
    %dma_start3A_916 = tpu.memref_slice %arg9[%dma_start3A_913, %dma_start3A_914, %dma_start3A_915] : memref<2x128x128xf32, #tpu.memory_space<vmem>> -> memref<1x128x128xf32, #tpu.memory_space<vmem>>
    %dma_start3A_917 = tpu.memref_squeeze %dma_start3A_916 : memref<1x128x128xf32, #tpu.memory_space<vmem>> -> memref<128x128xf32, #tpu.memory_space<vmem>>
    %dma_start3A_918 = arith.constant 0 : i32
    %dma_start3A_919 = tpu.memref_slice %arg5[%arg0, %add3A_912, %dma_start3A_918] : memref<2x10240x128xf32, #tpu.memory_space<hbm>> -> memref<1x128x128xf32, #tpu.memory_space<hbm>>
    %dma_start3A_920 = tpu.memref_squeeze %dma_start3A_919 : memref<1x128x128xf32, #tpu.memory_space<hbm>> -> memref<128x128xf32, #tpu.memory_space<hbm>>
    %dma_start3A_921 = arith.constant 0 : i32
    %dma_start3A_922 = tpu.memref_slice %arg5[%arg0, %add3A_912, %dma_start3A_921] : memref<2x10240x128xf32, #tpu.memory_space<hbm>> -> memref<1x128x128xf32, #tpu.memory_space<hbm>>
    %dma_start3A_923 = tpu.memref_squeeze %dma_start3A_922 : memref<1x128x128xf32, #tpu.memory_space<hbm>> -> memref<128x128xf32, #tpu.memory_space<hbm>>
    %dma_start3A_924 = arith.constant 0 : i32
    %dma_start3A_925 = arith.constant 0 : i32
    %dma_start3A_926 = tpu.memref_slice %arg9[%dma_start3A_913, %dma_start3A_924, %dma_start3A_925] : memref<2x128x128xf32, #tpu.memory_space<vmem>> -> memref<1x128x128xf32, #tpu.memory_space<vmem>>
    %dma_start3A_927 = tpu.memref_squeeze %dma_start3A_926 : memref<1x128x128xf32, #tpu.memory_space<vmem>> -> memref<128x128xf32, #tpu.memory_space<vmem>>
    tpu.enqueue_dma source(%dma_start3A_927 : memref<128x128xf32, #tpu.memory_space<vmem>>) target(%dma_start3A_923 : memref<128x128xf32, #tpu.memory_space<hbm>>) target_semaphore(%arg19 : memref<!tpu.dma_semaphore, #tpu.memory_space<semaphore_mem>>)
    %mul3A_928 = arith.constant 640 : i32
    %mul3A_929 = arith.muli %arg1, %mul3A_928 : i32
    %add3A_930 = arith.constant 256 : i32
    %add3A_931 = arith.addi %mul3A_929, %add3A_930 : i32
    %dma_wait3A_932 = arith.constant 0 : i32
    %dma_wait3A_933 = arith.constant 0 : i32
    %dma_wait3A_934 = arith.constant 0 : i32
    %dma_wait3A_935 = tpu.memref_slice %arg9[%dma_wait3A_932, %dma_wait3A_933, %dma_wait3A_934] : memref<2x128x128xf32, #tpu.memory_space<vmem>> -> memref<1x128x128xf32, #tpu.memory_space<vmem>>
    %dma_wait3A_936 = tpu.memref_squeeze %dma_wait3A_935 : memref<1x128x128xf32, #tpu.memory_space<vmem>> -> memref<128x128xf32, #tpu.memory_space<vmem>>
    %dma_wait3A_937 = arith.constant 0 : i32
    %dma_wait3A_938 = tpu.memref_slice %arg5[%arg0, %add3A_931, %dma_wait3A_937] : memref<2x10240x128xf32, #tpu.memory_space<hbm>> -> memref<1x128x128xf32, #tpu.memory_space<hbm>>
    %dma_wait3A_939 = tpu.memref_squeeze %dma_wait3A_938 : memref<1x128x128xf32, #tpu.memory_space<hbm>> -> memref<128x128xf32, #tpu.memory_space<hbm>>
    %dma_wait3A_940 = arith.constant 0 : i32
    %dma_wait3A_941 = tpu.memref_slice %arg5[%arg0, %add3A_931, %dma_wait3A_940] : memref<2x10240x128xf32, #tpu.memory_space<hbm>> -> memref<1x128x128xf32, #tpu.memory_space<hbm>>
    %dma_wait3A_942 = tpu.memref_squeeze %dma_wait3A_941 : memref<1x128x128xf32, #tpu.memory_space<hbm>> -> memref<128x128xf32, #tpu.memory_space<hbm>>
    %dma_wait3A_943 = arith.constant 0 : i32
    %dma_wait3A_944 = arith.constant 0 : i32
    %dma_wait3A_945 = tpu.memref_slice %arg9[%dma_wait3A_932, %dma_wait3A_943, %dma_wait3A_944] : memref<2x128x128xf32, #tpu.memory_space<vmem>> -> memref<1x128x128xf32, #tpu.memory_space<vmem>>
    %dma_wait3A_946 = tpu.memref_squeeze %dma_wait3A_945 : memref<1x128x128xf32, #tpu.memory_space<vmem>> -> memref<128x128xf32, #tpu.memory_space<vmem>>
    tpu.wait_dma2 semaphore(%arg18 : memref<!tpu.dma_semaphore, #tpu.memory_space<semaphore_mem>>) src(%dma_wait3A_946 : memref<128x128xf32, #tpu.memory_space<vmem>>) dst(%dma_wait3A_942 : memref<128x128xf32, #tpu.memory_space<hbm>>)
    %mul3A_947 = arith.constant 640 : i32
    %mul3A_948 = arith.muli %arg1, %mul3A_947 : i32
    %add3A_949 = arith.constant 512 : i32
    %add3A_950 = arith.addi %mul3A_948, %add3A_949 : i32
    %dma_start3A_951 = arith.constant 0 : i32
    %dma_start3A_952 = arith.constant 0 : i32
    %dma_start3A_953 = arith.constant 0 : i32
    %dma_start3A_954 = tpu.memref_slice %arg9[%dma_start3A_951, %dma_start3A_952, %dma_start3A_953] : memref<2x128x128xf32, #tpu.memory_space<vmem>> -> memref<1x128x128xf32, #tpu.memory_space<vmem>>
    %dma_start3A_955 = tpu.memref_squeeze %dma_start3A_954 : memref<1x128x128xf32, #tpu.memory_space<vmem>> -> memref<128x128xf32, #tpu.memory_space<vmem>>
    %dma_start3A_956 = arith.constant 0 : i32
    %dma_start3A_957 = tpu.memref_slice %arg14[%add3A_950, %dma_start3A_956] : memref<10240x128xf32, #tpu.memory_space<vmem_shared>> -> memref<128x128xf32, #tpu.memory_space<vmem_shared>>
    %dma_start3A_958 = arith.constant 0 : i32
    %dma_start3A_959 = arith.constant 0 : i32
    %dma_start3A_960 = tpu.memref_slice %arg9[%dma_start3A_951, %dma_start3A_958, %dma_start3A_959] : memref<2x128x128xf32, #tpu.memory_space<vmem>> -> memref<1x128x128xf32, #tpu.memory_space<vmem>>
    %dma_start3A_961 = tpu.memref_squeeze %dma_start3A_960 : memref<1x128x128xf32, #tpu.memory_space<vmem>> -> memref<128x128xf32, #tpu.memory_space<vmem>>
    %dma_start3A_962 = arith.constant 0 : i32
    %dma_start3A_963 = tpu.memref_slice %arg14[%add3A_950, %dma_start3A_962] : memref<10240x128xf32, #tpu.memory_space<vmem_shared>> -> memref<128x128xf32, #tpu.memory_space<vmem_shared>>
    tpu.enqueue_dma source(%dma_start3A_963 : memref<128x128xf32, #tpu.memory_space<vmem_shared>>) target(%dma_start3A_961 : memref<128x128xf32, #tpu.memory_space<vmem>>) target_semaphore(%arg16 : memref<!tpu.dma_semaphore, #tpu.memory_space<semaphore_mem>>)
    %dma_wait3A_964 = arith.constant 0 : i32
    %dma_wait3A_965 = arith.constant 0 : i32
    %dma_wait3A_966 = arith.constant 0 : i32
    %dma_wait3A_967 = tpu.memref_slice %arg9[%dma_wait3A_964, %dma_wait3A_965, %dma_wait3A_966] : memref<2x128x128xf32, #tpu.memory_space<vmem>> -> memref<1x128x128xf32, #tpu.memory_space<vmem>>
    %dma_wait3A_968 = tpu.memref_squeeze %dma_wait3A_967 : memref<1x128x128xf32, #tpu.memory_space<vmem>> -> memref<128x128xf32, #tpu.memory_space<vmem>>
    %dma_wait3A_969 = arith.constant 0 : i32
    %dma_wait3A_970 = tpu.memref_slice %arg14[%add3A_950, %dma_wait3A_969] : memref<10240x128xf32, #tpu.memory_space<vmem_shared>> -> memref<128x128xf32, #tpu.memory_space<vmem_shared>>
    %dma_wait3A_971 = arith.constant 0 : i32
    %dma_wait3A_972 = arith.constant 0 : i32
    %dma_wait3A_973 = tpu.memref_slice %arg9[%dma_wait3A_964, %dma_wait3A_971, %dma_wait3A_972] : memref<2x128x128xf32, #tpu.memory_space<vmem>> -> memref<1x128x128xf32, #tpu.memory_space<vmem>>
    %dma_wait3A_974 = tpu.memref_squeeze %dma_wait3A_973 : memref<1x128x128xf32, #tpu.memory_space<vmem>> -> memref<128x128xf32, #tpu.memory_space<vmem>>
    %dma_wait3A_975 = arith.constant 0 : i32
    %dma_wait3A_976 = tpu.memref_slice %arg14[%add3A_950, %dma_wait3A_975] : memref<10240x128xf32, #tpu.memory_space<vmem_shared>> -> memref<128x128xf32, #tpu.memory_space<vmem_shared>>
    tpu.wait_dma2 semaphore(%arg16 : memref<!tpu.dma_semaphore, #tpu.memory_space<semaphore_mem>>) src(%dma_wait3A_976 : memref<128x128xf32, #tpu.memory_space<vmem_shared>>) dst(%dma_wait3A_974 : memref<128x128xf32, #tpu.memory_space<vmem>>)
    %mul3A_977 = arith.constant 640 : i32
    %mul3A_978 = arith.muli %arg1, %mul3A_977 : i32
    %add3A_979 = arith.constant 512 : i32
    %add3A_980 = arith.addi %mul3A_978, %add3A_979 : i32
    %dma_start3A_981 = arith.constant 0 : i32
    %dma_start3A_982 = arith.constant 0 : i32
    %dma_start3A_983 = arith.constant 0 : i32
    %dma_start3A_984 = tpu.memref_slice %arg9[%dma_start3A_981, %dma_start3A_982, %dma_start3A_983] : memref<2x128x128xf32, #tpu.memory_space<vmem>> -> memref<1x128x128xf32, #tpu.memory_space<vmem>>
    %dma_start3A_985 = tpu.memref_squeeze %dma_start3A_984 : memref<1x128x128xf32, #tpu.memory_space<vmem>> -> memref<128x128xf32, #tpu.memory_space<vmem>>
    %dma_start3A_986 = arith.constant 0 : i32
    %dma_start3A_987 = tpu.memref_slice %arg5[%arg0, %add3A_980, %dma_start3A_986] : memref<2x10240x128xf32, #tpu.memory_space<hbm>> -> memref<1x128x128xf32, #tpu.memory_space<hbm>>
    %dma_start3A_988 = tpu.memref_squeeze %dma_start3A_987 : memref<1x128x128xf32, #tpu.memory_space<hbm>> -> memref<128x128xf32, #tpu.memory_space<hbm>>
    %dma_start3A_989 = arith.constant 0 : i32
    %dma_start3A_990 = tpu.memref_slice %arg5[%arg0, %add3A_980, %dma_start3A_989] : memref<2x10240x128xf32, #tpu.memory_space<hbm>> -> memref<1x128x128xf32, #tpu.memory_space<hbm>>
    %dma_start3A_991 = tpu.memref_squeeze %dma_start3A_990 : memref<1x128x128xf32, #tpu.memory_space<hbm>> -> memref<128x128xf32, #tpu.memory_space<hbm>>
    %dma_start3A_992 = arith.constant 0 : i32
    %dma_start3A_993 = arith.constant 0 : i32
    %dma_start3A_994 = tpu.memref_slice %arg9[%dma_start3A_981, %dma_start3A_992, %dma_start3A_993] : memref<2x128x128xf32, #tpu.memory_space<vmem>> -> memref<1x128x128xf32, #tpu.memory_space<vmem>>
    %dma_start3A_995 = tpu.memref_squeeze %dma_start3A_994 : memref<1x128x128xf32, #tpu.memory_space<vmem>> -> memref<128x128xf32, #tpu.memory_space<vmem>>
    tpu.enqueue_dma source(%dma_start3A_995 : memref<128x128xf32, #tpu.memory_space<vmem>>) target(%dma_start3A_991 : memref<128x128xf32, #tpu.memory_space<hbm>>) target_semaphore(%arg18 : memref<!tpu.dma_semaphore, #tpu.memory_space<semaphore_mem>>)
    %mul3A_996 = arith.constant 640 : i32
    %mul3A_997 = arith.muli %arg1, %mul3A_996 : i32
    %add3A_998 = arith.constant 384 : i32
    %add3A_999 = arith.addi %mul3A_997, %add3A_998 : i32
    %dma_wait3A_1000 = arith.constant 1 : i32
    %dma_wait3A_1001 = arith.constant 0 : i32
    %dma_wait3A_1002 = arith.constant 0 : i32
    %dma_wait3A_1003 = tpu.memref_slice %arg9[%dma_wait3A_1000, %dma_wait3A_1001, %dma_wait3A_1002] : memref<2x128x128xf32, #tpu.memory_space<vmem>> -> memref<1x128x128xf32, #tpu.memory_space<vmem>>
    %dma_wait3A_1004 = tpu.memref_squeeze %dma_wait3A_1003 : memref<1x128x128xf32, #tpu.memory_space<vmem>> -> memref<128x128xf32, #tpu.memory_space<vmem>>
    %dma_wait3A_1005 = arith.constant 0 : i32
    %dma_wait3A_1006 = tpu.memref_slice %arg5[%arg0, %add3A_999, %dma_wait3A_1005] : memref<2x10240x128xf32, #tpu.memory_space<hbm>> -> memref<1x128x128xf32, #tpu.memory_space<hbm>>
    %dma_wait3A_1007 = tpu.memref_squeeze %dma_wait3A_1006 : memref<1x128x128xf32, #tpu.memory_space<hbm>> -> memref<128x128xf32, #tpu.memory_space<hbm>>
    %dma_wait3A_1008 = arith.constant 0 : i32
    %dma_wait3A_1009 = tpu.memref_slice %arg5[%arg0, %add3A_999, %dma_wait3A_1008] : memref<2x10240x128xf32, #tpu.memory_space<hbm>> -> memref<1x128x128xf32, #tpu.memory_space<hbm>>
    %dma_wait3A_1010 = tpu.memref_squeeze %dma_wait3A_1009 : memref<1x128x128xf32, #tpu.memory_space<hbm>> -> memref<128x128xf32, #tpu.memory_space<hbm>>
    %dma_wait3A_1011 = arith.constant 0 : i32
    %dma_wait3A_1012 = arith.constant 0 : i32
    %dma_wait3A_1013 = tpu.memref_slice %arg9[%dma_wait3A_1000, %dma_wait3A_1011, %dma_wait3A_1012] : memref<2x128x128xf32, #tpu.memory_space<vmem>> -> memref<1x128x128xf32, #tpu.memory_space<vmem>>
    %dma_wait3A_1014 = tpu.memref_squeeze %dma_wait3A_1013 : memref<1x128x128xf32, #tpu.memory_space<vmem>> -> memref<128x128xf32, #tpu.memory_space<vmem>>
    tpu.wait_dma2 semaphore(%arg19 : memref<!tpu.dma_semaphore, #tpu.memory_space<semaphore_mem>>) src(%dma_wait3A_1014 : memref<128x128xf32, #tpu.memory_space<vmem>>) dst(%dma_wait3A_1010 : memref<128x128xf32, #tpu.memory_space<hbm>>)
    %mul3A_1015 = arith.constant 640 : i32
    %mul3A_1016 = arith.muli %arg1, %mul3A_1015 : i32
    %add3A_1017 = arith.constant 512 : i32
    %add3A_1018 = arith.addi %mul3A_1016, %add3A_1017 : i32
    %dma_wait3A_1019 = arith.constant 0 : i32
    %dma_wait3A_1020 = arith.constant 0 : i32
    %dma_wait3A_1021 = arith.constant 0 : i32
    %dma_wait3A_1022 = tpu.memref_slice %arg9[%dma_wait3A_1019, %dma_wait3A_1020, %dma_wait3A_1021] : memref<2x128x128xf32, #tpu.memory_space<vmem>> -> memref<1x128x128xf32, #tpu.memory_space<vmem>>
    %dma_wait3A_1023 = tpu.memref_squeeze %dma_wait3A_1022 : memref<1x128x128xf32, #tpu.memory_space<vmem>> -> memref<128x128xf32, #tpu.memory_space<vmem>>
    %dma_wait3A_1024 = arith.constant 0 : i32
    %dma_wait3A_1025 = tpu.memref_slice %arg5[%arg0, %add3A_1018, %dma_wait3A_1024] : memref<2x10240x128xf32, #tpu.memory_space<hbm>> -> memref<1x128x128xf32, #tpu.memory_space<hbm>>
    %dma_wait3A_1026 = tpu.memref_squeeze %dma_wait3A_1025 : memref<1x128x128xf32, #tpu.memory_space<hbm>> -> memref<128x128xf32, #tpu.memory_space<hbm>>
    %dma_wait3A_1027 = arith.constant 0 : i32
    %dma_wait3A_1028 = tpu.memref_slice %arg5[%arg0, %add3A_1018, %dma_wait3A_1027] : memref<2x10240x128xf32, #tpu.memory_space<hbm>> -> memref<1x128x128xf32, #tpu.memory_space<hbm>>
    %dma_wait3A_1029 = tpu.memref_squeeze %dma_wait3A_1028 : memref<1x128x128xf32, #tpu.memory_space<hbm>> -> memref<128x128xf32, #tpu.memory_space<hbm>>
    %dma_wait3A_1030 = arith.constant 0 : i32
    %dma_wait3A_1031 = arith.constant 0 : i32
    %dma_wait3A_1032 = tpu.memref_slice %arg9[%dma_wait3A_1019, %dma_wait3A_1030, %dma_wait3A_1031] : memref<2x128x128xf32, #tpu.memory_space<vmem>> -> memref<1x128x128xf32, #tpu.memory_space<vmem>>
    %dma_wait3A_1033 = tpu.memref_squeeze %dma_wait3A_1032 : memref<1x128x128xf32, #tpu.memory_space<vmem>> -> memref<128x128xf32, #tpu.memory_space<vmem>>
    tpu.wait_dma2 semaphore(%arg18 : memref<!tpu.dma_semaphore, #tpu.memory_space<semaphore_mem>>) src(%dma_wait3A_1033 : memref<128x128xf32, #tpu.memory_space<vmem>>) dst(%dma_wait3A_1029 : memref<128x128xf32, #tpu.memory_space<hbm>>)
    %eq3A = arith.constant 0 : i32
    %eq3A_1034 = arith.cmpi eq, %arg0, %eq3A : i32
    %convert_element_type3A = arith.extui %eq3A_1034 : i1 to i32
    %cond3A = arith.constant 0 : i32
    %cond3A_1035 = arith.cmpi ne, %convert_element_type3A, %cond3A : i32
    scf.if %cond3A_1035 {
      %mul3A_1036 = arith.constant 640 : i32
      %mul3A_1037 = arith.muli %arg1, %mul3A_1036 : i32
      "tpu.region"() ({
        %run_scoped3A_1040 = tpu.sem_alloc : memref<!tpu.dma_semaphore, #tpu.memory_space<semaphore_mem>>
        %dma_start3A_1041 = tpu.memref_slice %arg15[%mul3A_1037] : memref<10240xf32, #tpu.memory_space<vmem_shared>> -> memref<640xf32, #tpu.memory_space<vmem_shared>>
        %dma_start3A_1042 = tpu.memref_slice %arg15[%mul3A_1037] : memref<10240xf32, #tpu.memory_space<vmem_shared>> -> memref<640xf32, #tpu.memory_space<vmem_shared>>
        tpu.enqueue_dma source(%dma_start3A_1042 : memref<640xf32, #tpu.memory_space<vmem_shared>>) target(%arg13 : memref<640xf32, #tpu.memory_space<vmem>>) target_semaphore(%run_scoped3A_1040 : memref<!tpu.dma_semaphore, #tpu.memory_space<semaphore_mem>>)
        %dma_wait3A_1043 = tpu.memref_slice %arg15[%mul3A_1037] : memref<10240xf32, #tpu.memory_space<vmem_shared>> -> memref<640xf32, #tpu.memory_space<vmem_shared>>
        %dma_wait3A_1044 = tpu.memref_slice %arg15[%mul3A_1037] : memref<10240xf32, #tpu.memory_space<vmem_shared>> -> memref<640xf32, #tpu.memory_space<vmem_shared>>
        tpu.wait_dma2 semaphore(%run_scoped3A_1040 : memref<!tpu.dma_semaphore, #tpu.memory_space<semaphore_mem>>) src(%dma_wait3A_1044 : memref<640xf32, #tpu.memory_space<vmem_shared>>) dst(%arg13 : memref<640xf32, #tpu.memory_space<vmem>>)
        tpu.yield
      }) : () -> ()
      %mul3A_1038 = arith.constant 640 : i32
      %mul3A_1039 = arith.muli %arg1, %mul3A_1038 : i32
      "tpu.region"() ({
        %run_scoped3A_1040 = tpu.sem_alloc : memref<!tpu.dma_semaphore, #tpu.memory_space<semaphore_mem>>
        %dma_start3A_1041 = tpu.memref_slice %arg6[%mul3A_1039] : memref<10240xf32, #tpu.memory_space<hbm>> -> memref<640xf32, #tpu.memory_space<hbm>>
        %dma_start3A_1042 = tpu.memref_slice %arg6[%mul3A_1039] : memref<10240xf32, #tpu.memory_space<hbm>> -> memref<640xf32, #tpu.memory_space<hbm>>
        tpu.enqueue_dma source(%arg13 : memref<640xf32, #tpu.memory_space<vmem>>) target(%dma_start3A_1042 : memref<640xf32, #tpu.memory_space<hbm>>) target_semaphore(%run_scoped3A_1040 : memref<!tpu.dma_semaphore, #tpu.memory_space<semaphore_mem>>)
        %dma_wait3A_1043 = tpu.memref_slice %arg6[%mul3A_1039] : memref<10240xf32, #tpu.memory_space<hbm>> -> memref<640xf32, #tpu.memory_space<hbm>>
        %dma_wait3A_1044 = tpu.memref_slice %arg6[%mul3A_1039] : memref<10240xf32, #tpu.memory_space<hbm>> -> memref<640xf32, #tpu.memory_space<hbm>>
        tpu.wait_dma2 semaphore(%run_scoped3A_1040 : memref<!tpu.dma_semaphore, #tpu.memory_space<semaphore_mem>>) src(%arg13 : memref<640xf32, #tpu.memory_space<vmem>>) dst(%dma_wait3A_1044 : memref<640xf32, #tpu.memory_space<hbm>>)
        tpu.yield
      }) : () -> ()
    } else {
    }
    return
  }
}

module attributes {stable_mosaic.version = 14 : i64} {
  func.func @_pre_body(%arg0: i32, %arg1: memref<2560x256xf32, #tpu.memory_space<vmem>>, %arg2: memref<2x2560x128xf32, #tpu.memory_space<vmem>>) attributes {dimension_semantics = [#tpu.dimension_semantics<arbitrary>], iteration_bounds = array<i64: 4>, scalar_prefetch = 0 : i64, scratch_operands = 0 : i64, tpu.core_type = #tpu.core_type<tc>, window_params = [{transform_indices = @transform_0, window_bounds = array<i64: 2560, 256>}, {transform_indices = @transform_1, window_bounds = array<i64: 2, 2560, 128>}]} {
    %get3A = arith.constant 0 : index
    %get3A_0 = arith.constant 0 : index
    %get3A_1 = vector.load %arg1[%get3A, %get3A_0] : memref<2560x256xf32, #tpu.memory_space<vmem>>, vector<2560x256xf32>
    %add3A = arith.constant 1.000000e+00 : f32
    %add3A_2 = vector.broadcast %add3A : f32 to vector<2560x256xf32>
    %add3A_3 = arith.addf %get3A_1, %add3A_2 : vector<2560x256xf32>
    %log3A = math.log %add3A_3 : vector<2560x256xf32>
    %slice3A = vector.extract_strided_slice %log3A {offsets = [0, 0], sizes = [2560, 128], strides = [1, 1]} : vector<2560x256xf32> to vector<2560x128xf32>
    %swap3A = arith.constant 0 : index
    %swap3A_4 = arith.constant 0 : index
    %swap3A_5 = arith.constant 0 : index
    %swap3A_6 = vector.load %arg2[%swap3A, %swap3A_4, %swap3A_5] : memref<2x2560x128xf32, #tpu.memory_space<vmem>>, vector<1x2560x128xf32>
    %swap3A_7 = vector.shape_cast %swap3A_6 : vector<1x2560x128xf32> to vector<2560x128xf32>
    %swap3A_8 = vector.shape_cast %slice3A : vector<2560x128xf32> to vector<1x2560x128xf32>
    tpu.vector_store %arg2[%swap3A, %swap3A_4, %swap3A_5], %swap3A_8 {strides = array<i32>} : memref<2x2560x128xf32, #tpu.memory_space<vmem>>, vector<1x2560x128xf32>,
    %slice3A_9 = vector.extract_strided_slice %log3A {offsets = [0, 128], sizes = [2560, 128], strides = [1, 1]} : vector<2560x256xf32> to vector<2560x128xf32>
    %swap3A_10 = arith.constant 1 : index
    %swap3A_11 = arith.constant 0 : index
    %swap3A_12 = arith.constant 0 : index
    %swap3A_13 = vector.load %arg2[%swap3A_10, %swap3A_11, %swap3A_12] : memref<2x2560x128xf32, #tpu.memory_space<vmem>>, vector<1x2560x128xf32>
    %swap3A_14 = vector.shape_cast %swap3A_13 : vector<1x2560x128xf32> to vector<2560x128xf32>
    %swap3A_15 = vector.shape_cast %slice3A_9 : vector<2560x128xf32> to vector<1x2560x128xf32>
    tpu.vector_store %arg2[%swap3A_10, %swap3A_11, %swap3A_12], %swap3A_15 {strides = array<i32>} : memref<2x2560x128xf32, #tpu.memory_space<vmem>>, vector<1x2560x128xf32>,
    return
  }
  func.func @transform_0(%arg0: i32) -> (i32, i32) {
    %c0_i32 = arith.constant 0 : i32
    %c0_i32_0 = arith.constant 0 : i32
    return %arg0, %c0_i32 : i32, i32
  }
  func.func @transform_1(%arg0: i32) -> (i32, i32, i32) {
    %c0_i32 = arith.constant 0 : i32
    %c0_i32_0 = arith.constant 0 : i32
    %c0_i32_1 = arith.constant 0 : i32
    return %c0_i32, %arg0, %c0_i32_0 : i32, i32, i32
  }
}

module attributes {stable_mosaic.version = 14 : i64} {
  func.func @_self_body(%arg0: i32, %arg1: memref<2x2560x128xf32, #tpu.memory_space<vmem>>, %arg2: memref<2x128x256xf32, #tpu.memory_space<vmem>>, %arg3: memref<1x256xf32, #tpu.memory_space<vmem>>, %arg4: memref<2x2560x128xf32, #tpu.memory_space<vmem>>) attributes {dimension_semantics = [#tpu.dimension_semantics<arbitrary>], iteration_bounds = array<i64: 4>, scalar_prefetch = 0 : i64, scratch_operands = 0 : i64, tpu.core_type = #tpu.core_type<tc>, window_params = [{transform_indices = @transform_0, window_bounds = array<i64: 2, 2560, 128>}, {pipeline_mode = #tpu.pipeline_mode<synchronous>, transform_indices = @transform_1, window_bounds = array<i64: 2, 128, 256>}, {pipeline_mode = #tpu.pipeline_mode<synchronous>, transform_indices = @transform_2, window_bounds = array<i64: 1, 256>}, {transform_indices = @transform_3, window_bounds = array<i64: 2, 2560, 128>}]} {
    %get3A = arith.constant 0 : index
    %get3A_0 = arith.constant 0 : index
    %get3A_1 = arith.constant 0 : index
    %get3A_2 = vector.load %arg1[%get3A, %get3A_0, %get3A_1] : memref<2x2560x128xf32, #tpu.memory_space<vmem>>, vector<1x2560x128xf32>
    %get3A_3 = vector.shape_cast %get3A_2 : vector<1x2560x128xf32> to vector<2560x128xf32>
    %get3A_4 = arith.constant 0 : index
    %get3A_5 = arith.constant 0 : index
    %get3A_6 = arith.constant 0 : index
    %get3A_7 = vector.load %arg2[%get3A_4, %get3A_5, %get3A_6] : memref<2x128x256xf32, #tpu.memory_space<vmem>>, vector<1x128x256xf32>
    %get3A_8 = vector.shape_cast %get3A_7 : vector<1x128x256xf32> to vector<128x256xf32>
    %dot_general3A = arith.constant dense<0.000000e+00> : vector<2560x256xf32>
    %dot_general3A_9 = tpu.matmul %get3A_3, %get3A_8, %dot_general3A {dimension_numbers = #tpu.dot_dimension_numbers<[1], [0], [0], [1], [0, 0, 1, 1], [], []>, transpose_lhs_hint = false} : vector<2560x128xf32>, vector<128x256xf32>, vector<2560x256xf32> -> vector<2560x256xf32>
    %get3A_10 = arith.constant 1 : index
    %get3A_11 = arith.constant 0 : index
    %get3A_12 = arith.constant 0 : index
    %get3A_13 = vector.load %arg1[%get3A_10, %get3A_11, %get3A_12] : memref<2x2560x128xf32, #tpu.memory_space<vmem>>, vector<1x2560x128xf32>
    %get3A_14 = vector.shape_cast %get3A_13 : vector<1x2560x128xf32> to vector<2560x128xf32>
    %get3A_15 = arith.constant 1 : index
    %get3A_16 = arith.constant 0 : index
    %get3A_17 = arith.constant 0 : index
    %get3A_18 = vector.load %arg2[%get3A_15, %get3A_16, %get3A_17] : memref<2x128x256xf32, #tpu.memory_space<vmem>>, vector<1x128x256xf32>
    %get3A_19 = vector.shape_cast %get3A_18 : vector<1x128x256xf32> to vector<128x256xf32>
    %dot_general3A_20 = arith.constant dense<0.000000e+00> : vector<2560x256xf32>
    %dot_general3A_21 = tpu.matmul %get3A_14, %get3A_19, %dot_general3A_20 {dimension_numbers = #tpu.dot_dimension_numbers<[1], [0], [0], [1], [0, 0, 1, 1], [], []>, transpose_lhs_hint = false} : vector<2560x128xf32>, vector<128x256xf32>, vector<2560x256xf32> -> vector<2560x256xf32>
    %add3A = arith.addf %dot_general3A_9, %dot_general3A_21 : vector<2560x256xf32>
    %get3A_22 = arith.constant 0 : index
    %get3A_23 = arith.constant 0 : index
    %get3A_24 = vector.load %arg3[%get3A_22, %get3A_23] : memref<1x256xf32, #tpu.memory_space<vmem>>, vector<1x256xf32>
    %add3A_25 = vector.broadcast %get3A_24 : vector<1x256xf32> to vector<2560x256xf32>
    %add3A_26 = arith.addf %add3A, %add3A_25 : vector<2560x256xf32>
    %slice3A = vector.extract_strided_slice %add3A_26 {offsets = [0, 0], sizes = [2560, 128], strides = [1, 1]} : vector<2560x256xf32> to vector<2560x128xf32>
    %swap3A = arith.constant 0 : index
    %swap3A_27 = arith.constant 0 : index
    %swap3A_28 = arith.constant 0 : index
    %swap3A_29 = vector.load %arg4[%swap3A, %swap3A_27, %swap3A_28] : memref<2x2560x128xf32, #tpu.memory_space<vmem>>, vector<1x2560x128xf32>
    %swap3A_30 = vector.shape_cast %swap3A_29 : vector<1x2560x128xf32> to vector<2560x128xf32>
    %swap3A_31 = vector.shape_cast %slice3A : vector<2560x128xf32> to vector<1x2560x128xf32>
    tpu.vector_store %arg4[%swap3A, %swap3A_27, %swap3A_28], %swap3A_31 {strides = array<i32>} : memref<2x2560x128xf32, #tpu.memory_space<vmem>>, vector<1x2560x128xf32>,
    %slice3A_32 = vector.extract_strided_slice %add3A_26 {offsets = [0, 128], sizes = [2560, 128], strides = [1, 1]} : vector<2560x256xf32> to vector<2560x128xf32>
    %swap3A_33 = arith.constant 1 : index
    %swap3A_34 = arith.constant 0 : index
    %swap3A_35 = arith.constant 0 : index
    %swap3A_36 = vector.load %arg4[%swap3A_33, %swap3A_34, %swap3A_35] : memref<2x2560x128xf32, #tpu.memory_space<vmem>>, vector<1x2560x128xf32>
    %swap3A_37 = vector.shape_cast %swap3A_36 : vector<1x2560x128xf32> to vector<2560x128xf32>
    %swap3A_38 = vector.shape_cast %slice3A_32 : vector<2560x128xf32> to vector<1x2560x128xf32>
    tpu.vector_store %arg4[%swap3A_33, %swap3A_34, %swap3A_35], %swap3A_38 {strides = array<i32>} : memref<2x2560x128xf32, #tpu.memory_space<vmem>>, vector<1x2560x128xf32>,
    return
  }
  func.func @transform_0(%arg0: i32) -> (i32, i32, i32) {
    %c0_i32 = arith.constant 0 : i32
    %c0_i32_0 = arith.constant 0 : i32
    %c0_i32_1 = arith.constant 0 : i32
    return %c0_i32, %arg0, %c0_i32_0 : i32, i32, i32
  }
  func.func @transform_1(%arg0: i32) -> (i32, i32, i32) {
    %c0_i32 = arith.constant 0 : i32
    %c0_i32_0 = arith.constant 0 : i32
    %c0_i32_1 = arith.constant 0 : i32
    %c0_i32_2 = arith.constant 0 : i32
    return %c0_i32, %c0_i32_0, %c0_i32_1 : i32, i32, i32
  }
  func.func @transform_2(%arg0: i32) -> (i32, i32) {
    %c0_i32 = arith.constant 0 : i32
    %c0_i32_0 = arith.constant 0 : i32
    %c0_i32_1 = arith.constant 0 : i32
    return %c0_i32, %c0_i32_0 : i32, i32
  }
  func.func @transform_3(%arg0: i32) -> (i32, i32, i32) {
    %c0_i32 = arith.constant 0 : i32
    %c0_i32_0 = arith.constant 0 : i32
    %c0_i32_1 = arith.constant 0 : i32
    return %c0_i32, %arg0, %c0_i32_0 : i32, i32, i32
  }
}

module attributes {stable_mosaic.version = 14 : i64} {
  func.func @_combine_body(%arg0: i32, %arg1: memref<2x2560x128xf32, #tpu.memory_space<vmem>>, %arg2: memref<2x2560x128xf32, #tpu.memory_space<vmem>>, %arg3: memref<2560x1xf32, #tpu.memory_space<vmem>>, %arg4: memref<2x128x256xf32, #tpu.memory_space<vmem>>, %arg5: memref<2x2560x128xf32, #tpu.memory_space<vmem>>) attributes {dimension_semantics = [#tpu.dimension_semantics<arbitrary>], iteration_bounds = array<i64: 4>, scalar_prefetch = 0 : i64, scratch_operands = 0 : i64, tpu.core_type = #tpu.core_type<tc>, window_params = [{transform_indices = @transform_0, window_bounds = array<i64: 2, 2560, 128>}, {transform_indices = @transform_1, window_bounds = array<i64: 2, 2560, 128>}, {transform_indices = @transform_2, window_bounds = array<i64: 2560, 1>}, {pipeline_mode = #tpu.pipeline_mode<synchronous>, transform_indices = @transform_3, window_bounds = array<i64: 2, 128, 256>}, {transform_indices = @transform_4, window_bounds = array<i64: 2, 2560, 128>}]} {
    %get3A = arith.constant 0 : index
    %get3A_0 = arith.constant 0 : index
    %get3A_1 = vector.load %arg3[%get3A, %get3A_0] : memref<2560x1xf32, #tpu.memory_space<vmem>>, vector<2560x1xf32>
    %max3A = arith.constant 1.000000e+00 : f32
    %max3A_2 = vector.broadcast %max3A : f32 to vector<2560x1xf32>
    %max3A_3 = arith.maximumf %get3A_1, %max3A_2 : vector<2560x1xf32>
    %div3A = arith.constant 1.000000e+00 : f32
    %div3A_4 = vector.broadcast %div3A : f32 to vector<2560x1xf32>
    %div3A_5 = arith.divf %div3A_4, %max3A_3 : vector<2560x1xf32>
    %get3A_6 = arith.constant 0 : index
    %get3A_7 = arith.constant 0 : index
    %get3A_8 = arith.constant 0 : index
    %get3A_9 = vector.load %arg1[%get3A_6, %get3A_7, %get3A_8] : memref<2x2560x128xf32, #tpu.memory_space<vmem>>, vector<1x2560x128xf32>
    %get3A_10 = vector.shape_cast %get3A_9 : vector<1x2560x128xf32> to vector<2560x128xf32>
    %get3A_11 = arith.constant 1 : index
    %get3A_12 = arith.constant 0 : index
    %get3A_13 = arith.constant 0 : index
    %get3A_14 = vector.load %arg1[%get3A_11, %get3A_12, %get3A_13] : memref<2x2560x128xf32, #tpu.memory_space<vmem>>, vector<1x2560x128xf32>
    %get3A_15 = vector.shape_cast %get3A_14 : vector<1x2560x128xf32> to vector<2560x128xf32>
    %concatenate3A = tpu.concatenate %get3A_10, %get3A_15 in 1 : vector<2560x128xf32>, vector<2560x128xf32> -> vector<2560x256xf32>
    %get3A_16 = arith.constant 0 : index
    %get3A_17 = arith.constant 0 : index
    %get3A_18 = arith.constant 0 : index
    %get3A_19 = vector.load %arg2[%get3A_16, %get3A_17, %get3A_18] : memref<2x2560x128xf32, #tpu.memory_space<vmem>>, vector<1x2560x128xf32>
    %get3A_20 = vector.shape_cast %get3A_19 : vector<1x2560x128xf32> to vector<2560x128xf32>
    %mul3A = vector.broadcast %div3A_5 : vector<2560x1xf32> to vector<2560x128xf32>
    %mul3A_21 = arith.mulf %get3A_20, %mul3A : vector<2560x128xf32>
    %get3A_22 = arith.constant 0 : index
    %get3A_23 = arith.constant 0 : index
    %get3A_24 = arith.constant 0 : index
    %get3A_25 = vector.load %arg4[%get3A_22, %get3A_23, %get3A_24] : memref<2x128x256xf32, #tpu.memory_space<vmem>>, vector<1x128x256xf32>
    %get3A_26 = vector.shape_cast %get3A_25 : vector<1x128x256xf32> to vector<128x256xf32>
    %dot_general3A = arith.constant dense<0.000000e+00> : vector<2560x256xf32>
    %dot_general3A_27 = tpu.matmul %mul3A_21, %get3A_26, %dot_general3A {dimension_numbers = #tpu.dot_dimension_numbers<[1], [0], [0], [1], [0, 0, 1, 1], [], []>, transpose_lhs_hint = false} : vector<2560x128xf32>, vector<128x256xf32>, vector<2560x256xf32> -> vector<2560x256xf32>
    %add3A = arith.addf %concatenate3A, %dot_general3A_27 : vector<2560x256xf32>
    %get3A_28 = arith.constant 1 : index
    %get3A_29 = arith.constant 0 : index
    %get3A_30 = arith.constant 0 : index
    %get3A_31 = vector.load %arg2[%get3A_28, %get3A_29, %get3A_30] : memref<2x2560x128xf32, #tpu.memory_space<vmem>>, vector<1x2560x128xf32>
    %get3A_32 = vector.shape_cast %get3A_31 : vector<1x2560x128xf32> to vector<2560x128xf32>
    %mul3A_33 = vector.broadcast %div3A_5 : vector<2560x1xf32> to vector<2560x128xf32>
    %mul3A_34 = arith.mulf %get3A_32, %mul3A_33 : vector<2560x128xf32>
    %get3A_35 = arith.constant 1 : index
    %get3A_36 = arith.constant 0 : index
    %get3A_37 = arith.constant 0 : index
    %get3A_38 = vector.load %arg4[%get3A_35, %get3A_36, %get3A_37] : memref<2x128x256xf32, #tpu.memory_space<vmem>>, vector<1x128x256xf32>
    %get3A_39 = vector.shape_cast %get3A_38 : vector<1x128x256xf32> to vector<128x256xf32>
    %dot_general3A_40 = arith.constant dense<0.000000e+00> : vector<2560x256xf32>
    %dot_general3A_41 = tpu.matmul %mul3A_34, %get3A_39, %dot_general3A_40 {dimension_numbers = #tpu.dot_dimension_numbers<[1], [0], [0], [1], [0, 0, 1, 1], [], []>, transpose_lhs_hint = false} : vector<2560x128xf32>, vector<128x256xf32>, vector<2560x256xf32> -> vector<2560x256xf32>
    %add3A_42 = arith.addf %add3A, %dot_general3A_41 : vector<2560x256xf32>
    %max3A_43 = arith.constant 0.000000e+00 : f32
    %max3A_44 = vector.broadcast %max3A_43 : f32 to vector<2560x256xf32>
    %max3A_45 = arith.maximumf %add3A_42, %max3A_44 : vector<2560x256xf32>
    %mul3A_46 = arith.mulf %max3A_45, %max3A_45 : vector<2560x256xf32>
    %reduce_sum3A = arith.constant dense<0.000000e+00> : vector<2560xf32>
    %reduce_sum3A_47 = vector.multi_reduction <add>, %mul3A_46, %reduce_sum3A [1] : vector<2560x256xf32> to vector<2560xf32>
    %broadcast_in_dim3A = vector.shape_cast %reduce_sum3A_47 : vector<2560xf32> to vector<2560x1xf32>
    %sqrt3A = math.sqrt %broadcast_in_dim3A : vector<2560x1xf32>
    %max3A_48 = arith.constant 9.99999996E-13 : f32
    %max3A_49 = vector.broadcast %max3A_48 : f32 to vector<2560x1xf32>
    %max3A_50 = arith.maximumf %sqrt3A, %max3A_49 : vector<2560x1xf32>
    %div3A_51 = vector.broadcast %max3A_50 : vector<2560x1xf32> to vector<2560x256xf32>
    %div3A_52 = arith.divf %max3A_45, %div3A_51 : vector<2560x256xf32>
    %slice3A = vector.extract_strided_slice %div3A_52 {offsets = [0, 0], sizes = [2560, 128], strides = [1, 1]} : vector<2560x256xf32> to vector<2560x128xf32>
    %swap3A = arith.constant 0 : index
    %swap3A_53 = arith.constant 0 : index
    %swap3A_54 = arith.constant 0 : index
    %swap3A_55 = vector.load %arg5[%swap3A, %swap3A_53, %swap3A_54] : memref<2x2560x128xf32, #tpu.memory_space<vmem>>, vector<1x2560x128xf32>
    %swap3A_56 = vector.shape_cast %swap3A_55 : vector<1x2560x128xf32> to vector<2560x128xf32>
    %swap3A_57 = vector.shape_cast %slice3A : vector<2560x128xf32> to vector<1x2560x128xf32>
    tpu.vector_store %arg5[%swap3A, %swap3A_53, %swap3A_54], %swap3A_57 {strides = array<i32>} : memref<2x2560x128xf32, #tpu.memory_space<vmem>>, vector<1x2560x128xf32>,
    %slice3A_58 = vector.extract_strided_slice %div3A_52 {offsets = [0, 128], sizes = [2560, 128], strides = [1, 1]} : vector<2560x256xf32> to vector<2560x128xf32>
    %swap3A_59 = arith.constant 1 : index
    %swap3A_60 = arith.constant 0 : index
    %swap3A_61 = arith.constant 0 : index
    %swap3A_62 = vector.load %arg5[%swap3A_59, %swap3A_60, %swap3A_61] : memref<2x2560x128xf32, #tpu.memory_space<vmem>>, vector<1x2560x128xf32>
    %swap3A_63 = vector.shape_cast %swap3A_62 : vector<1x2560x128xf32> to vector<2560x128xf32>
    %swap3A_64 = vector.shape_cast %slice3A_58 : vector<2560x128xf32> to vector<1x2560x128xf32>
    tpu.vector_store %arg5[%swap3A_59, %swap3A_60, %swap3A_61], %swap3A_64 {strides = array<i32>} : memref<2x2560x128xf32, #tpu.memory_space<vmem>>, vector<1x2560x128xf32>,
    return
  }
  func.func @transform_0(%arg0: i32) -> (i32, i32, i32) {
    %c0_i32 = arith.constant 0 : i32
    %c0_i32_0 = arith.constant 0 : i32
    %c0_i32_1 = arith.constant 0 : i32
    return %c0_i32, %arg0, %c0_i32_0 : i32, i32, i32
  }
  func.func @transform_1(%arg0: i32) -> (i32, i32, i32) {
    %c0_i32 = arith.constant 0 : i32
    %c0_i32_0 = arith.constant 0 : i32
    %c0_i32_1 = arith.constant 0 : i32
    return %c0_i32, %arg0, %c0_i32_0 : i32, i32, i32
  }
  func.func @transform_2(%arg0: i32) -> (i32, i32) {
    %c0_i32 = arith.constant 0 : i32
    %c0_i32_0 = arith.constant 0 : i32
    return %arg0, %c0_i32 : i32, i32
  }
  func.func @transform_3(%arg0: i32) -> (i32, i32, i32) {
    %c0_i32 = arith.constant 0 : i32
    %c0_i32_0 = arith.constant 0 : i32
    %c0_i32_1 = arith.constant 0 : i32
    %c0_i32_2 = arith.constant 0 : i32
    return %c0_i32, %c0_i32_0, %c0_i32_1 : i32, i32, i32
  }
  func.func @transform_4(%arg0: i32) -> (i32, i32, i32) {
    %c0_i32 = arith.constant 0 : i32
    %c0_i32_0 = arith.constant 0 : i32
    %c0_i32_1 = arith.constant 0 : i32
    return %c0_i32, %arg0, %c0_i32_0 : i32, i32, i32
  }
}

module attributes {stable_mosaic.version = 14 : i64} {
  func.func @_head_body(%arg0: i32, %arg1: memref<2x2560x128xf32, #tpu.memory_space<vmem>>, %arg2: memref<256x128xf32, #tpu.memory_space<vmem>>, %arg3: memref<1x128xf32, #tpu.memory_space<vmem>>, %arg4: memref<64x256xf32, #tpu.memory_space<vmem>>, %arg5: memref<1x256xf32, #tpu.memory_space<vmem>>, %arg6: memref<256x256xf32, #tpu.memory_space<vmem>>, %arg7: memref<1x256xf32, #tpu.memory_space<vmem>>, %arg8: memref<256x256xf32, #tpu.memory_space<vmem>>, %arg9: memref<1x256xf32, #tpu.memory_space<vmem>>, %arg10: memref<256x33xf32, #tpu.memory_space<vmem>>, %arg11: memref<1x33xf32, #tpu.memory_space<vmem>>, %arg12: memref<2560x64xf32, #tpu.memory_space<vmem>>, %arg13: memref<2560x64xf32, #tpu.memory_space<vmem>>, %arg14: memref<2560x32xf32, #tpu.memory_space<vmem>>, %arg15: memref<2560x256xf32, #tpu.memory_space<vmem>>, %arg16: memref<2560x1xf32, #tpu.memory_space<vmem>>) attributes {dimension_semantics = [#tpu.dimension_semantics<arbitrary>], iteration_bounds = array<i64: 4>, scalar_prefetch = 0 : i64, scratch_operands = 0 : i64, tpu.core_type = #tpu.core_type<tc>, window_params = [{transform_indices = @transform_0, window_bounds = array<i64: 2, 2560, 128>}, {pipeline_mode = #tpu.pipeline_mode<synchronous>, transform_indices = @transform_1, window_bounds = array<i64: 256, 128>}, {pipeline_mode = #tpu.pipeline_mode<synchronous>, transform_indices = @transform_2, window_bounds = array<i64: 1, 128>}, {pipeline_mode = #tpu.pipeline_mode<synchronous>, transform_indices = @transform_3, window_bounds = array<i64: 64, 256>}, {pipeline_mode = #tpu.pipeline_mode<synchronous>, transform_indices = @transform_4, window_bounds = array<i64: 1, 256>}, {pipeline_mode = #tpu.pipeline_mode<synchronous>, transform_indices = @transform_5, window_bounds = array<i64: 256, 256>}, {pipeline_mode = #tpu.pipeline_mode<synchronous>, transform_indices = @transform_6, window_bounds = array<i64: 1, 256>}, {pipeline_mode = #tpu.pipeline_mode<synchronous>, transform_indices = @transform_7, window_bounds = array<i64: 256, 256>}, {pipeline_mode = #tpu.pipeline_mode<synchronous>, transform_indices = @transform_8, window_bounds = array<i64: 1, 256>}, {pipeline_mode = #tpu.pipeline_mode<synchronous>, transform_indices = @transform_9, window_bounds = array<i64: 256, 33>}, {pipeline_mode = #tpu.pipeline_mode<synchronous>, transform_indices = @transform_10, window_bounds = array<i64: 1, 33>}, {transform_indices = @transform_11, window_bounds = array<i64: 2560, 64>}, {transform_indices = @transform_12, window_bounds = array<i64: 2560, 64>}, {transform_indices = @transform_13, window_bounds = array<i64: 2560, 32>}, {transform_indices = @transform_14, window_bounds = array<i64: 2560, 256>}, {transform_indices = @transform_15, window_bounds = array<i64: 2560, 1>}]} {
    %get3A = arith.constant 0 : index
    %get3A_0 = arith.constant 0 : index
    %get3A_1 = arith.constant 0 : index
    %get3A_2 = vector.load %arg1[%get3A, %get3A_0, %get3A_1] : memref<2x2560x128xf32, #tpu.memory_space<vmem>>, vector<1x2560x128xf32>
    %get3A_3 = vector.shape_cast %get3A_2 : vector<1x2560x128xf32> to vector<2560x128xf32>
    %get3A_4 = arith.constant 1 : index
    %get3A_5 = arith.constant 0 : index
    %get3A_6 = arith.constant 0 : index
    %get3A_7 = vector.load %arg1[%get3A_4, %get3A_5, %get3A_6] : memref<2x2560x128xf32, #tpu.memory_space<vmem>>, vector<1x2560x128xf32>
    %get3A_8 = vector.shape_cast %get3A_7 : vector<1x2560x128xf32> to vector<2560x128xf32>
    %concatenate3A = tpu.concatenate %get3A_3, %get3A_8 in 1 : vector<2560x128xf32>, vector<2560x128xf32> -> vector<2560x256xf32>
    %get3A_9 = arith.constant 0 : index
    %get3A_10 = arith.constant 0 : index
    %get3A_11 = vector.load %arg2[%get3A_9, %get3A_10] : memref<256x128xf32, #tpu.memory_space<vmem>>, vector<256x128xf32>
    %dot_general3A = arith.constant dense<0.000000e+00> : vector<2560x128xf32>
    %dot_general3A_12 = tpu.matmul %concatenate3A, %get3A_11, %dot_general3A {dimension_numbers = #tpu.dot_dimension_numbers<[1], [0], [0], [1], [0, 0, 1, 1], [], []>, transpose_lhs_hint = false} : vector<2560x256xf32>, vector<256x128xf32>, vector<2560x128xf32> -> vector<2560x128xf32>
    %get3A_13 = arith.constant 0 : index
    %get3A_14 = arith.constant 0 : index
    %get3A_15 = vector.load %arg3[%get3A_13, %get3A_14] : memref<1x128xf32, #tpu.memory_space<vmem>>, vector<1x128xf32>
    %add3A = vector.broadcast %get3A_15 : vector<1x128xf32> to vector<2560x128xf32>
    %add3A_16 = arith.addf %dot_general3A_12, %add3A : vector<2560x128xf32>
    %slice3A = vector.extract_strided_slice %add3A_16 {offsets = [0, 0], sizes = [2560, 64], strides = [1, 1]} : vector<2560x128xf32> to vector<2560x64xf32>
    %swap3A = arith.constant 0 : index
    %swap3A_17 = arith.constant 0 : index
    %swap3A_18 = vector.load %arg12[%swap3A, %swap3A_17] : memref<2560x64xf32, #tpu.memory_space<vmem>>, vector<2560x64xf32>
    tpu.vector_store %arg12[%swap3A, %swap3A_17], %slice3A {strides = array<i32>} : memref<2560x64xf32, #tpu.memory_space<vmem>>, vector<2560x64xf32>,
    %slice3A_19 = vector.extract_strided_slice %add3A_16 {offsets = [0, 64], sizes = [2560, 64], strides = [1, 1]} : vector<2560x128xf32> to vector<2560x64xf32>
    %exp3A = math.exp %slice3A_19 : vector<2560x64xf32>
    %add3A_20 = arith.constant 9.99999997E-7 : f32
    %add3A_21 = vector.broadcast %add3A_20 : f32 to vector<2560x64xf32>
    %add3A_22 = arith.addf %exp3A, %add3A_21 : vector<2560x64xf32>
    %swap3A_23 = arith.constant 0 : index
    %swap3A_24 = arith.constant 0 : index
    %swap3A_25 = vector.load %arg13[%swap3A_23, %swap3A_24] : memref<2560x64xf32, #tpu.memory_space<vmem>>, vector<2560x64xf32>
    tpu.vector_store %arg13[%swap3A_23, %swap3A_24], %add3A_22 {strides = array<i32>} : memref<2560x64xf32, #tpu.memory_space<vmem>>, vector<2560x64xf32>,
    %get3A_26 = arith.constant 0 : index
    %get3A_27 = arith.constant 0 : index
    %get3A_28 = vector.load %arg4[%get3A_26, %get3A_27] : memref<64x256xf32, #tpu.memory_space<vmem>>, vector<64x256xf32>
    %dot_general3A_29 = arith.constant dense<0.000000e+00> : vector<2560x256xf32>
    %dot_general3A_30 = tpu.matmul %slice3A, %get3A_28, %dot_general3A_29 {dimension_numbers = #tpu.dot_dimension_numbers<[1], [0], [0], [1], [0, 0, 1, 1], [], []>, transpose_lhs_hint = false} : vector<2560x64xf32>, vector<64x256xf32>, vector<2560x256xf32> -> vector<2560x256xf32>
    %get3A_31 = arith.constant 0 : index
    %get3A_32 = arith.constant 0 : index
    %get3A_33 = vector.load %arg5[%get3A_31, %get3A_32] : memref<1x256xf32, #tpu.memory_space<vmem>>, vector<1x256xf32>
    %add3A_34 = vector.broadcast %get3A_33 : vector<1x256xf32> to vector<2560x256xf32>
    %add3A_35 = arith.addf %dot_general3A_30, %add3A_34 : vector<2560x256xf32>
    %max3A = arith.constant 0.000000e+00 : f32
    %max3A_36 = vector.broadcast %max3A : f32 to vector<2560x256xf32>
    %max3A_37 = arith.maximumf %add3A_35, %max3A_36 : vector<2560x256xf32>
    %get3A_38 = arith.constant 0 : index
    %get3A_39 = arith.constant 0 : index
    %get3A_40 = vector.load %arg6[%get3A_38, %get3A_39] : memref<256x256xf32, #tpu.memory_space<vmem>>, vector<256x256xf32>
    %dot_general3A_41 = arith.constant dense<0.000000e+00> : vector<2560x256xf32>
    %dot_general3A_42 = tpu.matmul %max3A_37, %get3A_40, %dot_general3A_41 {dimension_numbers = #tpu.dot_dimension_numbers<[1], [0], [0], [1], [0, 0, 1, 1], [], []>, transpose_lhs_hint = false} : vector<2560x256xf32>, vector<256x256xf32>, vector<2560x256xf32> -> vector<2560x256xf32>
    %get3A_43 = arith.constant 0 : index
    %get3A_44 = arith.constant 0 : index
    %get3A_45 = vector.load %arg7[%get3A_43, %get3A_44] : memref<1x256xf32, #tpu.memory_space<vmem>>, vector<1x256xf32>
    %add3A_46 = vector.broadcast %get3A_45 : vector<1x256xf32> to vector<2560x256xf32>
    %add3A_47 = arith.addf %dot_general3A_42, %add3A_46 : vector<2560x256xf32>
    %max3A_48 = arith.constant 0.000000e+00 : f32
    %max3A_49 = vector.broadcast %max3A_48 : f32 to vector<2560x256xf32>
    %max3A_50 = arith.maximumf %add3A_47, %max3A_49 : vector<2560x256xf32>
    %get3A_51 = arith.constant 0 : index
    %get3A_52 = arith.constant 0 : index
    %get3A_53 = vector.load %arg8[%get3A_51, %get3A_52] : memref<256x256xf32, #tpu.memory_space<vmem>>, vector<256x256xf32>
    %dot_general3A_54 = arith.constant dense<0.000000e+00> : vector<2560x256xf32>
    %dot_general3A_55 = tpu.matmul %max3A_50, %get3A_53, %dot_general3A_54 {dimension_numbers = #tpu.dot_dimension_numbers<[1], [0], [0], [1], [0, 0, 1, 1], [], []>, transpose_lhs_hint = false} : vector<2560x256xf32>, vector<256x256xf32>, vector<2560x256xf32> -> vector<2560x256xf32>
    %get3A_56 = arith.constant 0 : index
    %get3A_57 = arith.constant 0 : index
    %get3A_58 = vector.load %arg9[%get3A_56, %get3A_57] : memref<1x256xf32, #tpu.memory_space<vmem>>, vector<1x256xf32>
    %add3A_59 = vector.broadcast %get3A_58 : vector<1x256xf32> to vector<2560x256xf32>
    %add3A_60 = arith.addf %dot_general3A_55, %add3A_59 : vector<2560x256xf32>
    %swap3A_61 = arith.constant 0 : index
    %swap3A_62 = arith.constant 0 : index
    %swap3A_63 = vector.load %arg15[%swap3A_61, %swap3A_62] : memref<2560x256xf32, #tpu.memory_space<vmem>>, vector<2560x256xf32>
    tpu.vector_store %arg15[%swap3A_61, %swap3A_62], %add3A_60 {strides = array<i32>} : memref<2560x256xf32, #tpu.memory_space<vmem>>, vector<2560x256xf32>,
    %get3A_64 = arith.constant 0 : index
    %get3A_65 = arith.constant 0 : index
    %get3A_66 = vector.load %arg10[%get3A_64, %get3A_65] : memref<256x33xf32, #tpu.memory_space<vmem>>, vector<256x33xf32>
    %dot_general3A_67 = arith.constant dense<0.000000e+00> : vector<2560x33xf32>
    %dot_general3A_68 = tpu.matmul %max3A_50, %get3A_66, %dot_general3A_67 {dimension_numbers = #tpu.dot_dimension_numbers<[1], [0], [0], [1], [0, 0, 1, 1], [], []>, transpose_lhs_hint = false} : vector<2560x256xf32>, vector<256x33xf32>, vector<2560x33xf32> -> vector<2560x33xf32>
    %get3A_69 = arith.constant 0 : index
    %get3A_70 = arith.constant 0 : index
    %get3A_71 = vector.load %arg11[%get3A_69, %get3A_70] : memref<1x33xf32, #tpu.memory_space<vmem>>, vector<1x33xf32>
    %add3A_72 = vector.broadcast %get3A_71 : vector<1x33xf32> to vector<2560x33xf32>
    %add3A_73 = arith.addf %dot_general3A_68, %add3A_72 : vector<2560x33xf32>
    %slice3A_74 = vector.extract_strided_slice %add3A_73 {offsets = [0, 0], sizes = [2560, 32], strides = [1, 1]} : vector<2560x33xf32> to vector<2560x32xf32>
    %slice3A_75 = vector.extract_strided_slice %add3A_73 {offsets = [0, 0], sizes = [2560, 32], strides = [1, 1]} : vector<2560x33xf32> to vector<2560x32xf32>
    %reduce_max3A = arith.constant dense<0xFF800000> : vector<2560xf32>
    %reduce_max3A_76 = vector.multi_reduction <maximumf>, %slice3A_75, %reduce_max3A [1] : vector<2560x32xf32> to vector<2560xf32>
    %broadcast_in_dim3A = vector.shape_cast %reduce_max3A_76 : vector<2560xf32> to vector<2560x1xf32>
    %sub3A = vector.broadcast %broadcast_in_dim3A : vector<2560x1xf32> to vector<2560x32xf32>
    %sub3A_77 = arith.subf %slice3A_74, %sub3A : vector<2560x32xf32>
    %exp3A_78 = math.exp %sub3A_77 : vector<2560x32xf32>
    %reduce_sum3A = arith.constant dense<0.000000e+00> : vector<2560xf32>
    %reduce_sum3A_79 = vector.multi_reduction <add>, %exp3A_78, %reduce_sum3A [1] : vector<2560x32xf32> to vector<2560xf32>
    %broadcast_in_dim3A_80 = vector.shape_cast %reduce_sum3A_79 : vector<2560xf32> to vector<2560x1xf32>
    %div3A = vector.broadcast %broadcast_in_dim3A_80 : vector<2560x1xf32> to vector<2560x32xf32>
    %div3A_81 = arith.divf %exp3A_78, %div3A : vector<2560x32xf32>
    %swap3A_82 = arith.constant 0 : index
    %swap3A_83 = arith.constant 0 : index
    %swap3A_84 = vector.load %arg14[%swap3A_82, %swap3A_83] : memref<2560x32xf32, #tpu.memory_space<vmem>>, vector<2560x32xf32>
    tpu.vector_store %arg14[%swap3A_82, %swap3A_83], %div3A_81 {strides = array<i32>} : memref<2560x32xf32, #tpu.memory_space<vmem>>, vector<2560x32xf32>,
    %slice3A_85 = vector.extract_strided_slice %add3A_73 {offsets = [0, 32], sizes = [2560, 1], strides = [1, 1]} : vector<2560x33xf32> to vector<2560x1xf32>
    %swap3A_86 = arith.constant 0 : index
    %swap3A_87 = arith.constant 0 : index
    %swap3A_88 = vector.load %arg16[%swap3A_86, %swap3A_87] : memref<2560x1xf32, #tpu.memory_space<vmem>>, vector<2560x1xf32>
    tpu.vector_store %arg16[%swap3A_86, %swap3A_87], %slice3A_85 {strides = array<i32>} : memref<2560x1xf32, #tpu.memory_space<vmem>>, vector<2560x1xf32>,
    return
  }
  func.func @transform_0(%arg0: i32) -> (i32, i32, i32) {
    %c0_i32 = arith.constant 0 : i32
    %c0_i32_0 = arith.constant 0 : i32
    %c0_i32_1 = arith.constant 0 : i32
    return %c0_i32, %arg0, %c0_i32_0 : i32, i32, i32
  }
  func.func @transform_1(%arg0: i32) -> (i32, i32) {
    %c0_i32 = arith.constant 0 : i32
    %c0_i32_0 = arith.constant 0 : i32
    %c0_i32_1 = arith.constant 0 : i32
    return %c0_i32, %c0_i32_0 : i32, i32
  }
  func.func @transform_2(%arg0: i32) -> (i32, i32) {
    %c0_i32 = arith.constant 0 : i32
    %c0_i32_0 = arith.constant 0 : i32
    %c0_i32_1 = arith.constant 0 : i32
    return %c0_i32, %c0_i32_0 : i32, i32
  }
  func.func @transform_3(%arg0: i32) -> (i32, i32) {
    %c0_i32 = arith.constant 0 : i32
    %c0_i32_0 = arith.constant 0 : i32
    %c0_i32_1 = arith.constant 0 : i32
    return %c0_i32, %c0_i32_0 : i32, i32
  }
  func.func @transform_4(%arg0: i32) -> (i32, i32) {
    %c0_i32 = arith.constant 0 : i32
    %c0_i32_0 = arith.constant 0 : i32
    %c0_i32_1 = arith.constant 0 : i32
    return %c0_i32, %c0_i32_0 : i32, i32
  }
  func.func @transform_5(%arg0: i32) -> (i32, i32) {
    %c0_i32 = arith.constant 0 : i32
    %c0_i32_0 = arith.constant 0 : i32
    %c0_i32_1 = arith.constant 0 : i32
    return %c0_i32, %c0_i32_0 : i32, i32
  }
  func.func @transform_6(%arg0: i32) -> (i32, i32) {
    %c0_i32 = arith.constant 0 : i32
    %c0_i32_0 = arith.constant 0 : i32
    %c0_i32_1 = arith.constant 0 : i32
    return %c0_i32, %c0_i32_0 : i32, i32
  }
  func.func @transform_7(%arg0: i32) -> (i32, i32) {
    %c0_i32 = arith.constant 0 : i32
    %c0_i32_0 = arith.constant 0 : i32
    %c0_i32_1 = arith.constant 0 : i32
    return %c0_i32, %c0_i32_0 : i32, i32
  }
  func.func @transform_8(%arg0: i32) -> (i32, i32) {
    %c0_i32 = arith.constant 0 : i32
    %c0_i32_0 = arith.constant 0 : i32
    %c0_i32_1 = arith.constant 0 : i32
    return %c0_i32, %c0_i32_0 : i32, i32
  }
  func.func @transform_9(%arg0: i32) -> (i32, i32) {
    %c0_i32 = arith.constant 0 : i32
    %c0_i32_0 = arith.constant 0 : i32
    %c0_i32_1 = arith.constant 0 : i32
    return %c0_i32, %c0_i32_0 : i32, i32
  }
  func.func @transform_10(%arg0: i32) -> (i32, i32) {
    %c0_i32 = arith.constant 0 : i32
    %c0_i32_0 = arith.constant 0 : i32
    %c0_i32_1 = arith.constant 0 : i32
    return %c0_i32, %c0_i32_0 : i32, i32
  }
  func.func @transform_11(%arg0: i32) -> (i32, i32) {
    %c0_i32 = arith.constant 0 : i32
    %c0_i32_0 = arith.constant 0 : i32
    return %arg0, %c0_i32 : i32, i32
  }
  func.func @transform_12(%arg0: i32) -> (i32, i32) {
    %c0_i32 = arith.constant 0 : i32
    %c0_i32_0 = arith.constant 0 : i32
    return %arg0, %c0_i32 : i32, i32
  }
  func.func @transform_13(%arg0: i32) -> (i32, i32) {
    %c0_i32 = arith.constant 0 : i32
    %c0_i32_0 = arith.constant 0 : i32
    return %arg0, %c0_i32 : i32, i32
  }
  func.func @transform_14(%arg0: i32) -> (i32, i32) {
    %c0_i32 = arith.constant 0 : i32
    %c0_i32_0 = arith.constant 0 : i32
    return %arg0, %c0_i32 : i32, i32
  }
  func.func @transform_15(%arg0: i32) -> (i32, i32) {
    %c0_i32 = arith.constant 0 : i32
    %c0_i32_0 = arith.constant 0 : i32
    return %arg0, %c0_i32 : i32, i32
  }
}

</mosaic_0001>

<sc_bundles>
// kernel: closed_call.12.cloned.1.call-start
scs
__scs_entry_jumppad:
0x0: {  	(pc) =	sbr.rel $0x88, $3  }
0x1: {  	(tag) =	ssettag $0x0;
	lr =	simm.s32 $0x1  }
0x2: {  	[smem:$0x3F8B] =	sst lr;
	_ =	strace $0xD0000000  }
0x3: {  	_ = 	snop  }
0x4: {  	_ = 	snop  }
0x5: {  	_ = 	snop  }
0x6: {  	_ = 	snop  }
0x7: {  	_ = 	snop  }
__scs_overlays_trampoline_lowered:
0x8: {  	[smem:$0x3F9A] =	sst s0  }
0x9: {  	[smem:$0x3F9B] =	sst s1  }
0xa: {  	[smem:$0x3F9C] =	sst s2  }
0xb: {  	[smem:$0x3F9D] =	sst s3  }
0xc: {  	[smem:$0x3F9E] =	sst s4  }
0xd: {  	[smem:$0x3F9F] =	sst s5  }
0xe: {  	[smem:$0x3FA0] =	sst s6  }
0xf: {  	[smem:$0x3FA1] =	sst s7  }
0x10: {  	[smem:$0x3FA2] =	sst s8  }
0x11: {  	[smem:$0x3FA3] =	sst s9;
	s0 =	simm.s32 @!p0 $0x0  }
0x12: {  	s1 =	sld [smem:$0x3F89];
	s0 =	simm.s32 @p0 $0x1  }
0x13: {  	[smem:$0x3FA4] =	sst s0;
	s0 =	simm.s32 @!p1 $0x0  }
0x14: {  	s2 =	sld [smem:$0x3F88];
	s0 =	simm.s32 @p1 $0x1  }
0x15: {  	[smem:$0x3FA5] =	sst s0;
	s0 =	simm.s32 @!p2 $0x0  }
0x16: {  	s3 =	sld [smem:$0x3FDB];
	s0 =	simm.s32 @p2 $0x1  }
0x17: {  	s4 =	simm.s32 $0x1BF5;
	[smem:$0x3FA7] =	sst s0  }
0x18: {  	s0 =	sld [smem:$0x3F8A];
	_ =	swait.ge [sflag:s4], $0x0  }
0x19: {  	s7 =	sld [smem:$0x3F8B]  }
0x1a: {  	s8 =	sadd.s32 $0xFFFFE003, lr  }
0x1b: {  	s9 =	sadd.s32 $0xFFFFFEF7, lr;
	s5 =	simm.s32 $0xFFFFFFFF;
	p2 =	slt.u32 s8, $0xFFFFF086  }
0x1c: {  	p1 =	slt.u32 s9, $0xF7A;
	s5 =	simm.s32 @!p2 $0x0  }
0x1d: {  	s5 =	simm.s32 @p1 $0x1;
	p0 =	seq.s32 s7, s2  }
0x1e: {  	s7 =	smul.u32 @!p0 $0xF7A, s2;
	p2 =	seq.s32 @!p0 s5, $0x0  }
0x1f: {  	s9 =	smul.u32 $0xF7A, s1;
	s8 =	simm.s32 @!p0 $0x1BF5;
	p2 =	por !p2, p0  }
0x20: {  	[sflag:s8] =	ssyncset.s32 @!p0 $0xFFFFF086;
	s6 =	sadd.s32 @!p0 s3, s7;
	s7 =	simm.s32 @!p0 $0x108  }
0x21: {  	s3 =	sadd.s32 s3, s9;
	s6 =	sadd.s32 @!p0 $0x88, s6;
	s7 =	simm.s32 @p2 $0x1082  }
0x22: {  	[simem:s7], [sflag:s8] =	dma.local @!p0 [hbm:s6], $0xF7A  }
0x23: {  	s9 =	sor.u32 $0xD0000000, s2;
	s6 =	simm.s32 $0x108;
	_ =	swait.ge @!p0 [sflag:s8], $0x0  }
0x24: {  	s3 =	sadd.s32 $0x88, s3;
	s6 =	simm.s32 @!p1 $0x1082;
	[sflag:s4] =	ssyncset.s32 $0xFFFFF086  }
0x25: {  	[simem:s6], [sflag:s4] =	dma.local [hbm:s3], $0xF7A  }
0x26: {  	[smem:$0x3F8B] =	sst s1;
	(tag) =	ssettag s2;
	_ =	strace s9  }
0x27: {  	s1 =	sld [smem:$0x3F9B]  }
0x28: {  	s2 =	sld [smem:$0x3F9C]  }
0x29: {  	s4 =	sld [smem:$0x3F9E]  }
0x2a: {  	p0 =	seq.s32 s5, $0x0;
	s5 =	sld [smem:$0x3F9F]  }
0x2b: {  	s6 =	sld [smem:$0x3FA0]  }
0x2c: {  	s7 =	sld [smem:$0x3FA1]  }
0x2d: {  	s3 =	simm.s32 $0x108;
	s8 =	sld [smem:$0x3FA2]  }
0x2e: {  	s3 =	simm.s32 @!p0 $0x1082;
	s9 =	sld [smem:$0x3FA3]  }
0x2f: {  	lr =	sadd.s32 s0, s3;
	s0 =	sld [smem:$0x3F9A]  }
0x30: {  	s3 =	sld [smem:$0x3F9D]  }
0x31: {  	[smem:$0x3FA6] =	sst s10  }
0x32: {  	s10 =	sld [smem:$0x3FA4];
	_ =	sdelay $0x3  }
0x33: {  	p0 =	seq.s32 s10, $0x1;
	s10 =	sld [smem:$0x3FA6];
	_ =	sdelay $0x3  }
0x34: {  	[smem:$0x3FA6] =	sst s10  }
0x35: {  	s10 =	sld [smem:$0x3FA5];
	_ =	sdelay $0x3  }
0x36: {  	p1 =	seq.s32 s10, $0x1;
	s10 =	sld [smem:$0x3FA6];
	_ =	sdelay $0x3  }
0x37: {  	[smem:$0x3FA6] =	sst s10  }
0x38: {  	s10 =	sld [smem:$0x3FA7]  }
0x39: {  	_ = 	snop;
	(pc) =	sbr.ind lr, $3  }
0x3a: {  	_ = 	snop  }
0x3b: {  	_ = 	snop  }
0x3c: {  	p2 =	seq.s32 s10, $0x1;
	s10 =	sld [smem:$0x3FA6]  }
0x3d: {  	_ =	shalt  }
0x3e: {  	_ =	shalt  }
0x3f: {  	_ =	shalt  }
0x40: {  	_ =	shalt  }
0x41: {  	_ =	shalt  }
0x42: {  	_ =	shalt  }
0x43: {  	_ =	shalt  }
0x44: {  	_ =	shalt  }
0x45: {  	_ =	shalt  }
0x46: {  	_ =	shalt  }
0x47: {  	_ =	shalt  }
0x48: {  	_ =	shalt  }
0x49: {  	_ =	shalt  }
0x4a: {  	_ =	shalt  }
0x4b: {  	_ =	shalt  }
0x4c: {  	_ =	shalt  }
0x4d: {  	_ =	shalt  }
0x4e: {  	_ =	shalt  }
0x4f: {  	_ =	shalt  }
0x50: {  	_ =	shalt  }
0x51: {  	_ =	shalt  }
0x52: {  	_ =	shalt  }
0x53: {  	_ =	shalt  }
0x54: {  	_ =	shalt  }
0x55: {  	_ =	shalt  }
0x56: {  	_ =	shalt  }
0x57: {  	_ =	shalt  }
0x58: {  	_ =	shalt  }
0x59: {  	_ =	shalt  }
0x5a: {  	_ =	shalt  }
0x5b: {  	_ =	shalt  }
0x5c: {  	_ =	shalt  }
0x5d: {  	_ =	shalt  }
0x5e: {  	_ =	shalt  }
0x5f: {  	_ =	shalt  }
0x60: {  	_ =	shalt  }
0x61: {  	_ =	shalt  }
0x62: {  	_ =	shalt  }
0x63: {  	_ =	shalt  }
0x64: {  	_ =	shalt  }
0x65: {  	_ =	shalt  }
0x66: {  	_ =	shalt  }
0x67: {  	_ =	shalt  }
0x68: {  	_ =	shalt  }
0x69: {  	_ =	shalt  }
0x6a: {  	_ =	shalt  }
0x6b: {  	_ =	shalt  }
0x6c: {  	_ =	shalt  }
0x6d: {  	_ =	shalt  }
0x6e: {  	_ =	shalt  }
0x6f: {  	_ =	shalt  }
0x70: {  	_ =	shalt  }
0x71: {  	_ =	shalt  }
0x72: {  	_ =	shalt  }
0x73: {  	_ =	shalt  }
0x74: {  	_ =	shalt  }
0x75: {  	_ =	shalt  }
0x76: {  	_ =	shalt  }
0x77: {  	_ =	shalt  }
0x78: {  	_ =	shalt  }
0x79: {  	_ =	shalt  }
0x7a: {  	_ =	shalt  }
0x7b: {  	_ =	shalt  }
0x7c: {  	_ =	shalt  }
0x7d: {  	_ =	shalt  }
0x7e: {  	_ =	shalt  }
0x7f: {  	_ =	shalt  }
0x80: {  	_ =	shalt  }
0x81: {  	_ =	shalt  }
0x82: {  	_ =	shalt  }
0x83: {  	_ =	shalt  }
0x84: {  	_ =	shalt  }
0x85: {  	_ =	shalt  }
0x86: {  	_ =	shalt  }
0x87: {  	_ =	shalt  }
.Lfunc_end0:
.L_simem_size_0:
called_computation_lowered:
.L_overlay_start_0:
0x88: {  	s2 =	sld [smem:$0x3FD9]  }
0x89: {  	s3 =	sld [smem:$0x3FFE];
	_ =	sdelay $0x1  }
0x8a: {  	s1 =	srdreg.scid  }
0x8b: {  	s0 =	sand.u32 $0x1, s1  }
0x8c: {  	s14 =	sshll.u32 s0, $0xA;
	s2 =	sadd.s32 s3, s2  }
0x8d: {  	s2 =	sadd.s32 s2, s14  }
0x8e: {  	[smem:$0x3FB2] =	sst s2  }
0x8f: {  	_ = 	snop  }
0x90: {  	s2 =	sld [smem:$0x3FD0];
	_ =	sdelay $0x2  }
0x91: {  	s15 =	simm.s32 $0xA;
	s4 =	simm.s32 $0x10  }
0x92: {  	[smem:s4], [sflag:s15] =	dma.local [hbm:s2], $0x1  }
0x93: {  	_ =	swait.eq [sflag:s15], $0x1  }
0x94: {  	s16 =	sld [smem:$0x10];
	[sflag:s15] =	ssyncset.done $0x0  }
0x95: {  	s17 =	sld [smem:$0x11];
	[sflag:s15] =	ssyncadd.s32 $0xFFFFFFFF  }
0x96: {  	s18 =	sld [smem:$0x12];
	(tm) =	ssettm $0x1  }
0x97: {  	s5 =	sld [smem:$0x3FFB];
	_ =	sdelay $0x3  }
0x98: {  	_ =	strace s5  }
0x99: {  	s5 =	sld [smem:$0x3FFC];
	_ =	sdelay $0x3  }
0x9a: {  	_ =	strace s5  }
0x9b: {  	s5 =	sld [smem:$0x3FFD];
	_ =	sdelay $0x3  }
0x9c: {  	_ =	strace s5  }
0x9d: {  	_ =	strace $0x8FFFFFFF  }
0x9e: {  	s19 =	sld [smem:$0x3FDB];
	_ =	sdelay $0x1  }
0x9f: {  	s6 =	simm.s32 $_scs_section_size  }
0xa0: {  	s7 =	simm.s32 $_size__tile_overlayer_lowered;
	s8 =	simm.s32 $_tile_overlayer_lowered  }
0xa1: {  	s22 =	simm.s32 $0x1BFF;
	s21 =	sshll.u32 s8, $0x1;
	s5 =	sadd.s32 s6, s19  }
0xa2: {  	s9 =	simm.s32 $0x0;
	s20 =	sshll.u32 s7, $0x1;
	s7 =	sadd.s32 s21, s5  }
0xa3: {  	[timem:s9], [sflag:s22] =	dma.local [hbm:s7], s20  }
0xa4: {  	_ =	swait.ge [sflag:s22], s20  }
0xa5: {  	s6 =	ssub.s32 $0x0, s20;
	[sflag:s22] =	ssyncset.done $0x0  }
0xa6: {  	[sflag:s22] =	ssyncadd.s32 s6;
	_ =	sdelay $0x1  }
0xa7: {  	s23 =	simm.s32 $0x1B8B  }
0xa8: {  	_ =	swait.ge [sflag:s23], $0x1  }
0xa9: {  	[sflag:s23] =	ssyncset.done $0x0  }
0xaa: {  	s25 =	simm.s32 $0x1B8E;
	s24 =	sld [smem:$0x3FFE];
	[sflag:s23] =	ssyncadd.s32 $0xFFFFFFFF  }
0xab: {  	s26 =	simm.s32 $execute0_lowered;
	[smem:$0x3FD2] =	sst s25  }
0xac: {  	s7 =	sshll.u32 s26, $0x1;
	_ =	strace $0x80000046;
	[dreg:$0x1] =	wrdreg $0xFFFFFFFF  }
0xad: {  	s28 =	simm.s32 $_size_execute0_lowered;
	s5 =	sadd.s32 s5, s7;
	[dreg:$0x0] =	wrdreg $0x0  }
0xae: {  	s7 =	sshll.u32 s28, $0x1;
	[dreg:$0x2] =	wrdreg s5  }
0xaf: {  	[dreg:$0x3] =	wrdreg s7  }
0xb0: {  	[dreg:$0x4] =	wrdreg $0xC0  }
0xb1: {  	_ =	task [dreg:s9], $0x5FFFF  }
0xb2: {  	[dreg:$0x1] =	wrdreg $0xFFFFFFFF  }
0xb3: {  	[dreg:$0x0] =	wrdreg $0x60  }
0xb4: {  	[dreg:$0x2] =	wrdreg s24  }
0xb5: {  	[dreg:$0x3] =	wrdreg s18  }
0xb6: {  	[dreg:$0x4] =	wrdreg s17  }
0xb7: {  	[dreg:$0x5] =	wrdreg s16  }
0xb8: {  	[dreg:$0x6] =	wrdreg $0x86000  }
0xb9: {  	[dreg:$0x7] =	wrdreg $0x1C6000  }
0xba: {  	[dreg:$0x8] =	wrdreg $0x9  }
0xbb: {  	_ =	task.clear_ibuf [dreg:s9], $0x9FFFF;
	_ =	strace $0x90000046  }
0xbc: {  	s29 =	simm.s32 $0x9;
	_ =	strace $0x80000048  }
0xbd: {  	_ =	swait.ge [sflag:s29], $0x1  }
0xbe: {  	[sflag:s29] =	ssyncadd.s32 $0xFFFFFFFF  }
0xbf: {  	_ =	strace $0x90000048  }
0xc0: {  	_ =	sfence  }
0xc1: {  	s30 =	sld [smem:$0x0];
	_ =	sdelay $0x2  }
0xc2: {  	s31 =	sshll.u32 s1, $0xD;
	s1 =	sshrl.u32 s1, $0x2  }
0xc3: {  	s3 =	sand.u32 $0x4000, s31;
	s1 =	sadd.s32 s1, s30  }
0xc4: {  	s0 =	sor.u32 s3, s0;
	s1 =	sshll.u32 s1, $0x11  }
0xc5: {  	s0 =	sor.u32 s1, s0  }
0xc6: {  	s0 =	sadd.s32 $0x8F2B, s0  }
0xc7: {  	[sflag:s0] =	ssyncadd.remote.s32 $0x1  }
0xc8: {  	_ =	sfence.sel $0xFFFF  }
0xc9: {  	[dreg:$0x0] =	wrdreg $0xFFFFFFFF;
	(pc) =	sbr.abs _section_cstart, $3  }
0xca: {  	[dreg:$0x1] =	wrdreg $0xFFFFFFFF  }
0xcb: {  	_ =	task.clear_ibuf [dreg:s9], $0x2FFFF;
	_ =	strace $0x9FFFFFFF  }
0xcc: {  	(tm) =	ssettm $0x7FFFFFFF  }
0xcd: {  	_ =	shalt  }
tec
execute0_lowered:
.L_overlay_start_1:
0x0: {  	(tag) =	ssettag $0x1  }
0x1: {  	s0 =	rddreg [dreg:$0x0]  }
0x2: {  	s4 =	rddreg [dreg:$0x1]  }
0x3: {  	s5 =	rddreg [dreg:$0x2]  }
0x4: {  	s6 =	rddreg [dreg:$0x3]  }
0x5: {  	s1 =	rddreg [dreg:$0x4];
	s3 =	srdreg.scid  }
0x6: {  	s2 =	rddreg [dreg:$0x5];
	s20 =	stileid.u32;
	s28 =	simm.s32 $0x200  }
0x7: {  	s29 =	simm.s32 $0x1;
	s31 =	simm.s32 $0x9;
	s9 =	smul.u32 $0x280, s20  }
0x8: {  	s30 =	simm.s32 $0x80;
	s7 =	sand.u32 $0x1, s3;
	s12 =	smul.u32 $0x2710, s20  }
0x9: {  	s3 =	simm.s32 $0x0;
	s10 =	sadd.s32 $0x51E00, s0;
	s17 =	smul.u32 $0x14000, s20  }
0xa: {  	s8 =	ssub.s32 $0x2, s7;
	[smem:$0x7FF] =	sst s3;
	s15 =	smul.u32 $0x140000, s7  }
0xb: {  	p0 =	sne.s32 s7, $0x0;
	s11 =	sshrl.u32 s8, $0x1;
	s22 =	sshll.u32 s9, $0x7  }
0xc: {  	s12 =	sshrl.u32 s12, $0x3;
	s8 =	ssub.s32 s8, s11;
	s13 =	sadd.s32 $0x4000, s22  }
0xd: {  	s14 =	sadd.s32 $0x8000, s22;
	s16 =	sadd.s32 $0xC000, s22;
	s18 =	sadd.s32 s4, s12  }
0xe: {  	s11 =	sadd.s32 $0x10000, s22;
	s23 =	sadd.s32 s5, s12;
	[dreg:$0x7] =	wrdreg s18  }
0xf: {  	s17 =	sadd.s32 s17, s15;
	s22 =	sshrl.u32 s9, $0x3;
	[dreg:$0x8] =	wrdreg s23  }
0x10: {  	s18 =	sadd.s32 $0x10, s12;
	s19 =	sadd.s32 s15, s13;
	s17 =	sshrl.u32 s17, $0x3  }
0x11: {  	s25 =	sadd.s32 s15, s14;
	s26 =	sadd.s32 s15, s16;
	s15 =	sadd.s32 s15, s11  }
0x12: {  	s12 =	sadd.s32 $0x4E0, s12;
	s6 =	sadd.s32 s6, s22;
	s23 =	smul.u32 $0x4E2, s20  }
0x13: {  	s22 =	sadd.s32 s14, s1;
	s21 =	sadd.s32 s4, s18;
	[dreg:$0xf] =	wrdreg s6  }
0x14: {  	s19 =	sshrl.u32 s19, $0x3;
	s17 =	sadd.s32 s10, s17;
	[dreg:$0x9] =	wrdreg s21  }
0x15: {  	s15 =	sshrl.u32 s15, $0x3;
	s6 =	simm.s32 $0x4200;
	[dreg:$0xa] =	wrdreg s17  }
0x16: {  	s24 =	sadd.s32 s10, s19;
	s17 =	sshrl.u32 s25, $0x3;
	s21 =	sshrl.u32 s26, $0x3  }
0x17: {  	s25 =	smul.u32 $0x50000, s20;
	s26 =	sadd.s32 s4, s12;
	s12 =	sadd.s32 s5, s12  }
0x18: {  	s19 =	sadd.s32 $0x1E00, s0;
	s20 =	smul.u32 $0x2800, s7;
	[dreg:$0xb] =	wrdreg s24  }
0x19: {  	s0 =	simm.s32 $0x5;
	s7 =	simm.s32 $0x7;
	[dreg:$0x11] =	wrdreg s26  }
0x1a: {  	s17 =	sadd.s32 s10, s17;
	s24 =	sadd.s32 s5, s18;
	[dreg:$0x12] =	wrdreg s12  }
0x1b: {  	s18 =	sadd.s32 s23, s4;
	s26 =	smax.u32 s8, $0x1;
	s4 =	simm.s32 $0x180  }
0x1c: {  	s8 =	simm.s32 $0x8300;
	[dreg:$0xc] =	wrdreg s17;
	s17 =	sadd.s32 s10, s21  }
0x1d: {  	s10 =	sadd.s32 s10, s15;
	[dreg:$0x10] =	wrdreg s24;
	s12 =	sshrl.u32 s25, $0x2  }
0x1e: {  	s21 =	sadd.s32 s13, s1;
	s24 =	sadd.s32 s11, s1;
	s25 =	sadd.s32 s9, s2  }
0x1f: {  	s13 =	simm.s32 $0x100;
	s9 =	simm.s32 $0x3;
	[dreg:$0xd] =	wrdreg s17  }
0x20: {  	s11 =	simm.s32 $0x8;
	[dreg:$0xe] =	wrdreg s10;
	s17 =	sadd.s32 s23, s5  }
0x21: {  	s15 =	sadd.s32 s12, s1;
	s23 =	sadd.s32 s16, s1;
	s5 =	simm.s32 $0x6  }
0x22: {  	s10 =	simm.s32 $0x2;
	_ =	strace $0x80000047;
	[dreg:$0x13] =	wrdreg s15  }
0x23: {  	v1 =	vimm.f32 $0.0e+00;
	v2 =	vimm.f32 $1.000000000e+00;
	v0 =	vmov s20;
	s12 =	simm.s32 $0x4;
	[dreg:$0x14] =	wrdreg s26;
	s26 =	simm.s32 $0x0  }
.LBB2_1:
0x24: {  	s14 =	simm.s32 $0x0;
	s15 =	simm.s32 $0x200  }
.LBB2_2:
0x25: {  	p1 =	sne.s32 s15, $0xFE00;
	[tilespmem:s14+$0x270] =	vst v1  }
0x26: {  	[tilespmem:s14+$0x200] =	vst v1  }
0x27: {  	[tilespmem:s14+$0x210] =	vst v1  }
.Ltmp0:
0x28: {  	[tilespmem:s14+$0x220] =	vst v1;
	(pc) =	sbr.rel @p1 .LBB2_2-.Ltmp0, $4  }
0x29: {  	[tilespmem:s14+$0x230] =	vst v1  }
0x2a: {  	[tilespmem:s14+$0x240] =	vst v1  }
0x2b: {  	[tilespmem:s14+$0x250] =	vst v1  }
0x2c: {  	[tilespmem:s14+$0x260] =	vst v1;
	s14 =	sshra.s32 s15, $0x2;
	s15 =	sadd.s32 $0x200, s15  }
0x2d: {  	[tilespmem:s14+$0x270] =	vst v1  }
0x2e: {  	[tilespmem:s14+$0x200] =	vst v1  }
0x2f: {  	[tilespmem:s14+$0x210] =	vst v1  }
0x30: {  	[tilespmem:s14+$0x220] =	vst v1  }
0x31: {  	[tilespmem:s14+$0x230] =	vst v1  }
0x32: {  	[tilespmem:s14+$0x240] =	vst v1  }
0x33: {  	[tilespmem:s14+$0x250] =	vst v1  }
0x34: {  	[tilespmem:s14+$0x260] =	vst v1  }
0x35: {  	[tilespmem:$0x8300] =	vst v2  }
0x36: {  	[tilespmem:$0x8310] =	vst v2  }
0x37: {  	[tilespmem:$0x8320] =	vst v2  }
0x38: {  	[tilespmem:$0x8330] =	vst v2  }
0x39: {  	[tilespmem:$0x8340] =	vst v2  }
0x3a: {  	[tilespmem:$0x8350] =	vst v2  }
0x3b: {  	[tilespmem:$0x8360] =	vst v2  }
0x3c: {  	[tilespmem:$0x8370] =	vst v2  }
0x3d: {  	[tilespmem:$0x8380] =	vst v1  }
0x3e: {  	[tilespmem:$0x8390] =	vst v1  }
0x3f: {  	[tilespmem:$0x83A0] =	vst v1  }
0x40: {  	[tilespmem:$0x83B0] =	vst v1  }
0x41: {  	[tilespmem:$0x83C0] =	vst v1  }
0x42: {  	[tilespmem:$0x83D0] =	vst v1  }
0x43: {  	[tilespmem:$0x83E0] =	vst v1  }
0x44: {  	[tilespmem:$0x83F0] =	vst v1  }
0x45: {  	[tilespmem:$0x8400] =	vst v1  }
0x46: {  	[tilespmem:$0x8410] =	vst v1  }
0x47: {  	[tilespmem:$0x8420] =	vst v1  }
0x48: {  	[tilespmem:$0x8430] =	vst v1  }
0x49: {  	[tilespmem:$0x8440] =	vst v1  }
0x4a: {  	[tilespmem:$0x8450] =	vst v1  }
0x4b: {  	[tilespmem:$0x8460] =	vst v1  }
0x4c: {  	[tilespmem:$0x8470] =	vst v1  }
0x4d: {  	[tilespmem:$0x8480] =	vst v1  }
0x4e: {  	[tilespmem:$0x8490] =	vst v1  }
0x4f: {  	[tilespmem:$0x84A0] =	vst v1  }
0x50: {  	[tilespmem:$0x84B0] =	vst v1  }
0x51: {  	[tilespmem:$0x84C0] =	vst v1  }
0x52: {  	[tilespmem:$0x84D0] =	vst v1  }
0x53: {  	[tilespmem:$0x84E0] =	vst v1  }
0x54: {  	[tilespmem:$0x84F0] =	vst v1  }
0x55: {  	[tilespmem:$0x8500] =	vst v1  }
0x56: {  	[tilespmem:$0x8510] =	vst v1  }
0x57: {  	[tilespmem:$0x8520] =	vst v1  }
0x58: {  	[tilespmem:$0x8530] =	vst v1  }
0x59: {  	[tilespmem:$0x8540] =	vst v1  }
0x5a: {  	[tilespmem:$0x8550] =	vst v1  }
0x5b: {  	[tilespmem:$0x8560] =	vst v1  }
0x5c: {  	[tilespmem:$0x8570] =	vst v1  }
0x5d: {  	[tilespmem:$0x8580] =	vst v1  }
0x5e: {  	[tilespmem:$0x8590] =	vst v1  }
0x5f: {  	[tilespmem:$0x85A0] =	vst v1  }
0x60: {  	[tilespmem:$0x85B0] =	vst v1  }
0x61: {  	[tilespmem:$0x85C0] =	vst v1  }
0x62: {  	[tilespmem:$0x85D0] =	vst v1  }
0x63: {  	[tilespmem:$0x85E0] =	vst v1  }
0x64: {  	s20 =	rddreg [dreg:$0x13];
	[tilespmem:$0x85F0] =	vst v1  }
0x65: {  	[spmem:s20] =	stream.linear.scatter [tilespmem:s28], [sflag:$0x1], $0x4000, $0x38;
	[tilespmem:$0x1C880] =	vst v63  }
0x66: {  	_ = 	snop  }
0x67: {  	[spmem:s21] =	stream.linear.scatter [tilespmem:s28], [sflag:$0x1], $0x4000, $0x38;
	[tilespmem:$0x1C880] =	vst v63  }
0x68: {  	_ = 	snop  }
0x69: {  	[spmem:s22] =	stream.linear.scatter [tilespmem:s28], [sflag:$0x1], $0x4000, $0x38;
	[tilespmem:$0x1C880] =	vst v63  }
0x6a: {  	_ = 	snop  }
0x6b: {  	[spmem:s23] =	stream.linear.scatter [tilespmem:s28], [sflag:$0x1], $0x4000, $0x38;
	[tilespmem:$0x1C880] =	vst v63  }
0x6c: {  	_ = 	snop  }
0x6d: {  	[spmem:s24] =	stream.linear.scatter [tilespmem:s28], [sflag:$0x1], $0x4000, $0x38;
	[tilespmem:$0x1C880] =	vst v63  }
0x6e: {  	_ =	swait.ge [sflag:s29], $0x4000  }
0x6f: {  	[sflag:s29] =	ssyncset.done $0x0  }
0x70: {  	[sflag:s29] =	ssyncadd.s32 $0xFFFFC000  }
0x71: {  	_ =	swait.ge [sflag:s29], $0x4000  }
0x72: {  	[sflag:s29] =	ssyncset.done $0x0  }
0x73: {  	[sflag:s29] =	ssyncadd.s32 $0xFFFFC000  }
0x74: {  	_ =	swait.ge [sflag:s29], $0x4000  }
0x75: {  	[sflag:s29] =	ssyncset.done $0x0  }
0x76: {  	[sflag:s29] =	ssyncadd.s32 $0xFFFFC000  }
0x77: {  	_ =	swait.ge [sflag:s29], $0x4000  }
0x78: {  	[sflag:s29] =	ssyncset.done $0x0  }
0x79: {  	[sflag:s29] =	ssyncadd.s32 $0xFFFFC000  }
0x7a: {  	_ =	swait.ge [sflag:s29], $0x4000  }
0x7b: {  	[sflag:s29] =	ssyncset.done $0x0  }
0x7c: {  	s15 =	simm.s32 $0x8380;
	[sflag:s29] =	ssyncadd.s32 $0xFFFFC000  }
0x7d: {  	[spmem:s25] =	stream.linear.scatter [tilespmem:s15], [sflag:$0x9], $0x280, $0x38;
	[tilespmem:$0x1C880] =	vst v63  }
0x7e: {  	_ =	swait.ge [sflag:s31], $0x280  }
0x7f: {  	[sflag:s31] =	ssyncset.done $0x0  }
0x80: {  	[sflag:s31] =	ssyncadd.s32 $0xFFFFFD80  }
0x81: {  	[bflag:$0x0] =	sbarrier.arrive $0xFFFF  }
0x82: {  	s16 =	rddreg [dreg:$0x7]  }
0x83: {  	[tilespmem:s3], [sflag:$0x5] =	stream.linear.gather [hbm4b:s16+s3], $0x80, $0x38;
	[tilespmem:$0x1C880] =	vst v63  }
0x84: {  	s20 =	rddreg [dreg:$0x8]  }
0x85: {  	[tilespmem:s13], [sflag:$0x7] =	stream.linear.gather [hbm4b:s20+s3], $0x80, $0x38;
	[tilespmem:$0x1C880] =	vst v63  }
0x86: {  	_ =	swait.ge [sflag:s0], $0x80  }
0x87: {  	[sflag:s0] =	ssyncset.done $0x0  }
0x88: {  	[sflag:s0] =	ssyncadd.s32 $0xFFFFFF80  }
0x89: {  	v3 =	vld [tilespmem:$0x0]  }
0x8a: {  	v4 =	vld [tilespmem:$0x10]  }
0x8b: {  	v5 =	vld [tilespmem:$0x20]  }
0x8c: {  	v6 =	vld [tilespmem:$0x30]  }
0x8d: {  	v7 =	vld [tilespmem:$0x40]  }
0x8e: {  	v8 =	vld [tilespmem:$0x50];
	v3 =	vadd.s32 v0, v3  }
0x8f: {  	v48 =	vld [tilespmem:$0x60];
	[tilespmem:$0x0] =	vst v3;
	v3 =	vadd.s32 v0, v4  }
0x90: {  	v49 =	vld [tilespmem:$0x70];
	[tilespmem:$0x10] =	vst v3;
	v3 =	vadd.s32 v0, v5  }
0x91: {  	[tilespmem:$0x20] =	vst v3;
	v3 =	vadd.s32 v0, v6  }
0x92: {  	[tilespmem:$0x30] =	vst v3;
	v3 =	vadd.s32 v0, v7  }
0x93: {  	[tilespmem:$0x40] =	vst v3;
	v3 =	vadd.s32 v0, v8  }
0x94: {  	[tilespmem:$0x50] =	vst v3;
	v3 =	vadd.s32 v0, v48  }
0x95: {  	[tilespmem:$0x60] =	vst v3;
	v3 =	vadd.s32 v0, v49  }
0x96: {  	[tilespmem:$0x70] =	vst v3  }
0x97: {  	[tilespmem:s28], [sflag:$0x1] =	stream.indirect.gather [hbm4b:s19+s30], $0x80, s3, s30, $0xb8;
	[tilespmem:$0x1C880] =	vst v63  }
0x98: {  	s15 =	rddreg [dreg:$0x9]  }
0x99: {  	[tilespmem:s30], [sflag:$0x6] =	stream.linear.gather [hbm4b:s15+s3], $0x80, $0x38;
	[tilespmem:$0x1C880] =	vst v63  }
0x9a: {  	s16 =	rddreg [dreg:$0x10]  }
0x9b: {  	[tilespmem:s4], [sflag:$0x8] =	stream.linear.gather [hbm4b:s16+s3], $0x80, $0x38;
	[tilespmem:$0x1C880] =	vst v63  }
0x9c: {  	_ =	swait.ge [sflag:s5], $0x80  }
0x9d: {  	[sflag:s5] =	ssyncset.done $0x0  }
0x9e: {  	[sflag:s5] =	ssyncadd.s32 $0xFFFFFF80  }
0x9f: {  	v3 =	vld [tilespmem:$0x80]  }
0xa0: {  	v50 =	vld [tilespmem:$0x90]  }
0xa1: {  	v51 =	vld [tilespmem:$0xA0]  }
0xa2: {  	v52 =	vld [tilespmem:$0xB0]  }
0xa3: {  	v53 =	vld [tilespmem:$0xC0]  }
0xa4: {  	v54 =	vld [tilespmem:$0xD0];
	v3 =	vadd.s32 v0, v3  }
0xa5: {  	v55 =	vld [tilespmem:$0xE0];
	[tilespmem:$0x80] =	vst v3;
	v3 =	vadd.s32 v0, v50  }
0xa6: {  	v56 =	vld [tilespmem:$0xF0];
	[tilespmem:$0x90] =	vst v3;
	v3 =	vadd.s32 v0, v51  }
0xa7: {  	[tilespmem:$0xA0] =	vst v3;
	v3 =	vadd.s32 v0, v52  }
0xa8: {  	[tilespmem:$0xB0] =	vst v3;
	v3 =	vadd.s32 v0, v53  }
0xa9: {  	[tilespmem:$0xC0] =	vst v3;
	v3 =	vadd.s32 v0, v54  }
0xaa: {  	[tilespmem:$0xD0] =	vst v3;
	v3 =	vadd.s32 v0, v55  }
0xab: {  	[tilespmem:$0xE0] =	vst v3;
	v3 =	vadd.s32 v0, v56  }
0xac: {  	[tilespmem:$0xF0] =	vst v3  }
0xad: {  	[tilespmem:s6], [sflag:$0x2] =	stream.indirect.gather [hbm4b:s19+s30], $0x80, s30, s30, $0xb8;
	[tilespmem:$0x1C880] =	vst v63  }
0xae: {  	_ =	swait.ge [sflag:s29], $0x4000  }
0xaf: {  	[sflag:s29] =	ssyncset.done $0x0  }
0xb0: {  	[sflag:s29] =	ssyncadd.s32 $0xFFFFC000  }
0xb1: {  	_ =	swait.ge [sflag:s7], $0x80  }
0xb2: {  	[sflag:s7] =	ssyncset.done $0x0  }
0xb3: {  	[sflag:s7] =	ssyncadd.s32 $0xFFFFFF80  }
0xb4: {  	[spmem:s1] =	stream.indirect.scatter.add.f32 [tilespmem:s28], [sflag:$0x3], $0x80, s13, s30, $0xb8;
	[tilespmem:$0x1C880] =	vst v63  }
0xb5: {  	s20 =	sadd.s32 $0xFFFFFB40, s18  }
0xb6: {  	[spmem:s2] =	stream.indirect.scatter.add.f32 [tilespmem:s8], [sflag:$0x3], $0x1, s13, s30, $0xb8;
	[tilespmem:$0x1C880] =	vst v63  }
0xb7: {  	s15 =	sadd.s32 $0x4E0, s20  }
0xb8: {  	[tilespmem:s3], [sflag:$0x5] =	stream.linear.gather [hbm4b:s15+s3], $0x80, $0x38;
	[tilespmem:$0x1C880] =	vst v63  }
0xb9: {  	_ =	swait.ge [sflag:s0], $0x80  }
0xba: {  	[sflag:s0] =	ssyncset.done $0x0  }
0xbb: {  	[sflag:s0] =	ssyncadd.s32 $0xFFFFFF80  }
0xbc: {  	v3 =	vld [tilespmem:$0x70]  }
0xbd: {  	v57 =	vld [tilespmem:$0x60]  }
0xbe: {  	v61 =	vld [tilespmem:$0x0]  }
0xbf: {  	v58 =	vld [tilespmem:$0x10]  }
0xc0: {  	v59 =	vld [tilespmem:$0x30]  }
0xc1: {  	v60 =	vld [tilespmem:$0x50];
	v3 =	vadd.s32 v0, v3  }
0xc2: {  	v9 =	vld [tilespmem:$0x20];
	v4 =	vadd.s32 v0, v57;
	[tilespmem:$0x70] =	vst v3  }
0xc3: {  	v62 =	vld [tilespmem:$0x40];
	v63 =	vadd.s32 v0, v61;
	[tilespmem:$0x60] =	vst v4  }
0xc4: {  	v3 =	vadd.s32 v0, v58;
	[tilespmem:$0x0] =	vst v63  }
0xc5: {  	[tilespmem:$0x10] =	vst v3;
	v3 =	vadd.s32 v0, v59  }
0xc6: {  	[tilespmem:$0x30] =	vst v3;
	v3 =	vadd.s32 v0, v60  }
0xc7: {  	[tilespmem:$0x50] =	vst v3;
	v3 =	vadd.s32 v0, v9  }
0xc8: {  	[tilespmem:$0x20] =	vst v3;
	v3 =	vadd.s32 v0, v62  }
0xc9: {  	[tilespmem:$0x40] =	vst v3  }
0xca: {  	_ =	swait.ge [sflag:s9], $0x4000  }
0xcb: {  	[sflag:s9] =	ssyncset.done $0x0  }
0xcc: {  	[sflag:s9] =	ssyncadd.s32 $0xFFFFC000  }
0xcd: {  	_ =	swait.ge [sflag:s9], $0x80  }
0xce: {  	s15 =	sadd.s32 $0xFFFFFB40, s17;
	[sflag:s9] =	ssyncset.done $0x0  }
0xcf: {  	s16 =	sadd.s32 $0x4E0, s15;
	[sflag:s9] =	ssyncadd.s32 $0xFFFFFF80  }
0xd0: {  	[tilespmem:s13], [sflag:$0x7] =	stream.linear.gather [hbm4b:s16+s3], $0x80, $0x38;
	[tilespmem:$0x1C880] =	vst v63  }
0xd1: {  	_ = 	snop  }
0xd2: {  	[tilespmem:s28], [sflag:$0x1] =	stream.indirect.gather [hbm4b:s19+s30], $0x80, s3, s30, $0xb8;
	[tilespmem:$0x1C880] =	vst v63  }
0xd3: {  	_ =	swait.ge [sflag:s10], $0x4000  }
0xd4: {  	[sflag:s10] =	ssyncset.done $0x0  }
0xd5: {  	[sflag:s10] =	ssyncadd.s32 $0xFFFFC000  }
0xd6: {  	_ =	swait.ge [sflag:s11], $0x80  }
0xd7: {  	[sflag:s11] =	ssyncset.done $0x0  }
0xd8: {  	[sflag:s11] =	ssyncadd.s32 $0xFFFFFF80  }
0xd9: {  	[spmem:s1] =	stream.indirect.scatter.add.f32 [tilespmem:s6], [sflag:$0x4], $0x80, s4, s30, $0xb8;
	[tilespmem:$0x1C880] =	vst v63  }
0xda: {  	_ = 	snop  }
0xdb: {  	[spmem:s2] =	stream.indirect.scatter.add.f32 [tilespmem:s8], [sflag:$0x4], $0x1, s4, s30, $0xb8;
	[tilespmem:$0x1C880] =	vst v63  }
0xdc: {  	s14 =	sadd.s32 $0x4F0, s20  }
0xdd: {  	[tilespmem:s30], [sflag:$0x6] =	stream.linear.gather [hbm4b:s14+s3], $0x80, $0x38;
	[tilespmem:$0x1C880] =	vst v63  }
0xde: {  	_ =	swait.ge [sflag:s5], $0x80  }
0xdf: {  	[sflag:s5] =	ssyncset.done $0x0  }
0xe0: {  	s14 =	simm.s32 $0xFFFFFB60;
	[sflag:s5] =	ssyncadd.s32 $0xFFFFFF80  }
.LBB2_4:
0xe1: {  	p1 =	sne.s32 s14, $0xFFFFFFE0;
	v3 =	vld [tilespmem:$0xF0];
	s16 =	smov.u32 s14;
	s14 =	sadd.s32 $0x20, s14  }
0xe2: {  	v4 =	vld [tilespmem:$0xE0]  }
0xe3: {  	v5 =	vld [tilespmem:$0xD0]  }
0xe4: {  	v6 =	vld [tilespmem:$0xC0]  }
0xe5: {  	v7 =	vld [tilespmem:$0xB0]  }
0xe6: {  	v8 =	vld [tilespmem:$0xA0];
	v3 =	vadd.s32 v0, v3  }
0xe7: {  	v9 =	vld [tilespmem:$0x90];
	v4 =	vadd.s32 v0, v4;
	[tilespmem:$0xF0] =	vst v3  }
0xe8: {  	v3 =	vld [tilespmem:$0x80];
	v5 =	vadd.s32 v0, v5;
	[tilespmem:$0xE0] =	vst v4  }
0xe9: {  	v4 =	vadd.s32 v0, v6;
	[tilespmem:$0xD0] =	vst v5  }
0xea: {  	v5 =	vadd.s32 v0, v7;
	[tilespmem:$0xC0] =	vst v4  }
0xeb: {  	v4 =	vadd.s32 v0, v8;
	[tilespmem:$0xB0] =	vst v5  }
0xec: {  	v5 =	vadd.s32 v0, v9;
	[tilespmem:$0xA0] =	vst v4  }
0xed: {  	v3 =	vadd.s32 v0, v3;
	[tilespmem:$0x90] =	vst v5  }
0xee: {  	[tilespmem:$0x80] =	vst v3  }
0xef: {  	_ =	swait.ge [sflag:s12], $0x4000  }
0xf0: {  	[sflag:s12] =	ssyncset.done $0x0  }
0xf1: {  	[sflag:s12] =	ssyncadd.s32 $0xFFFFC000  }
0xf2: {  	_ =	swait.ge [sflag:s12], $0x80  }
0xf3: {  	[sflag:s12] =	ssyncset.done $0x0  }
0xf4: {  	s15 =	sadd.s32 $0x4F0, s15;
	[sflag:s12] =	ssyncadd.s32 $0xFFFFFF80  }
0xf5: {  	[tilespmem:s4], [sflag:$0x8] =	stream.linear.gather [hbm4b:s15+s3], $0x80, $0x38;
	[tilespmem:$0x1C880] =	vst v63  }
0xf6: {  	_ = 	snop  }
0xf7: {  	[tilespmem:s6], [sflag:$0x2] =	stream.indirect.gather [hbm4b:s19+s30], $0x80, s30, s30, $0xb8;
	[tilespmem:$0x1C880] =	vst v63  }
0xf8: {  	_ =	swait.ge [sflag:s29], $0x4000  }
0xf9: {  	[sflag:s29] =	ssyncset.done $0x0  }
0xfa: {  	[sflag:s29] =	ssyncadd.s32 $0xFFFFC000  }
0xfb: {  	_ =	swait.ge [sflag:s7], $0x80  }
0xfc: {  	[sflag:s7] =	ssyncset.done $0x0  }
0xfd: {  	[sflag:s7] =	ssyncadd.s32 $0xFFFFFF80  }
0xfe: {  	[spmem:s1] =	stream.indirect.scatter.add.f32 [tilespmem:s28], [sflag:$0x3], $0x80, s13, s30, $0xb8;
	[tilespmem:$0x1C880] =	vst v63  }
0xff: {  	s20 =	sadd.s32 s16, s18  }
0x100: {  	[spmem:s2] =	stream.indirect.scatter.add.f32 [tilespmem:s8], [sflag:$0x3], $0x1, s13, s30, $0xb8;
	[tilespmem:$0x1C880] =	vst v63  }
0x101: {  	s15 =	sadd.s32 $0x4E0, s20  }
0x102: {  	[tilespmem:s3], [sflag:$0x5] =	stream.linear.gather [hbm4b:s15+s3], $0x80, $0x38;
	[tilespmem:$0x1C880] =	vst v63  }
0x103: {  	_ =	swait.ge [sflag:s0], $0x80  }
0x104: {  	[sflag:s0] =	ssyncset.done $0x0  }
0x105: {  	[sflag:s0] =	ssyncadd.s32 $0xFFFFFF80  }
0x106: {  	v3 =	vld [tilespmem:$0x70]  }
0x107: {  	v4 =	vld [tilespmem:$0x60]  }
0x108: {  	v5 =	vld [tilespmem:$0x10]  }
0x109: {  	v6 =	vld [tilespmem:$0x30]  }
0x10a: {  	v7 =	vld [tilespmem:$0x50]  }
0x10b: {  	v8 =	vld [tilespmem:$0x0];
	v3 =	vadd.s32 v0, v3  }
0x10c: {  	v9 =	vld [tilespmem:$0x20];
	v4 =	vadd.s32 v0, v4;
	[tilespmem:$0x70] =	vst v3  }
0x10d: {  	v3 =	vadd.s32 v0, v5;
	v5 =	vld [tilespmem:$0x40];
	[tilespmem:$0x60] =	vst v4  }
0x10e: {  	[tilespmem:$0x10] =	vst v3;
	v3 =	vadd.s32 v0, v6  }
0x10f: {  	[tilespmem:$0x30] =	vst v3;
	v3 =	vadd.s32 v0, v7  }
0x110: {  	v4 =	vadd.s32 v0, v8;
	[tilespmem:$0x50] =	vst v3  }
0x111: {  	[tilespmem:$0x0] =	vst v4;
	v3 =	vadd.s32 v0, v9  }
0x112: {  	[tilespmem:$0x20] =	vst v3;
	v3 =	vadd.s32 v0, v5  }
0x113: {  	[tilespmem:$0x40] =	vst v3  }
0x114: {  	_ =	swait.ge [sflag:s9], $0x4000  }
0x115: {  	[sflag:s9] =	ssyncset.done $0x0  }
0x116: {  	[sflag:s9] =	ssyncadd.s32 $0xFFFFC000  }
0x117: {  	_ =	swait.ge [sflag:s9], $0x80  }
0x118: {  	s15 =	sadd.s32 s16, s17;
	[sflag:s9] =	ssyncset.done $0x0  }
0x119: {  	s16 =	sadd.s32 $0x4E0, s15;
	[sflag:s9] =	ssyncadd.s32 $0xFFFFFF80  }
0x11a: {  	[tilespmem:s13], [sflag:$0x7] =	stream.linear.gather [hbm4b:s16+s3], $0x80, $0x38;
	[tilespmem:$0x1C880] =	vst v63  }
0x11b: {  	_ = 	snop  }
0x11c: {  	[tilespmem:s28], [sflag:$0x1] =	stream.indirect.gather [hbm4b:s19+s30], $0x80, s3, s30, $0xb8;
	[tilespmem:$0x1C880] =	vst v63  }
0x11d: {  	_ =	swait.ge [sflag:s10], $0x4000  }
0x11e: {  	[sflag:s10] =	ssyncset.done $0x0  }
0x11f: {  	[sflag:s10] =	ssyncadd.s32 $0xFFFFC000  }
0x120: {  	_ =	swait.ge [sflag:s11], $0x80  }
0x121: {  	[sflag:s11] =	ssyncset.done $0x0  }
0x122: {  	[sflag:s11] =	ssyncadd.s32 $0xFFFFFF80  }
0x123: {  	[spmem:s1] =	stream.indirect.scatter.add.f32 [tilespmem:s6], [sflag:$0x4], $0x80, s4, s30, $0xb8;
	[tilespmem:$0x1C880] =	vst v63  }
0x124: {  	_ = 	snop  }
0x125: {  	[spmem:s2] =	stream.indirect.scatter.add.f32 [tilespmem:s8], [sflag:$0x4], $0x1, s4, s30, $0xb8;
	[tilespmem:$0x1C880] =	vst v63  }
.Ltmp1:
0x126: {  	s16 =	sadd.s32 $0x4F0, s20;
	(pc) =	sbr.rel @p1 .LBB2_4-.Ltmp1, $4  }
0x127: {  	[tilespmem:s30], [sflag:$0x6] =	stream.linear.gather [hbm4b:s16+s3], $0x80, $0x38;
	[tilespmem:$0x1C880] =	vst v63  }
0x128: {  	_ =	swait.ge [sflag:s5], $0x80  }
0x129: {  	[sflag:s5] =	ssyncset.done $0x0  }
0x12a: {  	[sflag:s5] =	ssyncadd.s32 $0xFFFFFF80  }
0x12b: {  	v3 =	vld [tilespmem:$0xF0]  }
0x12c: {  	v4 =	vld [tilespmem:$0xE0]  }
0x12d: {  	v5 =	vld [tilespmem:$0xD0]  }
0x12e: {  	v6 =	vld [tilespmem:$0xC0]  }
0x12f: {  	v7 =	vld [tilespmem:$0xB0]  }
0x130: {  	v8 =	vld [tilespmem:$0xA0];
	v3 =	vadd.s32 v0, v3  }
0x131: {  	v9 =	vld [tilespmem:$0x90];
	v4 =	vadd.s32 v0, v4;
	[tilespmem:$0xF0] =	vst v3  }
0x132: {  	v5 =	vadd.s32 v0, v5;
	v3 =	vld [tilespmem:$0x80];
	[tilespmem:$0xE0] =	vst v4  }
0x133: {  	v60 =	vadd.s32 v0, v6;
	[tilespmem:$0xD0] =	vst v5  }
0x134: {  	v61 =	vadd.s32 v0, v7;
	[tilespmem:$0xC0] =	vst v60  }
0x135: {  	v62 =	vadd.s32 v0, v8;
	[tilespmem:$0xB0] =	vst v61  }
0x136: {  	v63 =	vadd.s32 v0, v9;
	[tilespmem:$0xA0] =	vst v62  }
0x137: {  	[tilespmem:$0x90] =	vst v63;
	v3 =	vadd.s32 v0, v3  }
0x138: {  	[tilespmem:$0x80] =	vst v3  }
0x139: {  	_ =	swait.ge [sflag:s12], $0x4000  }
0x13a: {  	[sflag:s12] =	ssyncset.done $0x0  }
0x13b: {  	[sflag:s12] =	ssyncadd.s32 $0xFFFFC000  }
0x13c: {  	_ =	swait.ge [sflag:s12], $0x80  }
0x13d: {  	[sflag:s12] =	ssyncset.done $0x0  }
0x13e: {  	s14 =	sadd.s32 $0x4F0, s15;
	[sflag:s12] =	ssyncadd.s32 $0xFFFFFF80  }
0x13f: {  	[tilespmem:s4], [sflag:$0x8] =	stream.linear.gather [hbm4b:s14+s3], $0x80, $0x38;
	[tilespmem:$0x1C880] =	vst v63  }
0x140: {  	_ = 	snop  }
0x141: {  	[tilespmem:s6], [sflag:$0x2] =	stream.indirect.gather [hbm4b:s19+s30], $0x80, s30, s30, $0xb8;
	[tilespmem:$0x1C880] =	vst v63  }
0x142: {  	_ =	swait.ge [sflag:s29], $0x4000  }
0x143: {  	[sflag:s29] =	ssyncset.done $0x0  }
0x144: {  	[sflag:s29] =	ssyncadd.s32 $0xFFFFC000  }
0x145: {  	_ =	swait.ge [sflag:s7], $0x80  }
0x146: {  	[sflag:s7] =	ssyncset.done $0x0  }
0x147: {  	[sflag:s7] =	ssyncadd.s32 $0xFFFFFF80  }
0x148: {  	[spmem:s1] =	stream.indirect.scatter.add.f32 [tilespmem:s28], [sflag:$0x3], $0x80, s13, s30, $0xb8;
	[tilespmem:$0x1C880] =	vst v63  }
0x149: {  	_ = 	snop  }
0x14a: {  	[spmem:s2] =	stream.indirect.scatter.add.f32 [tilespmem:s8], [sflag:$0x3], $0x1, s13, s30, $0xb8;
	[tilespmem:$0x1C880] =	vst v63  }
0x14b: {  	_ =	swait.ge [sflag:s9], $0x4000  }
0x14c: {  	[sflag:s9] =	ssyncset.done $0x0  }
0x14d: {  	[sflag:s9] =	ssyncadd.s32 $0xFFFFC000  }
0x14e: {  	_ =	swait.ge [sflag:s9], $0x80  }
0x14f: {  	[sflag:s9] =	ssyncset.done $0x0  }
0x150: {  	[sflag:s9] =	ssyncadd.s32 $0xFFFFFF80  }
0x151: {  	_ =	swait.ge [sflag:s10], $0x4000  }
0x152: {  	[sflag:s10] =	ssyncset.done $0x0  }
0x153: {  	[sflag:s10] =	ssyncadd.s32 $0xFFFFC000  }
0x154: {  	_ =	swait.ge [sflag:s11], $0x80  }
0x155: {  	[sflag:s11] =	ssyncset.done $0x0  }
0x156: {  	[sflag:s11] =	ssyncadd.s32 $0xFFFFFF80  }
0x157: {  	[spmem:s1] =	stream.indirect.scatter.add.f32 [tilespmem:s6], [sflag:$0x4], $0x80, s4, s30, $0xb8;
	[tilespmem:$0x1C880] =	vst v63  }
0x158: {  	_ = 	snop  }
0x159: {  	[spmem:s2] =	stream.indirect.scatter.add.f32 [tilespmem:s8], [sflag:$0x4], $0x1, s4, s30, $0xb8;
	[tilespmem:$0x1C880] =	vst v63  }
0x15a: {  	_ =	swait.ge [sflag:s12], $0x4000  }
0x15b: {  	[sflag:s12] =	ssyncset.done $0x0  }
0x15c: {  	[sflag:s12] =	ssyncadd.s32 $0xFFFFC000  }
0x15d: {  	_ =	swait.ge [sflag:s12], $0x80  }
0x15e: {  	[sflag:s12] =	ssyncset.done $0x0  }
0x15f: {  	s15 =	simm.s32 $0x8200;
	s16 =	rddreg [dreg:$0x11];
	[sflag:s12] =	ssyncadd.s32 $0xFFFFFF80  }
0x160: {  	[tilespmem:s15], [sflag:$0x9] =	stream.linear.gather [hbm4b:s16+s3], $0x10, $0x38;
	[tilespmem:$0x1C880] =	vst v63  }
0x161: {  	_ =	swait.ge [sflag:s31], $0x10  }
0x162: {  	[sflag:s31] =	ssyncset.done $0x0  }
0x163: {  	s16 =	simm.s32 $0x8280;
	s20 =	rddreg [dreg:$0x12];
	[sflag:s31] =	ssyncadd.s32 $0xFFFFFFF0  }
0x164: {  	[tilespmem:s16], [sflag:$0x9] =	stream.linear.gather [hbm4b:s20+s3], $0x10, $0x38;
	[tilespmem:$0x1C880] =	vst v63  }
0x165: {  	_ =	swait.ge [sflag:s31], $0x10  }
0x166: {  	[sflag:s31] =	ssyncset.done $0x0  }
0x167: {  	[sflag:s31] =	ssyncadd.s32 $0xFFFFFFF0  }
0x168: {  	v3 =	vld [tilespmem:$0x8200];
	_ =	sdelay $0x4  }
0x169: {  	v3 =	vadd.s32 v0, v3  }
0x16a: {  	s20 =	simm.s32 $0x10;
	[tilespmem:$0x8200] =	vst v3  }
0x16b: {  	[tilespmem:s28], [sflag:$0x1] =	stream.indirect.gather [hbm4b:s19+s20], $0x80, s15, s20, $0xb8;
	[tilespmem:$0x1C880] =	vst v63  }
0x16c: {  	_ =	swait.ge [sflag:s29], $0x800  }
0x16d: {  	[sflag:s29] =	ssyncset.done $0x0  }
0x16e: {  	[sflag:s29] =	ssyncadd.s32 $0xFFFFF800  }
0x16f: {  	[spmem:s1] =	stream.indirect.scatter.add.f32 [tilespmem:s28], [sflag:$0x9], $0x80, s16, s20, $0xb8;
	[tilespmem:$0x1C880] =	vst v63  }
0x170: {  	_ =	swait.ge [sflag:s31], $0x800  }
0x171: {  	[sflag:s31] =	ssyncset.done $0x0  }
0x172: {  	[sflag:s31] =	ssyncadd.s32 $0xFFFFF800  }
0x173: {  	[spmem:s2] =	stream.indirect.scatter.add.f32 [tilespmem:s8], [sflag:$0x9], $0x1, s16, s20, $0xb8;
	[tilespmem:$0x1C880] =	vst v63  }
0x174: {  	_ =	swait.ge [sflag:s31], $0x10  }
0x175: {  	[sflag:s31] =	ssyncset.done $0x0  }
0x176: {  	[sflag:s31] =	ssyncadd.s32 $0xFFFFFFF0  }
0x177: {  	[bflag:$0x0] =	sbarrier.arrive $0xFFFF  }
0x178: {  	s20 =	rddreg [dreg:$0x13]  }
0x179: {  	[tilespmem:s28], [sflag:$0x1] =	stream.linear.gather [spmem:s20], $0x4000, $0x38;
	[tilespmem:$0x1C880] =	vst v63  }
0x17a: {  	_ =	swait.ge [sflag:s29], $0x4000  }
0x17b: {  	[sflag:s29] =	ssyncset.done $0x0  }
0x17c: {  	s15 =	rddreg [dreg:$0xa];
	[sflag:s29] =	ssyncadd.s32 $0xFFFFC000  }
0x17d: {  	[hbm4b:s15+s3] =	stream.linear.scatter [tilespmem:s28], [sflag:$0x3], $0x4000, $0x38;
	[tilespmem:$0x1C880] =	vst v63  }
0x17e: {  	_ = 	snop  }
0x17f: {  	[tilespmem:s6], [sflag:$0x2] =	stream.linear.gather [spmem:s21], $0x4000, $0x38;
	[tilespmem:$0x1C880] =	vst v63  }
0x180: {  	_ =	swait.ge [sflag:s10], $0x4000  }
0x181: {  	[sflag:s10] =	ssyncset.done $0x0  }
0x182: {  	s16 =	rddreg [dreg:$0xb];
	[sflag:s10] =	ssyncadd.s32 $0xFFFFC000  }
0x183: {  	[hbm4b:s16+s3] =	stream.linear.scatter [tilespmem:s6], [sflag:$0x4], $0x4000, $0x38;
	[tilespmem:$0x1C880] =	vst v63  }
0x184: {  	_ =	swait.ge [sflag:s9], $0x4000  }
0x185: {  	[sflag:s9] =	ssyncset.done $0x0  }
0x186: {  	[sflag:s9] =	ssyncadd.s32 $0xFFFFC000  }
0x187: {  	[tilespmem:s28], [sflag:$0x1] =	stream.linear.gather [spmem:s22], $0x4000, $0x38;
	[tilespmem:$0x1C880] =	vst v63  }
0x188: {  	_ =	swait.ge [sflag:s29], $0x4000  }
0x189: {  	[sflag:s29] =	ssyncset.done $0x0  }
0x18a: {  	s20 =	rddreg [dreg:$0xc];
	[sflag:s29] =	ssyncadd.s32 $0xFFFFC000  }
0x18b: {  	[hbm4b:s20+s3] =	stream.linear.scatter [tilespmem:s28], [sflag:$0x3], $0x4000, $0x38;
	[tilespmem:$0x1C880] =	vst v63  }
0x18c: {  	_ =	swait.ge [sflag:s12], $0x4000  }
0x18d: {  	[sflag:s12] =	ssyncset.done $0x0  }
0x18e: {  	[sflag:s12] =	ssyncadd.s32 $0xFFFFC000  }
0x18f: {  	[tilespmem:s6], [sflag:$0x2] =	stream.linear.gather [spmem:s23], $0x4000, $0x38;
	[tilespmem:$0x1C880] =	vst v63  }
0x190: {  	_ =	swait.ge [sflag:s10], $0x4000  }
0x191: {  	[sflag:s10] =	ssyncset.done $0x0  }
0x192: {  	s15 =	rddreg [dreg:$0xd];
	[sflag:s10] =	ssyncadd.s32 $0xFFFFC000  }
0x193: {  	[hbm4b:s15+s3] =	stream.linear.scatter [tilespmem:s6], [sflag:$0x4], $0x4000, $0x38;
	[tilespmem:$0x1C880] =	vst v63  }
0x194: {  	_ =	swait.ge [sflag:s9], $0x4000  }
0x195: {  	[sflag:s9] =	ssyncset.done $0x0  }
0x196: {  	[sflag:s9] =	ssyncadd.s32 $0xFFFFC000  }
0x197: {  	[tilespmem:s28], [sflag:$0x1] =	stream.linear.gather [spmem:s24], $0x4000, $0x38;
	[tilespmem:$0x1C880] =	vst v63  }
0x198: {  	_ =	swait.ge [sflag:s29], $0x4000  }
0x199: {  	[sflag:s29] =	ssyncset.done $0x0  }
0x19a: {  	s16 =	rddreg [dreg:$0xe];
	[sflag:s29] =	ssyncadd.s32 $0xFFFFC000  }
0x19b: {  	[hbm4b:s16+s3] =	stream.linear.scatter [tilespmem:s28], [sflag:$0x3], $0x4000, $0x38;
	[tilespmem:$0x1C880] =	vst v63  }
0x19c: {  	_ =	swait.ge [sflag:s12], $0x4000  }
0x19d: {  	[sflag:s12] =	ssyncset.done $0x0  }
0x19e: {  	[sflag:s12] =	ssyncadd.s32 $0xFFFFC000  }
0x19f: {  	_ =	swait.ge [sflag:s9], $0x4000  }
0x1a0: {  	[sflag:s9] =	ssyncset.done $0x0  }
0x1a1: {  	s14 =	simm.s32 @!p0 $0x8380;
	s15 =	simm.s32 @!p0 $0x9;
	[sflag:s9] =	ssyncadd.s32 $0xFFFFC000  }
0x1a2: {  	[tilespmem:s14], [sflag:$0x9] =	stream.linear.gather @!p0 [spmem:s25], $0x280, $0x38;
	[tilespmem:$0x1C880] =	vst v63  }
0x1a3: {  	_ =	swait.ge @!p0 [sflag:s15], $0x280  }
0x1a4: {  	[sflag:s15] =	ssyncset.done @!p0 $0x0  }
0x1a5: {  	s16 =	simm.s32 @!p0 $0x0;
	s20 =	rddreg [dreg:$0xf];
	[sflag:s15] =	ssyncadd.s32 @!p0 $0xFFFFFD80  }
0x1a6: {  	[hbm4b:s20+s16] =	stream.linear.scatter @!p0 [tilespmem:s14], [sflag:$0x9], $0x280, $0x38;
	[tilespmem:$0x1C880] =	vst v63  }
0x1a7: {  	_ =	swait.ge @!p0 [sflag:s15], $0x280  }
0x1a8: {  	s26 =	sadd.s32 $0x1, s26;
	s20 =	rddreg [dreg:$0x14]  }
0x1a9: {  	p1 =	sne.s32 s26, s20  }
.Ltmp2:
0x1aa: {  	_ = 	snop;
	(pc) =	sbr.rel @p1 .LBB2_1-.Ltmp2, $3  }
0x1ab: {  	_ =	sdelay $0x1  }
0x1ac: {  	[sflag:s15] =	ssyncset.done @!p0 $0x0  }
0x1ad: {  	[sflag:s15] =	ssyncadd.s32 @!p0 $0xFFFFFD80  }
0x1ae: {  	_ =	sfence.sel $0x180000  }
0x1af: {  	[bflag:$0x0] =	sbarrier.arrive $0xFFFF  }
0x1b0: {  	_ =	strace $0x90000047  }
0x1b1: {  	s0 =	stileid.u32;
	[bflag:$0x2] =	sbarrier.arrive $0xFFFF  }
0x1b2: {  	p0 =	sne.s32 s0, $0x0;
	s0 =	rddreg [dreg:$0x6]  }
0x1b3: {  	s0 =	sadd.s32 @!p0 $0x100000, s0  }
0x1b4: {  	[sflag:s0] =	ssyncadd.tile.s32 @!p0 $0x1;
	_ =	shalt  }
.Lfunc_end2:
_tile_overlayer_lowered:
.L_overlay_start_2:
0x1b5: {  	(tag) =	ssettag $0x2  }
0x1b6: {  	s0 =	rddreg [dreg:$0x0];
	s2 =	stileid.u32  }
0x1b7: {  	s1 =	rddreg [dreg:$0x1];
	p0 =	sne.s32 s2, $0x0  }
0x1b8: {  	s3 =	rddreg [dreg:$0x2];
	[bflag:$0x3] =	sbarrier.arrive $0xFFFF;
	s2 =	simm.s32 @!p0 $0x1C09  }
0x1b9: {  	[timem:s3], [sflag:s2] =	dma.local @!p0 [hbm:s0], s1  }
0x1ba: {  	s0 =	simm.s32 @!p0 $0x9  }
0x1bb: {  	_ =	swait.ge @!p0 [sflag:s0], s1  }
0x1bc: {  	s1 =	ssub.s32 @!p0 $0x0, s1;
	[sflag:s0] =	ssyncset.done @!p0 $0x0  }
0x1bd: {  	[sflag:s0] =	ssyncadd.s32 @!p0 s1  }
0x1be: {  	[bflag:$0x3] =	sbarrier.arrive $0xFFFF  }
0x1bf: {  	_ =	shalt  }

</sc_bundles>
